<compile_context>
chip_gen: v7x
topology: tpu7x:2x2x1
jax: 0.10.2.dev20260603
libtpu: 0.0.44.dev20260713+nightly
codegen_flags: <defaults>
</compile_context>

<pallas_src>
import dataclasses
import functools

import jax
import jax.numpy as jnp
from jax import lax
from jax.experimental import pallas as pl
from jax.experimental.pallas import tpu as pltpu
from jax.experimental.pallas import tpu_sc as plsc

N_CORES = 2
N_SUBCORES = 16
NW = N_CORES * N_SUBCORES
LANES = 16
CHUNK = 512
SUP = 2048
CPS = SUP // CHUNK
NBUF = 4
TPAD = 640
REC = 8


def _rsqrt_f32(s):
    i = plsc.bitcast(s, jnp.int32)
    i = jnp.int32(0x5F3759DF) - lax.shift_right_logical(i, 1)
    y = plsc.bitcast(i, jnp.float32)
    half_s = s * 0.5
    for _ in range(3):
        y = y * (1.5 - half_s * y * y)
    return y


@functools.lru_cache(maxsize=None)
def _build_sc_kernel(n_edges: int):
    nsup = n_edges // SUP
    nper = (nsup + NW - 1) // NW
    npair = (nper + 1) // 2

    mesh = plsc.VectorSubcoreMesh(core_axis_name="c", subcore_axis_name="s")
    cp = pltpu.CompilerParams()
    if "needs_layout_passes" in pltpu.CompilerParams.__dataclass_fields__:
        cp = dataclasses.replace(cp, needs_layout_passes=False)
    if "use_tc_tiling_on_sc" in pltpu.CompilerParams.__dataclass_fields__:
        cp = dataclasses.replace(cp, use_tc_tiling_on_sc=False)

    @functools.partial(
        pl.kernel,
        out_type=jax.ShapeDtypeStruct((n_edges,), jnp.float32),
        mesh=mesh,
        compiler_params=cp,
        scratch_types=[
            pltpu.VMEM((2 * SUP,), jnp.int32),
            pltpu.VMEM((2 * SUP,), jnp.int32),
            pltpu.VMEM((NBUF * CHUNK, REC), jnp.float32),
            pltpu.VMEM((NBUF * CHUNK, REC), jnp.float32),
            pltpu.VMEM((2 * SUP,), jnp.float32),
            pltpu.VMEM((TPAD,), jnp.float32),
            pltpu.VMEM((TPAD,), jnp.float32),
            pltpu.SemaphoreType.DMA((2,)),
            pltpu.SemaphoreType.DMA((NBUF,)),
            pltpu.SemaphoreType.DMA((2,)),
        ],
    )
    def sc_kernel(nodes_hbm, map_hbm, x0_hbm, k_hbm, out_hbm,
                  sidx_v, didx_v, srec_v, drec_v, out_v, x0_v, k_v,
                  sem_i, sem_r, sem_o):
        wid = lax.axis_index("s") * N_CORES + lax.axis_index("c")
        pltpu.sync_copy(x0_hbm, x0_v)
        pltpu.sync_copy(k_hbm, k_v)

        lane_iota = lax.iota(jnp.int32, LANES)
        cols = [jnp.full((LANES,), c, jnp.int32) for c in range(4)]

        def fire_idx(blk, slot):
            pltpu.async_copy(map_hbm.at[0, pl.ds(blk * SUP, SUP)],
                             sidx_v.at[pl.ds(slot * SUP, SUP)], sem_i.at[slot])
            pltpu.async_copy(map_hbm.at[1, pl.ds(blk * SUP, SUP)],
                             didx_v.at[pl.ds(slot * SUP, SUP)], sem_i.at[slot])

        def wait_idx(slot):
            pltpu.make_async_copy(map_hbm.at[0, pl.ds(0, SUP)],
                                  sidx_v.at[pl.ds(slot * SUP, SUP)],
                                  sem_i.at[slot]).wait()
            pltpu.make_async_copy(map_hbm.at[1, pl.ds(0, SUP)],
                                  didx_v.at[pl.ds(slot * SUP, SUP)],
                                  sem_i.at[slot]).wait()

        def fire_gather(slot, row, buf):
            pltpu.async_copy(
                nodes_hbm.at[sidx_v.at[pl.ds(slot * SUP + row * CHUNK, CHUNK)]],
                srec_v.at[pl.ds(buf * CHUNK, CHUNK)], sem_r.at[buf])
            pltpu.async_copy(
                nodes_hbm.at[didx_v.at[pl.ds(slot * SUP + row * CHUNK, CHUNK)]],
                drec_v.at[pl.ds(buf * CHUNK, CHUNK)], sem_r.at[buf])

        def wait_gather(buf):
            pltpu.make_async_copy(nodes_hbm.at[sidx_v.at[pl.ds(0, CHUNK)]],
                                  srec_v.at[pl.ds(buf * CHUNK, CHUNK)],
                                  sem_r.at[buf]).wait()
            pltpu.make_async_copy(nodes_hbm.at[sidx_v.at[pl.ds(0, CHUNK)]],
                                  drec_v.at[pl.ds(buf * CHUNK, CHUNK)],
                                  sem_r.at[buf]).wait()

        def compute_chunk(slot, c, buf):
            base = buf * CHUNK

            @pl.loop(0, CHUNK, step=LANES)
            def _(j):
                rows = base + j + lane_iota
                sx = plsc.load_gather(srec_v, [rows, cols[0]])
                sy = plsc.load_gather(srec_v, [rows, cols[1]])
                sz = plsc.load_gather(srec_v, [rows, cols[2]])
                st = plsc.load_gather(srec_v, [rows, cols[3]])
                dx_ = plsc.load_gather(drec_v, [rows, cols[0]])
                dy_ = plsc.load_gather(drec_v, [rows, cols[1]])
                dz_ = plsc.load_gather(drec_v, [rows, cols[2]])
                dt = plsc.load_gather(drec_v, [rows, cols[3]])
                ex = dx_ - sx
                ey = dy_ - sy
                ez = dz_ - sz
                s = ex * ex + ey * ey + ez * ez + 1e-12
                d = s * _rsqrt_f32(s)
                t0 = st.astype(jnp.int32)
                t1 = dt.astype(jnp.int32)
                pidx = t0 * 25 + t1
                x0 = plsc.load_gather(x0_v, [pidx])
                kk = plsc.load_gather(k_v, [pidx])
                u = d - x0
                out_v[pl.ds(slot * SUP + c * CHUNK + j, LANES)] = kk * u * u

        def do_super(blk, blk_is_valid, slot):
            nxt = blk + NW

            @pl.when(blk_is_valid)
            def _():
                @pl.when((blk - 2 * NW >= 0) & (blk - 2 * NW < nsup))
                def _():
                    pltpu.make_async_copy(
                        out_v.at[pl.ds(slot * SUP, SUP)],
                        out_hbm.at[pl.ds(0, SUP)], sem_o.at[slot]).wait()

                nxt_valid = nxt < nsup
                for c in range(CPS):
                    buf = c % NBUF
                    wait_gather(buf)
                    compute_chunk(slot, c, buf)
                    if c + NBUF < CPS:
                        fire_gather(slot, c + NBUF, buf)
                    else:
                        if c + NBUF == CPS:
                            @pl.when(nxt_valid)
                            def _():
                                wait_idx(1 - slot)

                        @pl.when(nxt_valid)
                        def _():
                            fire_gather(1 - slot, c + NBUF - CPS, buf)

                pltpu.async_copy(out_v.at[pl.ds(slot * SUP, SUP)],
                                 out_hbm.at[pl.ds(blk * SUP, SUP)],
                                 sem_o.at[slot])
                @pl.when(blk + 2 * NW < nsup)
                def _():
                    fire_idx(blk + 2 * NW, slot)

        fire_idx(wid, 0)
        fire_idx(wid + NW, 1)
        wait_idx(0)
        for b in range(NBUF):
            fire_gather(0, b, b)

        @pl.loop(0, npair)
        def _(p):
            i0 = 2 * p
            blk0 = i0 * NW + wid
            do_super(blk0, blk0 < nsup, 0)
            blk1 = (i0 + 1) * NW + wid
            do_super(blk1, blk1 < nsup, 1)

        for slot in range(2):
            pltpu.make_async_copy(out_v.at[pl.ds(slot * SUP, SUP)],
                                  out_hbm.at[pl.ds(0, SUP)],
                                  sem_o.at[slot]).wait()

    return sc_kernel


def kernel(pos, mapping, atom_types, x0_table, k_table):
    n_edges = mapping.shape[1]
    t_f = atom_types.astype(jnp.float32)
    nodes = jnp.concatenate(
        [pos, t_f[:, None],
         jnp.zeros((pos.shape[0], REC - 4), jnp.float32)], axis=1)
    x0f = jnp.zeros((TPAD,), jnp.float32).at[:625].set(x0_table.reshape(-1))
    kf = jnp.zeros((TPAD,), jnp.float32).at[:625].set(k_table.reshape(-1))
    return _build_sc_kernel(n_edges)(nodes, mapping, x0f, kf)

# --- scband reference (transcript-rebuilt; emitter-appended) ---
"""Pipeline reference for scband-harmonic-24094766531321 (READ-ONLY COPY).

The authoritative reference and input builder live on the scoring server;
editing this copy changes nothing except your own understanding.
"""

import jax, jax.numpy as jnp
import numpy as np

N_NODES = 100000
N_EDGES = 6400000
N_TYPES = 25


def setup_inputs(seed: int = 0) -> dict:
    key = jax.random.key(seed)
    k1, k2, k3, k4, k5 = jax.random.split(key, 5)
    # Atom positions (like data.pos)
    pos = jax.random.normal(k1, (N_NODES, 3), dtype=jnp.float32) * 10.0
    # Bond index mapping (order=2): [2, E], values in [0, N_NODES)
    mapping = jax.random.randint(k2, (2, N_EDGES), 0, N_NODES, dtype=jnp.int32)
    # Per-atom types, values in [0, N_TYPES)
    atom_types = jax.random.randint(k3, (N_NODES,), 0, N_TYPES, dtype=jnp.int32)
    # Registered buffers built from `statistics` in __init__: x_0 and k lookup tables
    x0_table = jax.random.uniform(k4, (N_TYPES, N_TYPES), dtype=jnp.float32, minval=0.5, maxval=2.0)
    k_table = jax.random.uniform(k5, (N_TYPES, N_TYPES), dtype=jnp.float32, minval=10.0, maxval=200.0)
    return {
        "pos": pos,
        "mapping": mapping,
        "atom_types": atom_types,
        "x0_table": x0_table,
        "k_table": k_table,
    }


def reference(pos, mapping, atom_types, x0_table, k_table):
    # data2features: compute_distances(pos, mapping) for order=2 bonds
    src = mapping[0]
    dst = mapping[1]
    diff = pos[dst] - pos[src]                      # gather: [E, 3]
    features = jnp.sqrt(jnp.sum(diff * diff, axis=-1) + 1e-12)  # [E]
    # interaction_types = [atom_types[mapping[ii]] for ii in range(order)]
    t0 = atom_types[src]                            # gather: [E]
    t1 = atom_types[dst]                            # gather: [E]
    # x_0[interaction_types], k[interaction_types] -> advanced indexing into [T, T] tables
    x0 = x0_table[t0, t1]                           # [E]
    kk = k_table[t0, t1]                            # [E]
    # Harmonic.eval(x, x0, k, V0=0): k * (x - x0)**2 + V0
    return kk * (features - x0) ** 2

if __name__ == "__main__":
    import jax
    _d = setup_inputs()
    print(jax.jit(kernel)(*tuple(_d.values())))

</pallas_src>

<mosaic_0001>
#map = affine_map<(d0, d1) -> (0, 0)>
#map1 = affine_map<(d0, d1) -> (0)>
module attributes {stable_mosaic.version = 14 : i64} {
  func.func @sc_kernel(%arg0: i32, %arg1: i32, %arg2: memref<100000x8xf32, #tpu.memory_space<hbm>>, %arg3: memref<2x6400000xi32, #tpu.memory_space<hbm>>, %arg4: memref<640xf32, #tpu.memory_space<hbm>>, %arg5: memref<640xf32, #tpu.memory_space<hbm>>, %arg6: memref<6400000xf32, #tpu.memory_space<hbm>>, %arg7: memref<4096xi32, #tpu.memory_space<vmem>>, %arg8: memref<4096xi32, #tpu.memory_space<vmem>>, %arg9: memref<2048x8xf32, #tpu.memory_space<vmem>>, %arg10: memref<2048x8xf32, #tpu.memory_space<vmem>>, %arg11: memref<4096xf32, #tpu.memory_space<vmem>>, %arg12: memref<640xf32, #tpu.memory_space<vmem>>, %arg13: memref<640xf32, #tpu.memory_space<vmem>>, %arg14: memref<2x!tpu.dma_semaphore, #tpu.memory_space<semaphore_mem>>, %arg15: memref<4x!tpu.dma_semaphore, #tpu.memory_space<semaphore_mem>>, %arg16: memref<2x!tpu.dma_semaphore, #tpu.memory_space<semaphore_mem>>) attributes {dimension_semantics = [#tpu.dimension_semantics<core_parallel>, #tpu.dimension_semantics<subcore_parallel>], iteration_bounds = array<i64: 2, 16>, scalar_prefetch = 0 : i64, scratch_operands = 10 : i64, tpu.core_type = #tpu.core_type<sc_vector_subcore>, window_params = [{transform_indices = #map}, {transform_indices = #map}, {transform_indices = #map1}, {transform_indices = #map1}, {transform_indices = #map1}]} {
    %mul3A = arith.constant 2 : i32
    %mul3A_0 = arith.muli %arg1, %mul3A : i32
    %add3A = arith.addi %mul3A_0, %arg0 : i32
    "tpu.region"() ({
      %run_scoped3A = tpu.sem_alloc : memref<!tpu.dma_semaphore, #tpu.memory_space<semaphore_mem>>
      tpu.enqueue_dma source(%arg4 : memref<640xf32, #tpu.memory_space<hbm>>) target(%arg12 : memref<640xf32, #tpu.memory_space<vmem>>) target_semaphore(%run_scoped3A : memref<!tpu.dma_semaphore, #tpu.memory_space<semaphore_mem>>)
      tpu.wait_dma2 semaphore(%run_scoped3A : memref<!tpu.dma_semaphore, #tpu.memory_space<semaphore_mem>>) src(%arg4 : memref<640xf32, #tpu.memory_space<hbm>>) dst(%arg12 : memref<640xf32, #tpu.memory_space<vmem>>)
      tpu.yield
    }) : () -> ()
    "tpu.region"() ({
      %run_scoped3A = tpu.sem_alloc : memref<!tpu.dma_semaphore, #tpu.memory_space<semaphore_mem>>
      tpu.enqueue_dma source(%arg5 : memref<640xf32, #tpu.memory_space<hbm>>) target(%arg13 : memref<640xf32, #tpu.memory_space<vmem>>) target_semaphore(%run_scoped3A : memref<!tpu.dma_semaphore, #tpu.memory_space<semaphore_mem>>)
      tpu.wait_dma2 semaphore(%run_scoped3A : memref<!tpu.dma_semaphore, #tpu.memory_space<semaphore_mem>>) src(%arg5 : memref<640xf32, #tpu.memory_space<hbm>>) dst(%arg13 : memref<640xf32, #tpu.memory_space<vmem>>)
      tpu.yield
    }) : () -> ()
    %iota3A = tpu.iota {dimensions = array<i32: 0>} : vector<16xi32>
    %broadcast_in_dim3A = arith.constant 0 : i32
    %broadcast_in_dim3A_1 = vector.broadcast %broadcast_in_dim3A : i32 to vector<16xi32>
    %broadcast_in_dim3A_2 = arith.constant 1 : i32
    %broadcast_in_dim3A_3 = vector.broadcast %broadcast_in_dim3A_2 : i32 to vector<16xi32>
    %broadcast_in_dim3A_4 = arith.constant 2 : i32
    %broadcast_in_dim3A_5 = vector.broadcast %broadcast_in_dim3A_4 : i32 to vector<16xi32>
    %broadcast_in_dim3A_6 = arith.constant 3 : i32
    %broadcast_in_dim3A_7 = vector.broadcast %broadcast_in_dim3A_6 : i32 to vector<16xi32>
    %mul3A_8 = arith.constant 2048 : i32
    %mul3A_9 = arith.muli %add3A, %mul3A_8 : i32
    %dma_start3A = arith.constant 0 : i32
    %dma_start3A_10 = arith.constant 0 : i32
    %dma_start3A_11 = arith.constant 0 : i32
    %dma_start3A_12 = tpu.memref_slice %arg7[%dma_start3A_11] : memref<4096xi32, #tpu.memory_space<vmem>> -> memref<2048xi32, #tpu.memory_space<vmem>>
    %dma_start3A_13 = tpu.memref_slice %arg3[%dma_start3A, %mul3A_9] : memref<2x6400000xi32, #tpu.memory_space<hbm>> -> memref<1x2048xi32, #tpu.memory_space<hbm>>
    %dma_start3A_14 = tpu.memref_squeeze %dma_start3A_13 : memref<1x2048xi32, #tpu.memory_space<hbm>> -> memref<2048xi32, #tpu.memory_space<hbm>>
    %dma_start3A_15 = tpu.memref_slice %arg14[%dma_start3A_10] : memref<2x!tpu.dma_semaphore, #tpu.memory_space<semaphore_mem>> -> memref<1x!tpu.dma_semaphore, #tpu.memory_space<semaphore_mem>>
    %dma_start3A_16 = tpu.memref_squeeze %dma_start3A_15 : memref<1x!tpu.dma_semaphore, #tpu.memory_space<semaphore_mem>> -> memref<!tpu.dma_semaphore, #tpu.memory_space<semaphore_mem>>
    %dma_start3A_17 = arith.constant 0 : i32
    %dma_start3A_18 = tpu.memref_slice %arg7[%dma_start3A_17] : memref<4096xi32, #tpu.memory_space<vmem>> -> memref<2048xi32, #tpu.memory_space<vmem>>
    %dma_start3A_19 = tpu.memref_slice %arg3[%dma_start3A, %mul3A_9] : memref<2x6400000xi32, #tpu.memory_space<hbm>> -> memref<1x2048xi32, #tpu.memory_space<hbm>>
    %dma_start3A_20 = tpu.memref_squeeze %dma_start3A_19 : memref<1x2048xi32, #tpu.memory_space<hbm>> -> memref<2048xi32, #tpu.memory_space<hbm>>
    tpu.enqueue_dma source(%dma_start3A_20 : memref<2048xi32, #tpu.memory_space<hbm>>) target(%dma_start3A_18 : memref<2048xi32, #tpu.memory_space<vmem>>) target_semaphore(%dma_start3A_16 : memref<!tpu.dma_semaphore, #tpu.memory_space<semaphore_mem>>)
    %mul3A_21 = arith.constant 2048 : i32
    %mul3A_22 = arith.muli %add3A, %mul3A_21 : i32
    %dma_start3A_23 = arith.constant 1 : i32
    %dma_start3A_24 = arith.constant 0 : i32
    %dma_start3A_25 = arith.constant 0 : i32
    %dma_start3A_26 = tpu.memref_slice %arg8[%dma_start3A_25] : memref<4096xi32, #tpu.memory_space<vmem>> -> memref<2048xi32, #tpu.memory_space<vmem>>
    %dma_start3A_27 = tpu.memref_slice %arg3[%dma_start3A_23, %mul3A_22] : memref<2x6400000xi32, #tpu.memory_space<hbm>> -> memref<1x2048xi32, #tpu.memory_space<hbm>>
    %dma_start3A_28 = tpu.memref_squeeze %dma_start3A_27 : memref<1x2048xi32, #tpu.memory_space<hbm>> -> memref<2048xi32, #tpu.memory_space<hbm>>
    %dma_start3A_29 = tpu.memref_slice %arg14[%dma_start3A_24] : memref<2x!tpu.dma_semaphore, #tpu.memory_space<semaphore_mem>> -> memref<1x!tpu.dma_semaphore, #tpu.memory_space<semaphore_mem>>
    %dma_start3A_30 = tpu.memref_squeeze %dma_start3A_29 : memref<1x!tpu.dma_semaphore, #tpu.memory_space<semaphore_mem>> -> memref<!tpu.dma_semaphore, #tpu.memory_space<semaphore_mem>>
    %dma_start3A_31 = arith.constant 0 : i32
    %dma_start3A_32 = tpu.memref_slice %arg8[%dma_start3A_31] : memref<4096xi32, #tpu.memory_space<vmem>> -> memref<2048xi32, #tpu.memory_space<vmem>>
    %dma_start3A_33 = tpu.memref_slice %arg3[%dma_start3A_23, %mul3A_22] : memref<2x6400000xi32, #tpu.memory_space<hbm>> -> memref<1x2048xi32, #tpu.memory_space<hbm>>
    %dma_start3A_34 = tpu.memref_squeeze %dma_start3A_33 : memref<1x2048xi32, #tpu.memory_space<hbm>> -> memref<2048xi32, #tpu.memory_space<hbm>>
    tpu.enqueue_dma source(%dma_start3A_34 : memref<2048xi32, #tpu.memory_space<hbm>>) target(%dma_start3A_32 : memref<2048xi32, #tpu.memory_space<vmem>>) target_semaphore(%dma_start3A_30 : memref<!tpu.dma_semaphore, #tpu.memory_space<semaphore_mem>>)
    %add3A_35 = arith.constant 32 : i32
    %add3A_36 = arith.addi %add3A, %add3A_35 : i32
    %mul3A_37 = arith.constant 2048 : i32
    %mul3A_38 = arith.muli %add3A_36, %mul3A_37 : i32
    %dma_start3A_39 = arith.constant 0 : i32
    %dma_start3A_40 = arith.constant 1 : i32
    %dma_start3A_41 = arith.constant 2048 : i32
    %dma_start3A_42 = tpu.memref_slice %arg7[%dma_start3A_41] : memref<4096xi32, #tpu.memory_space<vmem>> -> memref<2048xi32, #tpu.memory_space<vmem>>
    %dma_start3A_43 = tpu.memref_slice %arg3[%dma_start3A_39, %mul3A_38] : memref<2x6400000xi32, #tpu.memory_space<hbm>> -> memref<1x2048xi32, #tpu.memory_space<hbm>>
    %dma_start3A_44 = tpu.memref_squeeze %dma_start3A_43 : memref<1x2048xi32, #tpu.memory_space<hbm>> -> memref<2048xi32, #tpu.memory_space<hbm>>
    %dma_start3A_45 = tpu.memref_slice %arg14[%dma_start3A_40] : memref<2x!tpu.dma_semaphore, #tpu.memory_space<semaphore_mem>> -> memref<1x!tpu.dma_semaphore, #tpu.memory_space<semaphore_mem>>
    %dma_start3A_46 = tpu.memref_squeeze %dma_start3A_45 : memref<1x!tpu.dma_semaphore, #tpu.memory_space<semaphore_mem>> -> memref<!tpu.dma_semaphore, #tpu.memory_space<semaphore_mem>>
    %dma_start3A_47 = arith.constant 2048 : i32
    %dma_start3A_48 = tpu.memref_slice %arg7[%dma_start3A_47] : memref<4096xi32, #tpu.memory_space<vmem>> -> memref<2048xi32, #tpu.memory_space<vmem>>
    %dma_start3A_49 = tpu.memref_slice %arg3[%dma_start3A_39, %mul3A_38] : memref<2x6400000xi32, #tpu.memory_space<hbm>> -> memref<1x2048xi32, #tpu.memory_space<hbm>>
    %dma_start3A_50 = tpu.memref_squeeze %dma_start3A_49 : memref<1x2048xi32, #tpu.memory_space<hbm>> -> memref<2048xi32, #tpu.memory_space<hbm>>
    tpu.enqueue_dma source(%dma_start3A_50 : memref<2048xi32, #tpu.memory_space<hbm>>) target(%dma_start3A_48 : memref<2048xi32, #tpu.memory_space<vmem>>) target_semaphore(%dma_start3A_46 : memref<!tpu.dma_semaphore, #tpu.memory_space<semaphore_mem>>)
    %mul3A_51 = arith.constant 2048 : i32
    %mul3A_52 = arith.muli %add3A_36, %mul3A_51 : i32
    %dma_start3A_53 = arith.constant 1 : i32
    %dma_start3A_54 = arith.constant 1 : i32
    %dma_start3A_55 = arith.constant 2048 : i32
    %dma_start3A_56 = tpu.memref_slice %arg8[%dma_start3A_55] : memref<4096xi32, #tpu.memory_space<vmem>> -> memref<2048xi32, #tpu.memory_space<vmem>>
    %dma_start3A_57 = tpu.memref_slice %arg3[%dma_start3A_53, %mul3A_52] : memref<2x6400000xi32, #tpu.memory_space<hbm>> -> memref<1x2048xi32, #tpu.memory_space<hbm>>
    %dma_start3A_58 = tpu.memref_squeeze %dma_start3A_57 : memref<1x2048xi32, #tpu.memory_space<hbm>> -> memref<2048xi32, #tpu.memory_space<hbm>>
    %dma_start3A_59 = tpu.memref_slice %arg14[%dma_start3A_54] : memref<2x!tpu.dma_semaphore, #tpu.memory_space<semaphore_mem>> -> memref<1x!tpu.dma_semaphore, #tpu.memory_space<semaphore_mem>>
    %dma_start3A_60 = tpu.memref_squeeze %dma_start3A_59 : memref<1x!tpu.dma_semaphore, #tpu.memory_space<semaphore_mem>> -> memref<!tpu.dma_semaphore, #tpu.memory_space<semaphore_mem>>
    %dma_start3A_61 = arith.constant 2048 : i32
    %dma_start3A_62 = tpu.memref_slice %arg8[%dma_start3A_61] : memref<4096xi32, #tpu.memory_space<vmem>> -> memref<2048xi32, #tpu.memory_space<vmem>>
    %dma_start3A_63 = tpu.memref_slice %arg3[%dma_start3A_53, %mul3A_52] : memref<2x6400000xi32, #tpu.memory_space<hbm>> -> memref<1x2048xi32, #tpu.memory_space<hbm>>
    %dma_start3A_64 = tpu.memref_squeeze %dma_start3A_63 : memref<1x2048xi32, #tpu.memory_space<hbm>> -> memref<2048xi32, #tpu.memory_space<hbm>>
    tpu.enqueue_dma source(%dma_start3A_64 : memref<2048xi32, #tpu.memory_space<hbm>>) target(%dma_start3A_62 : memref<2048xi32, #tpu.memory_space<vmem>>) target_semaphore(%dma_start3A_60 : memref<!tpu.dma_semaphore, #tpu.memory_space<semaphore_mem>>)
    %dma_wait3A = arith.constant 0 : i32
    %dma_wait3A_65 = arith.constant 0 : i32
    %dma_wait3A_66 = arith.constant 0 : i32
    %dma_wait3A_67 = tpu.memref_slice %arg7[%dma_wait3A_66] : memref<4096xi32, #tpu.memory_space<vmem>> -> memref<2048xi32, #tpu.memory_space<vmem>>
    %dma_wait3A_68 = arith.constant 0 : i32
    %dma_wait3A_69 = tpu.memref_slice %arg3[%dma_wait3A, %dma_wait3A_68] : memref<2x6400000xi32, #tpu.memory_space<hbm>> -> memref<1x2048xi32, #tpu.memory_space<hbm>>
    %dma_wait3A_70 = tpu.memref_squeeze %dma_wait3A_69 : memref<1x2048xi32, #tpu.memory_space<hbm>> -> memref<2048xi32, #tpu.memory_space<hbm>>
    %dma_wait3A_71 = tpu.memref_slice %arg14[%dma_wait3A_65] : memref<2x!tpu.dma_semaphore, #tpu.memory_space<semaphore_mem>> -> memref<1x!tpu.dma_semaphore, #tpu.memory_space<semaphore_mem>>
    %dma_wait3A_72 = tpu.memref_squeeze %dma_wait3A_71 : memref<1x!tpu.dma_semaphore, #tpu.memory_space<semaphore_mem>> -> memref<!tpu.dma_semaphore, #tpu.memory_space<semaphore_mem>>
    %dma_wait3A_73 = arith.constant 0 : i32
    %dma_wait3A_74 = tpu.memref_slice %arg7[%dma_wait3A_73] : memref<4096xi32, #tpu.memory_space<vmem>> -> memref<2048xi32, #tpu.memory_space<vmem>>
    %dma_wait3A_75 = arith.constant 0 : i32
    %dma_wait3A_76 = tpu.memref_slice %arg3[%dma_wait3A, %dma_wait3A_75] : memref<2x6400000xi32, #tpu.memory_space<hbm>> -> memref<1x2048xi32, #tpu.memory_space<hbm>>
    %dma_wait3A_77 = tpu.memref_squeeze %dma_wait3A_76 : memref<1x2048xi32, #tpu.memory_space<hbm>> -> memref<2048xi32, #tpu.memory_space<hbm>>
    tpu.wait_dma2 semaphore(%dma_wait3A_72 : memref<!tpu.dma_semaphore, #tpu.memory_space<semaphore_mem>>) src(%dma_wait3A_77 : memref<2048xi32, #tpu.memory_space<hbm>>) dst(%dma_wait3A_74 : memref<2048xi32, #tpu.memory_space<vmem>>)
    %dma_wait3A_78 = arith.constant 1 : i32
    %dma_wait3A_79 = arith.constant 0 : i32
    %dma_wait3A_80 = arith.constant 0 : i32
    %dma_wait3A_81 = tpu.memref_slice %arg8[%dma_wait3A_80] : memref<4096xi32, #tpu.memory_space<vmem>> -> memref<2048xi32, #tpu.memory_space<vmem>>
    %dma_wait3A_82 = arith.constant 0 : i32
    %dma_wait3A_83 = tpu.memref_slice %arg3[%dma_wait3A_78, %dma_wait3A_82] : memref<2x6400000xi32, #tpu.memory_space<hbm>> -> memref<1x2048xi32, #tpu.memory_space<hbm>>
    %dma_wait3A_84 = tpu.memref_squeeze %dma_wait3A_83 : memref<1x2048xi32, #tpu.memory_space<hbm>> -> memref<2048xi32, #tpu.memory_space<hbm>>
    %dma_wait3A_85 = tpu.memref_slice %arg14[%dma_wait3A_79] : memref<2x!tpu.dma_semaphore, #tpu.memory_space<semaphore_mem>> -> memref<1x!tpu.dma_semaphore, #tpu.memory_space<semaphore_mem>>
    %dma_wait3A_86 = tpu.memref_squeeze %dma_wait3A_85 : memref<1x!tpu.dma_semaphore, #tpu.memory_space<semaphore_mem>> -> memref<!tpu.dma_semaphore, #tpu.memory_space<semaphore_mem>>
    %dma_wait3A_87 = arith.constant 0 : i32
    %dma_wait3A_88 = tpu.memref_slice %arg8[%dma_wait3A_87] : memref<4096xi32, #tpu.memory_space<vmem>> -> memref<2048xi32, #tpu.memory_space<vmem>>
    %dma_wait3A_89 = arith.constant 0 : i32
    %dma_wait3A_90 = tpu.memref_slice %arg3[%dma_wait3A_78, %dma_wait3A_89] : memref<2x6400000xi32, #tpu.memory_space<hbm>> -> memref<1x2048xi32, #tpu.memory_space<hbm>>
    %dma_wait3A_91 = tpu.memref_squeeze %dma_wait3A_90 : memref<1x2048xi32, #tpu.memory_space<hbm>> -> memref<2048xi32, #tpu.memory_space<hbm>>
    tpu.wait_dma2 semaphore(%dma_wait3A_86 : memref<!tpu.dma_semaphore, #tpu.memory_space<semaphore_mem>>) src(%dma_wait3A_91 : memref<2048xi32, #tpu.memory_space<hbm>>) dst(%dma_wait3A_88 : memref<2048xi32, #tpu.memory_space<vmem>>)
    %dma_start3A_92 = arith.constant 0 : i32
    %dma_start3A_93 = arith.constant 0 : i32
    %dma_start3A_94 = arith.constant 0 : i32
    %dma_start3A_95 = tpu.memref_slice %arg9[%dma_start3A_93, %dma_start3A_94] : memref<2048x8xf32, #tpu.memory_space<vmem>> -> memref<512x8xf32, #tpu.memory_space<vmem>>
    %dma_start3A_96 = arith.constant 0 : i32
    %dma_start3A_97 = tpu.memref_slice %arg7[%dma_start3A_96] : memref<4096xi32, #tpu.memory_space<vmem>> -> memref<512xi32, #tpu.memory_space<vmem>>
    %dma_start3A_98 = arith.constant 0 : i32
    %dma_start3A_99 = arith.constant 0 : i32
    %dma_start3A_100 = tpu.memref_slice %arg2[%dma_start3A_98, %dma_start3A_99] : memref<100000x8xf32, #tpu.memory_space<hbm>> -> memref<100000x8xf32, #tpu.memory_space<hbm>>
    %dma_start3A_101 = tpu.memref_slice %arg15[%dma_start3A_92] : memref<4x!tpu.dma_semaphore, #tpu.memory_space<semaphore_mem>> -> memref<1x!tpu.dma_semaphore, #tpu.memory_space<semaphore_mem>>
    %dma_start3A_102 = tpu.memref_squeeze %dma_start3A_101 : memref<1x!tpu.dma_semaphore, #tpu.memory_space<semaphore_mem>> -> memref<!tpu.dma_semaphore, #tpu.memory_space<semaphore_mem>>
    tpu.enqueue_indirect_dma source(%dma_start3A_100 : memref<100000x8xf32, #tpu.memory_space<hbm>>) target(%dma_start3A_95 : memref<512x8xf32, #tpu.memory_space<vmem>>) offsets(%dma_start3A_97 : memref<512xi32, #tpu.memory_space<vmem>>) semaphore(%dma_start3A_102 : memref<!tpu.dma_semaphore, #tpu.memory_space<semaphore_mem>>)
    %dma_start3A_103 = arith.constant 0 : i32
    %dma_start3A_104 = arith.constant 0 : i32
    %dma_start3A_105 = arith.constant 0 : i32
    %dma_start3A_106 = tpu.memref_slice %arg10[%dma_start3A_104, %dma_start3A_105] : memref<2048x8xf32, #tpu.memory_space<vmem>> -> memref<512x8xf32, #tpu.memory_space<vmem>>
    %dma_start3A_107 = arith.constant 0 : i32
    %dma_start3A_108 = tpu.memref_slice %arg8[%dma_start3A_107] : memref<4096xi32, #tpu.memory_space<vmem>> -> memref<512xi32, #tpu.memory_space<vmem>>
    %dma_start3A_109 = arith.constant 0 : i32
    %dma_start3A_110 = arith.constant 0 : i32
    %dma_start3A_111 = tpu.memref_slice %arg2[%dma_start3A_109, %dma_start3A_110] : memref<100000x8xf32, #tpu.memory_space<hbm>> -> memref<100000x8xf32, #tpu.memory_space<hbm>>
    %dma_start3A_112 = tpu.memref_slice %arg15[%dma_start3A_103] : memref<4x!tpu.dma_semaphore, #tpu.memory_space<semaphore_mem>> -> memref<1x!tpu.dma_semaphore, #tpu.memory_space<semaphore_mem>>
    %dma_start3A_113 = tpu.memref_squeeze %dma_start3A_112 : memref<1x!tpu.dma_semaphore, #tpu.memory_space<semaphore_mem>> -> memref<!tpu.dma_semaphore, #tpu.memory_space<semaphore_mem>>
    tpu.enqueue_indirect_dma source(%dma_start3A_111 : memref<100000x8xf32, #tpu.memory_space<hbm>>) target(%dma_start3A_106 : memref<512x8xf32, #tpu.memory_space<vmem>>) offsets(%dma_start3A_108 : memref<512xi32, #tpu.memory_space<vmem>>) semaphore(%dma_start3A_113 : memref<!tpu.dma_semaphore, #tpu.memory_space<semaphore_mem>>)
    %dma_start3A_114 = arith.constant 1 : i32
    %dma_start3A_115 = arith.constant 512 : i32
    %dma_start3A_116 = arith.constant 0 : i32
    %dma_start3A_117 = tpu.memref_slice %arg9[%dma_start3A_115, %dma_start3A_116] : memref<2048x8xf32, #tpu.memory_space<vmem>> -> memref<512x8xf32, #tpu.memory_space<vmem>>
    %dma_start3A_118 = arith.constant 512 : i32
    %dma_start3A_119 = tpu.memref_slice %arg7[%dma_start3A_118] : memref<4096xi32, #tpu.memory_space<vmem>> -> memref<512xi32, #tpu.memory_space<vmem>>
    %dma_start3A_120 = arith.constant 0 : i32
    %dma_start3A_121 = arith.constant 0 : i32
    %dma_start3A_122 = tpu.memref_slice %arg2[%dma_start3A_120, %dma_start3A_121] : memref<100000x8xf32, #tpu.memory_space<hbm>> -> memref<100000x8xf32, #tpu.memory_space<hbm>>
    %dma_start3A_123 = tpu.memref_slice %arg15[%dma_start3A_114] : memref<4x!tpu.dma_semaphore, #tpu.memory_space<semaphore_mem>> -> memref<1x!tpu.dma_semaphore, #tpu.memory_space<semaphore_mem>>
    %dma_start3A_124 = tpu.memref_squeeze %dma_start3A_123 : memref<1x!tpu.dma_semaphore, #tpu.memory_space<semaphore_mem>> -> memref<!tpu.dma_semaphore, #tpu.memory_space<semaphore_mem>>
    tpu.enqueue_indirect_dma source(%dma_start3A_122 : memref<100000x8xf32, #tpu.memory_space<hbm>>) target(%dma_start3A_117 : memref<512x8xf32, #tpu.memory_space<vmem>>) offsets(%dma_start3A_119 : memref<512xi32, #tpu.memory_space<vmem>>) semaphore(%dma_start3A_124 : memref<!tpu.dma_semaphore, #tpu.memory_space<semaphore_mem>>)
    %dma_start3A_125 = arith.constant 1 : i32
    %dma_start3A_126 = arith.constant 512 : i32
    %dma_start3A_127 = arith.constant 0 : i32
    %dma_start3A_128 = tpu.memref_slice %arg10[%dma_start3A_126, %dma_start3A_127] : memref<2048x8xf32, #tpu.memory_space<vmem>> -> memref<512x8xf32, #tpu.memory_space<vmem>>
    %dma_start3A_129 = arith.constant 512 : i32
    %dma_start3A_130 = tpu.memref_slice %arg8[%dma_start3A_129] : memref<4096xi32, #tpu.memory_space<vmem>> -> memref<512xi32, #tpu.memory_space<vmem>>
    %dma_start3A_131 = arith.constant 0 : i32
    %dma_start3A_132 = arith.constant 0 : i32
    %dma_start3A_133 = tpu.memref_slice %arg2[%dma_start3A_131, %dma_start3A_132] : memref<100000x8xf32, #tpu.memory_space<hbm>> -> memref<100000x8xf32, #tpu.memory_space<hbm>>
    %dma_start3A_134 = tpu.memref_slice %arg15[%dma_start3A_125] : memref<4x!tpu.dma_semaphore, #tpu.memory_space<semaphore_mem>> -> memref<1x!tpu.dma_semaphore, #tpu.memory_space<semaphore_mem>>
    %dma_start3A_135 = tpu.memref_squeeze %dma_start3A_134 : memref<1x!tpu.dma_semaphore, #tpu.memory_space<semaphore_mem>> -> memref<!tpu.dma_semaphore, #tpu.memory_space<semaphore_mem>>
    tpu.enqueue_indirect_dma source(%dma_start3A_133 : memref<100000x8xf32, #tpu.memory_space<hbm>>) target(%dma_start3A_128 : memref<512x8xf32, #tpu.memory_space<vmem>>) offsets(%dma_start3A_130 : memref<512xi32, #tpu.memory_space<vmem>>) semaphore(%dma_start3A_135 : memref<!tpu.dma_semaphore, #tpu.memory_space<semaphore_mem>>)
    %dma_start3A_136 = arith.constant 2 : i32
    %dma_start3A_137 = arith.constant 1024 : i32
    %dma_start3A_138 = arith.constant 0 : i32
    %dma_start3A_139 = tpu.memref_slice %arg9[%dma_start3A_137, %dma_start3A_138] : memref<2048x8xf32, #tpu.memory_space<vmem>> -> memref<512x8xf32, #tpu.memory_space<vmem>>
    %dma_start3A_140 = arith.constant 1024 : i32
    %dma_start3A_141 = tpu.memref_slice %arg7[%dma_start3A_140] : memref<4096xi32, #tpu.memory_space<vmem>> -> memref<512xi32, #tpu.memory_space<vmem>>
    %dma_start3A_142 = arith.constant 0 : i32
    %dma_start3A_143 = arith.constant 0 : i32
    %dma_start3A_144 = tpu.memref_slice %arg2[%dma_start3A_142, %dma_start3A_143] : memref<100000x8xf32, #tpu.memory_space<hbm>> -> memref<100000x8xf32, #tpu.memory_space<hbm>>
    %dma_start3A_145 = tpu.memref_slice %arg15[%dma_start3A_136] : memref<4x!tpu.dma_semaphore, #tpu.memory_space<semaphore_mem>> -> memref<1x!tpu.dma_semaphore, #tpu.memory_space<semaphore_mem>>
    %dma_start3A_146 = tpu.memref_squeeze %dma_start3A_145 : memref<1x!tpu.dma_semaphore, #tpu.memory_space<semaphore_mem>> -> memref<!tpu.dma_semaphore, #tpu.memory_space<semaphore_mem>>
    tpu.enqueue_indirect_dma source(%dma_start3A_144 : memref<100000x8xf32, #tpu.memory_space<hbm>>) target(%dma_start3A_139 : memref<512x8xf32, #tpu.memory_space<vmem>>) offsets(%dma_start3A_141 : memref<512xi32, #tpu.memory_space<vmem>>) semaphore(%dma_start3A_146 : memref<!tpu.dma_semaphore, #tpu.memory_space<semaphore_mem>>)
    %dma_start3A_147 = arith.constant 2 : i32
    %dma_start3A_148 = arith.constant 1024 : i32
    %dma_start3A_149 = arith.constant 0 : i32
    %dma_start3A_150 = tpu.memref_slice %arg10[%dma_start3A_148, %dma_start3A_149] : memref<2048x8xf32, #tpu.memory_space<vmem>> -> memref<512x8xf32, #tpu.memory_space<vmem>>
    %dma_start3A_151 = arith.constant 1024 : i32
    %dma_start3A_152 = tpu.memref_slice %arg8[%dma_start3A_151] : memref<4096xi32, #tpu.memory_space<vmem>> -> memref<512xi32, #tpu.memory_space<vmem>>
    %dma_start3A_153 = arith.constant 0 : i32
    %dma_start3A_154 = arith.constant 0 : i32
    %dma_start3A_155 = tpu.memref_slice %arg2[%dma_start3A_153, %dma_start3A_154] : memref<100000x8xf32, #tpu.memory_space<hbm>> -> memref<100000x8xf32, #tpu.memory_space<hbm>>
    %dma_start3A_156 = tpu.memref_slice %arg15[%dma_start3A_147] : memref<4x!tpu.dma_semaphore, #tpu.memory_space<semaphore_mem>> -> memref<1x!tpu.dma_semaphore, #tpu.memory_space<semaphore_mem>>
    %dma_start3A_157 = tpu.memref_squeeze %dma_start3A_156 : memref<1x!tpu.dma_semaphore, #tpu.memory_space<semaphore_mem>> -> memref<!tpu.dma_semaphore, #tpu.memory_space<semaphore_mem>>
    tpu.enqueue_indirect_dma source(%dma_start3A_155 : memref<100000x8xf32, #tpu.memory_space<hbm>>) target(%dma_start3A_150 : memref<512x8xf32, #tpu.memory_space<vmem>>) offsets(%dma_start3A_152 : memref<512xi32, #tpu.memory_space<vmem>>) semaphore(%dma_start3A_157 : memref<!tpu.dma_semaphore, #tpu.memory_space<semaphore_mem>>)
    %dma_start3A_158 = arith.constant 3 : i32
    %dma_start3A_159 = arith.constant 1536 : i32
    %dma_start3A_160 = arith.constant 0 : i32
    %dma_start3A_161 = tpu.memref_slice %arg9[%dma_start3A_159, %dma_start3A_160] : memref<2048x8xf32, #tpu.memory_space<vmem>> -> memref<512x8xf32, #tpu.memory_space<vmem>>
    %dma_start3A_162 = arith.constant 1536 : i32
    %dma_start3A_163 = tpu.memref_slice %arg7[%dma_start3A_162] : memref<4096xi32, #tpu.memory_space<vmem>> -> memref<512xi32, #tpu.memory_space<vmem>>
    %dma_start3A_164 = arith.constant 0 : i32
    %dma_start3A_165 = arith.constant 0 : i32
    %dma_start3A_166 = tpu.memref_slice %arg2[%dma_start3A_164, %dma_start3A_165] : memref<100000x8xf32, #tpu.memory_space<hbm>> -> memref<100000x8xf32, #tpu.memory_space<hbm>>
    %dma_start3A_167 = tpu.memref_slice %arg15[%dma_start3A_158] : memref<4x!tpu.dma_semaphore, #tpu.memory_space<semaphore_mem>> -> memref<1x!tpu.dma_semaphore, #tpu.memory_space<semaphore_mem>>
    %dma_start3A_168 = tpu.memref_squeeze %dma_start3A_167 : memref<1x!tpu.dma_semaphore, #tpu.memory_space<semaphore_mem>> -> memref<!tpu.dma_semaphore, #tpu.memory_space<semaphore_mem>>
    tpu.enqueue_indirect_dma source(%dma_start3A_166 : memref<100000x8xf32, #tpu.memory_space<hbm>>) target(%dma_start3A_161 : memref<512x8xf32, #tpu.memory_space<vmem>>) offsets(%dma_start3A_163 : memref<512xi32, #tpu.memory_space<vmem>>) semaphore(%dma_start3A_168 : memref<!tpu.dma_semaphore, #tpu.memory_space<semaphore_mem>>)
    %dma_start3A_169 = arith.constant 3 : i32
    %dma_start3A_170 = arith.constant 1536 : i32
    %dma_start3A_171 = arith.constant 0 : i32
    %dma_start3A_172 = tpu.memref_slice %arg10[%dma_start3A_170, %dma_start3A_171] : memref<2048x8xf32, #tpu.memory_space<vmem>> -> memref<512x8xf32, #tpu.memory_space<vmem>>
    %dma_start3A_173 = arith.constant 1536 : i32
    %dma_start3A_174 = tpu.memref_slice %arg8[%dma_start3A_173] : memref<4096xi32, #tpu.memory_space<vmem>> -> memref<512xi32, #tpu.memory_space<vmem>>
    %dma_start3A_175 = arith.constant 0 : i32
    %dma_start3A_176 = arith.constant 0 : i32
    %dma_start3A_177 = tpu.memref_slice %arg2[%dma_start3A_175, %dma_start3A_176] : memref<100000x8xf32, #tpu.memory_space<hbm>> -> memref<100000x8xf32, #tpu.memory_space<hbm>>
    %dma_start3A_178 = tpu.memref_slice %arg15[%dma_start3A_169] : memref<4x!tpu.dma_semaphore, #tpu.memory_space<semaphore_mem>> -> memref<1x!tpu.dma_semaphore, #tpu.memory_space<semaphore_mem>>
    %dma_start3A_179 = tpu.memref_squeeze %dma_start3A_178 : memref<1x!tpu.dma_semaphore, #tpu.memory_space<semaphore_mem>> -> memref<!tpu.dma_semaphore, #tpu.memory_space<semaphore_mem>>
    tpu.enqueue_indirect_dma source(%dma_start3A_177 : memref<100000x8xf32, #tpu.memory_space<hbm>>) target(%dma_start3A_172 : memref<512x8xf32, #tpu.memory_space<vmem>>) offsets(%dma_start3A_174 : memref<512xi32, #tpu.memory_space<vmem>>) semaphore(%dma_start3A_179 : memref<!tpu.dma_semaphore, #tpu.memory_space<semaphore_mem>>)
    %scan3A = arith.constant 0 : i32
    %scan3A_180 = arith.constant 49 : i32
    %scan3A_181 = arith.addi %scan3A, %scan3A_180 : i32
    %scan3A_182 = arith.constant 1 : i32
    scf.for %scan3A_206 = %scan3A to %scan3A_181 step %scan3A_182  : i32 {
      %mul3A_207 = arith.constant 1 : i32
      %mul3A_208 = arith.muli %scan3A_206, %mul3A_207 : i32
      %add3A_209 = arith.constant 0 : i32
      %add3A_210 = arith.addi %add3A_209, %mul3A_208 : i32
      %mul3A_211 = arith.constant 2 : i32
      %mul3A_212 = arith.muli %mul3A_211, %add3A_210 : i32
      %mul3A_213 = arith.constant 32 : i32
      %mul3A_214 = arith.muli %mul3A_212, %mul3A_213 : i32
      %add3A_215 = arith.addi %mul3A_214, %add3A : i32
      %lt3A = arith.constant 3125 : i32
      %lt3A_216 = arith.cmpi slt, %add3A_215, %lt3A : i32
      %add3A_217 = arith.constant 32 : i32
      %add3A_218 = arith.addi %add3A_215, %add3A_217 : i32
      %convert_element_type3A = arith.extui %lt3A_216 : i1 to i32
      %cond3A = arith.constant 0 : i32
      %cond3A_219 = arith.cmpi ne, %convert_element_type3A, %cond3A : i32
      scf.if %cond3A_219 {
        %sub3A = arith.constant 64 : i32
        %sub3A_232 = arith.subi %add3A_215, %sub3A : i32
        %ge3A = arith.constant 0 : i32
        %ge3A_233 = arith.cmpi sge, %sub3A_232, %ge3A : i32
        %sub3A_234 = arith.constant 64 : i32
        %sub3A_235 = arith.subi %add3A_215, %sub3A_234 : i32
        %lt3A_236 = arith.constant 3125 : i32
        %lt3A_237 = arith.cmpi slt, %sub3A_235, %lt3A_236 : i32
        %and3A = arith.andi %ge3A_233, %lt3A_237 : i1
        %convert_element_type3A_238 = arith.extui %and3A : i1 to i32
        %cond3A_239 = arith.constant 0 : i32
        %cond3A_240 = arith.cmpi ne, %convert_element_type3A_238, %cond3A_239 : i32
        scf.if %cond3A_240 {
          %dma_wait3A_384 = arith.constant 0 : i32
          %dma_wait3A_385 = arith.constant 0 : i32
          %dma_wait3A_386 = tpu.memref_slice %arg11[%dma_wait3A_385] : memref<4096xf32, #tpu.memory_space<vmem>> -> memref<2048xf32, #tpu.memory_space<vmem>>
          %dma_wait3A_387 = arith.constant 0 : i32
          %dma_wait3A_388 = tpu.memref_slice %arg6[%dma_wait3A_387] : memref<6400000xf32, #tpu.memory_space<hbm>> -> memref<2048xf32, #tpu.memory_space<hbm>>
          %dma_wait3A_389 = tpu.memref_slice %arg16[%dma_wait3A_384] : memref<2x!tpu.dma_semaphore, #tpu.memory_space<semaphore_mem>> -> memref<1x!tpu.dma_semaphore, #tpu.memory_space<semaphore_mem>>
          %dma_wait3A_390 = tpu.memref_squeeze %dma_wait3A_389 : memref<1x!tpu.dma_semaphore, #tpu.memory_space<semaphore_mem>> -> memref<!tpu.dma_semaphore, #tpu.memory_space<semaphore_mem>>
          %dma_wait3A_391 = arith.constant 0 : i32
          %dma_wait3A_392 = tpu.memref_slice %arg6[%dma_wait3A_391] : memref<6400000xf32, #tpu.memory_space<hbm>> -> memref<2048xf32, #tpu.memory_space<hbm>>
          %dma_wait3A_393 = arith.constant 0 : i32
          %dma_wait3A_394 = tpu.memref_slice %arg11[%dma_wait3A_393] : memref<4096xf32, #tpu.memory_space<vmem>> -> memref<2048xf32, #tpu.memory_space<vmem>>
          tpu.wait_dma2 semaphore(%dma_wait3A_390 : memref<!tpu.dma_semaphore, #tpu.memory_space<semaphore_mem>>) src(%dma_wait3A_394 : memref<2048xf32, #tpu.memory_space<vmem>>) dst(%dma_wait3A_392 : memref<2048xf32, #tpu.memory_space<hbm>>)
        } else {
        }
        %lt3A_241 = arith.constant 3125 : i32
        %lt3A_242 = arith.cmpi slt, %add3A_218, %lt3A_241 : i32
        %dma_wait3A_243 = arith.constant 0 : i32
        %dma_wait3A_244 = arith.constant 0 : i32
        %dma_wait3A_245 = arith.constant 0 : i32
        %dma_wait3A_246 = tpu.memref_slice %arg9[%dma_wait3A_244, %dma_wait3A_245] : memref<2048x8xf32, #tpu.memory_space<vmem>> -> memref<512x8xf32, #tpu.memory_space<vmem>>
        %dma_wait3A_247 = arith.constant 0 : i32
        %dma_wait3A_248 = tpu.memref_slice %arg7[%dma_wait3A_247] : memref<4096xi32, #tpu.memory_space<vmem>> -> memref<512xi32, #tpu.memory_space<vmem>>
        %dma_wait3A_249 = arith.constant 0 : i32
        %dma_wait3A_250 = arith.constant 0 : i32
        %dma_wait3A_251 = tpu.memref_slice %arg2[%dma_wait3A_249, %dma_wait3A_250] : memref<100000x8xf32, #tpu.memory_space<hbm>> -> memref<100000x8xf32, #tpu.memory_space<hbm>>
        %dma_wait3A_252 = tpu.memref_slice %arg15[%dma_wait3A_243] : memref<4x!tpu.dma_semaphore, #tpu.memory_space<semaphore_mem>> -> memref<1x!tpu.dma_semaphore, #tpu.memory_space<semaphore_mem>>
        %dma_wait3A_253 = tpu.memref_squeeze %dma_wait3A_252 : memref<1x!tpu.dma_semaphore, #tpu.memory_space<semaphore_mem>> -> memref<!tpu.dma_semaphore, #tpu.memory_space<semaphore_mem>>
        tpu.wait_indirect_dma semaphore(%dma_wait3A_253 : memref<!tpu.dma_semaphore, #tpu.memory_space<semaphore_mem>>) src(%dma_wait3A_251 : memref<100000x8xf32, #tpu.memory_space<hbm>>) dst(%dma_wait3A_246 : memref<512x8xf32, #tpu.memory_space<vmem>>)
        %dma_wait3A_254 = arith.constant 0 : i32
        %dma_wait3A_255 = arith.constant 0 : i32
        %dma_wait3A_256 = arith.constant 0 : i32
        %dma_wait3A_257 = tpu.memref_slice %arg10[%dma_wait3A_255, %dma_wait3A_256] : memref<2048x8xf32, #tpu.memory_space<vmem>> -> memref<512x8xf32, #tpu.memory_space<vmem>>
        %dma_wait3A_258 = arith.constant 0 : i32
        %dma_wait3A_259 = tpu.memref_slice %arg7[%dma_wait3A_258] : memref<4096xi32, #tpu.memory_space<vmem>> -> memref<512xi32, #tpu.memory_space<vmem>>
        %dma_wait3A_260 = arith.constant 0 : i32
        %dma_wait3A_261 = arith.constant 0 : i32
        %dma_wait3A_262 = tpu.memref_slice %arg2[%dma_wait3A_260, %dma_wait3A_261] : memref<100000x8xf32, #tpu.memory_space<hbm>> -> memref<100000x8xf32, #tpu.memory_space<hbm>>
        %dma_wait3A_263 = tpu.memref_slice %arg15[%dma_wait3A_254] : memref<4x!tpu.dma_semaphore, #tpu.memory_space<semaphore_mem>> -> memref<1x!tpu.dma_semaphore, #tpu.memory_space<semaphore_mem>>
        %dma_wait3A_264 = tpu.memref_squeeze %dma_wait3A_263 : memref<1x!tpu.dma_semaphore, #tpu.memory_space<semaphore_mem>> -> memref<!tpu.dma_semaphore, #tpu.memory_space<semaphore_mem>>
        tpu.wait_indirect_dma semaphore(%dma_wait3A_264 : memref<!tpu.dma_semaphore, #tpu.memory_space<semaphore_mem>>) src(%dma_wait3A_262 : memref<100000x8xf32, #tpu.memory_space<hbm>>) dst(%dma_wait3A_257 : memref<512x8xf32, #tpu.memory_space<vmem>>)
        %scan3A_265 = arith.constant 0 : i32
        %scan3A_266 = arith.constant 32 : i32
        %scan3A_267 = arith.addi %scan3A_265, %scan3A_266 : i32
        %scan3A_268 = arith.constant 1 : i32
        scf.for %scan3A_384 = %scan3A_265 to %scan3A_267 step %scan3A_268  : i32 {
          %mul3A_385 = arith.constant 16 : i32
          %mul3A_386 = arith.muli %scan3A_384, %mul3A_385 : i32
          %add3A_387 = arith.constant 0 : i32
          %add3A_388 = arith.addi %add3A_387, %mul3A_386 : i32
          %add3A_389 = arith.constant 0 : i32
          %add3A_390 = arith.addi %add3A_389, %add3A_388 : i32
          %add3A_391 = vector.broadcast %add3A_390 : i32 to vector<16xi32>
          %add3A_392 = arith.addi %add3A_391, %iota3A : vector<16xi32>
          %gather3A = tpu.vector_load_idx %arg9[%add3A_392, %broadcast_in_dim3A_1] : memref<2048x8xf32, #tpu.memory_space<vmem>>[vector<16xi32>, vector<16xi32>], vector<16xf32>,
          %gather3A_393 = tpu.vector_load_idx %arg9[%add3A_392, %broadcast_in_dim3A_3] : memref<2048x8xf32, #tpu.memory_space<vmem>>[vector<16xi32>, vector<16xi32>], vector<16xf32>,
          %gather3A_394 = tpu.vector_load_idx %arg9[%add3A_392, %broadcast_in_dim3A_5] : memref<2048x8xf32, #tpu.memory_space<vmem>>[vector<16xi32>, vector<16xi32>], vector<16xf32>,
          %gather3A_395 = tpu.vector_load_idx %arg9[%add3A_392, %broadcast_in_dim3A_7] : memref<2048x8xf32, #tpu.memory_space<vmem>>[vector<16xi32>, vector<16xi32>], vector<16xf32>,
          %gather3A_396 = tpu.vector_load_idx %arg10[%add3A_392, %broadcast_in_dim3A_1] : memref<2048x8xf32, #tpu.memory_space<vmem>>[vector<16xi32>, vector<16xi32>], vector<16xf32>,
          %gather3A_397 = tpu.vector_load_idx %arg10[%add3A_392, %broadcast_in_dim3A_3] : memref<2048x8xf32, #tpu.memory_space<vmem>>[vector<16xi32>, vector<16xi32>], vector<16xf32>,
          %gather3A_398 = tpu.vector_load_idx %arg10[%add3A_392, %broadcast_in_dim3A_5] : memref<2048x8xf32, #tpu.memory_space<vmem>>[vector<16xi32>, vector<16xi32>], vector<16xf32>,
          %gather3A_399 = tpu.vector_load_idx %arg10[%add3A_392, %broadcast_in_dim3A_7] : memref<2048x8xf32, #tpu.memory_space<vmem>>[vector<16xi32>, vector<16xi32>], vector<16xf32>,
          %sub3A_400 = arith.subf %gather3A_396, %gather3A : vector<16xf32>
          %sub3A_401 = arith.subf %gather3A_397, %gather3A_393 : vector<16xf32>
          %sub3A_402 = arith.subf %gather3A_398, %gather3A_394 : vector<16xf32>
          %mul3A_403 = arith.mulf %sub3A_400, %sub3A_400 : vector<16xf32>
          %mul3A_404 = arith.mulf %sub3A_401, %sub3A_401 : vector<16xf32>
          %add3A_405 = arith.addf %mul3A_403, %mul3A_404 : vector<16xf32>
          %mul3A_406 = arith.mulf %sub3A_402, %sub3A_402 : vector<16xf32>
          %add3A_407 = arith.addf %add3A_405, %mul3A_406 : vector<16xf32>
          %add3A_408 = arith.constant 9.99999996E-13 : f32
          %add3A_409 = vector.broadcast %add3A_408 : f32 to vector<16xf32>
          %add3A_410 = arith.addf %add3A_407, %add3A_409 : vector<16xf32>
          %bitcast3A = vector.bitcast %add3A_410 : vector<16xf32> to vector<16xi32>
          %shift_right_logical3A = arith.constant 1 : i32
          %shift_right_logical3A_411 = vector.broadcast %shift_right_logical3A : i32 to vector<16xi32>
          %shift_right_logical3A_412 = arith.shrui %bitcast3A, %shift_right_logical3A_411 : vector<16xi32>
          %sub3A_413 = arith.constant 1597463007 : i32
          %sub3A_414 = vector.broadcast %sub3A_413 : i32 to vector<16xi32>
          %sub3A_415 = arith.subi %sub3A_414, %shift_right_logical3A_412 : vector<16xi32>
          %bitcast3A_416 = vector.bitcast %sub3A_415 : vector<16xi32> to vector<16xf32>
          %mul3A_417 = arith.constant 5.000000e-01 : f32
          %mul3A_418 = vector.broadcast %mul3A_417 : f32 to vector<16xf32>
          %mul3A_419 = arith.mulf %add3A_410, %mul3A_418 : vector<16xf32>
          %mul3A_420 = arith.mulf %mul3A_419, %bitcast3A_416 : vector<16xf32>
          %mul3A_421 = arith.mulf %mul3A_420, %bitcast3A_416 : vector<16xf32>
          %sub3A_422 = arith.constant 1.500000e+00 : f32
          %sub3A_423 = vector.broadcast %sub3A_422 : f32 to vector<16xf32>
          %sub3A_424 = arith.subf %sub3A_423, %mul3A_421 : vector<16xf32>
          %mul3A_425 = arith.mulf %bitcast3A_416, %sub3A_424 : vector<16xf32>
          %mul3A_426 = arith.mulf %mul3A_419, %mul3A_425 : vector<16xf32>
          %mul3A_427 = arith.mulf %mul3A_426, %mul3A_425 : vector<16xf32>
          %sub3A_428 = arith.constant 1.500000e+00 : f32
          %sub3A_429 = vector.broadcast %sub3A_428 : f32 to vector<16xf32>
          %sub3A_430 = arith.subf %sub3A_429, %mul3A_427 : vector<16xf32>
          %mul3A_431 = arith.mulf %mul3A_425, %sub3A_430 : vector<16xf32>
          %mul3A_432 = arith.mulf %mul3A_419, %mul3A_431 : vector<16xf32>
          %mul3A_433 = arith.mulf %mul3A_432, %mul3A_431 : vector<16xf32>
          %sub3A_434 = arith.constant 1.500000e+00 : f32
          %sub3A_435 = vector.broadcast %sub3A_434 : f32 to vector<16xf32>
          %sub3A_436 = arith.subf %sub3A_435, %mul3A_433 : vector<16xf32>
          %mul3A_437 = arith.mulf %mul3A_431, %sub3A_436 : vector<16xf32>
          %mul3A_438 = arith.mulf %add3A_410, %mul3A_437 : vector<16xf32>
          %convert_element_type3A_439 = arith.fptosi %gather3A_395 : vector<16xf32> to vector<16xi32>
          %convert_element_type3A_440 = arith.fptosi %gather3A_399 : vector<16xf32> to vector<16xi32>
          %mul3A_441 = arith.constant 25 : i32
          %mul3A_442 = vector.broadcast %mul3A_441 : i32 to vector<16xi32>
          %mul3A_443 = arith.muli %convert_element_type3A_439, %mul3A_442 : vector<16xi32>
          %add3A_444 = arith.addi %mul3A_443, %convert_element_type3A_440 : vector<16xi32>
          %gather3A_445 = tpu.vector_load_idx %arg12[%add3A_444] : memref<640xf32, #tpu.memory_space<vmem>>[vector<16xi32>], vector<16xf32>,
          %gather3A_446 = tpu.vector_load_idx %arg13[%add3A_444] : memref<640xf32, #tpu.memory_space<vmem>>[vector<16xi32>], vector<16xf32>,
          %sub3A_447 = arith.subf %mul3A_438, %gather3A_445 : vector<16xf32>
          %mul3A_448 = arith.mulf %gather3A_446, %sub3A_447 : vector<16xf32>
          %mul3A_449 = arith.mulf %mul3A_448, %sub3A_447 : vector<16xf32>
          %add3A_450 = arith.constant 0 : i32
          %add3A_451 = arith.addi %add3A_450, %add3A_388 : i32
          %swap3A = arith.index_cast %add3A_451 : i32 to index
          %swap3A_452 = tpu.vector_load %arg11[%swap3A] {strides = array<i32>} : memref<4096xf32, #tpu.memory_space<vmem>>, vector<16xf32>,
          tpu.vector_store %arg11[%swap3A], %mul3A_449 {strides = array<i32>} : memref<4096xf32, #tpu.memory_space<vmem>>, vector<16xf32>,
        }
        %scan3A_269 = arith.constant 32 : i32
        %convert_element_type3A_270 = arith.extui %lt3A_242 : i1 to i32
        %cond3A_271 = arith.constant 0 : i32
        %cond3A_272 = arith.cmpi ne, %convert_element_type3A_270, %cond3A_271 : i32
        scf.if %cond3A_272 {
          %dma_wait3A_384 = arith.constant 0 : i32
          %dma_wait3A_385 = arith.constant 1 : i32
          %dma_wait3A_386 = arith.constant 2048 : i32
          %dma_wait3A_387 = tpu.memref_slice %arg7[%dma_wait3A_386] : memref<4096xi32, #tpu.memory_space<vmem>> -> memref<2048xi32, #tpu.memory_space<vmem>>
          %dma_wait3A_388 = arith.constant 0 : i32
          %dma_wait3A_389 = tpu.memref_slice %arg3[%dma_wait3A_384, %dma_wait3A_388] : memref<2x6400000xi32, #tpu.memory_space<hbm>> -> memref<1x2048xi32, #tpu.memory_space<hbm>>
          %dma_wait3A_390 = tpu.memref_squeeze %dma_wait3A_389 : memref<1x2048xi32, #tpu.memory_space<hbm>> -> memref<2048xi32, #tpu.memory_space<hbm>>
          %dma_wait3A_391 = tpu.memref_slice %arg14[%dma_wait3A_385] : memref<2x!tpu.dma_semaphore, #tpu.memory_space<semaphore_mem>> -> memref<1x!tpu.dma_semaphore, #tpu.memory_space<semaphore_mem>>
          %dma_wait3A_392 = tpu.memref_squeeze %dma_wait3A_391 : memref<1x!tpu.dma_semaphore, #tpu.memory_space<semaphore_mem>> -> memref<!tpu.dma_semaphore, #tpu.memory_space<semaphore_mem>>
          %dma_wait3A_393 = arith.constant 2048 : i32
          %dma_wait3A_394 = tpu.memref_slice %arg7[%dma_wait3A_393] : memref<4096xi32, #tpu.memory_space<vmem>> -> memref<2048xi32, #tpu.memory_space<vmem>>
          %dma_wait3A_395 = arith.constant 0 : i32
          %dma_wait3A_396 = tpu.memref_slice %arg3[%dma_wait3A_384, %dma_wait3A_395] : memref<2x6400000xi32, #tpu.memory_space<hbm>> -> memref<1x2048xi32, #tpu.memory_space<hbm>>
          %dma_wait3A_397 = tpu.memref_squeeze %dma_wait3A_396 : memref<1x2048xi32, #tpu.memory_space<hbm>> -> memref<2048xi32, #tpu.memory_space<hbm>>
          tpu.wait_dma2 semaphore(%dma_wait3A_392 : memref<!tpu.dma_semaphore, #tpu.memory_space<semaphore_mem>>) src(%dma_wait3A_397 : memref<2048xi32, #tpu.memory_space<hbm>>) dst(%dma_wait3A_394 : memref<2048xi32, #tpu.memory_space<vmem>>)
          %dma_wait3A_398 = arith.constant 1 : i32
          %dma_wait3A_399 = arith.constant 1 : i32
          %dma_wait3A_400 = arith.constant 2048 : i32
          %dma_wait3A_401 = tpu.memref_slice %arg8[%dma_wait3A_400] : memref<4096xi32, #tpu.memory_space<vmem>> -> memref<2048xi32, #tpu.memory_space<vmem>>
          %dma_wait3A_402 = arith.constant 0 : i32
          %dma_wait3A_403 = tpu.memref_slice %arg3[%dma_wait3A_398, %dma_wait3A_402] : memref<2x6400000xi32, #tpu.memory_space<hbm>> -> memref<1x2048xi32, #tpu.memory_space<hbm>>
          %dma_wait3A_404 = tpu.memref_squeeze %dma_wait3A_403 : memref<1x2048xi32, #tpu.memory_space<hbm>> -> memref<2048xi32, #tpu.memory_space<hbm>>
          %dma_wait3A_405 = tpu.memref_slice %arg14[%dma_wait3A_399] : memref<2x!tpu.dma_semaphore, #tpu.memory_space<semaphore_mem>> -> memref<1x!tpu.dma_semaphore, #tpu.memory_space<semaphore_mem>>
          %dma_wait3A_406 = tpu.memref_squeeze %dma_wait3A_405 : memref<1x!tpu.dma_semaphore, #tpu.memory_space<semaphore_mem>> -> memref<!tpu.dma_semaphore, #tpu.memory_space<semaphore_mem>>
          %dma_wait3A_407 = arith.constant 2048 : i32
          %dma_wait3A_408 = tpu.memref_slice %arg8[%dma_wait3A_407] : memref<4096xi32, #tpu.memory_space<vmem>> -> memref<2048xi32, #tpu.memory_space<vmem>>
          %dma_wait3A_409 = arith.constant 0 : i32
          %dma_wait3A_410 = tpu.memref_slice %arg3[%dma_wait3A_398, %dma_wait3A_409] : memref<2x6400000xi32, #tpu.memory_space<hbm>> -> memref<1x2048xi32, #tpu.memory_space<hbm>>
          %dma_wait3A_411 = tpu.memref_squeeze %dma_wait3A_410 : memref<1x2048xi32, #tpu.memory_space<hbm>> -> memref<2048xi32, #tpu.memory_space<hbm>>
          tpu.wait_dma2 semaphore(%dma_wait3A_406 : memref<!tpu.dma_semaphore, #tpu.memory_space<semaphore_mem>>) src(%dma_wait3A_411 : memref<2048xi32, #tpu.memory_space<hbm>>) dst(%dma_wait3A_408 : memref<2048xi32, #tpu.memory_space<vmem>>)
        } else {
        }
        %convert_element_type3A_273 = arith.extui %lt3A_242 : i1 to i32
        %cond3A_274 = arith.constant 0 : i32
        %cond3A_275 = arith.cmpi ne, %convert_element_type3A_273, %cond3A_274 : i32
        scf.if %cond3A_275 {
          %dma_start3A_384 = arith.constant 0 : i32
          %dma_start3A_385 = arith.constant 0 : i32
          %dma_start3A_386 = arith.constant 0 : i32
          %dma_start3A_387 = tpu.memref_slice %arg9[%dma_start3A_385, %dma_start3A_386] : memref<2048x8xf32, #tpu.memory_space<vmem>> -> memref<512x8xf32, #tpu.memory_space<vmem>>
          %dma_start3A_388 = arith.constant 2048 : i32
          %dma_start3A_389 = tpu.memref_slice %arg7[%dma_start3A_388] : memref<4096xi32, #tpu.memory_space<vmem>> -> memref<512xi32, #tpu.memory_space<vmem>>
          %dma_start3A_390 = arith.constant 0 : i32
          %dma_start3A_391 = arith.constant 0 : i32
          %dma_start3A_392 = tpu.memref_slice %arg2[%dma_start3A_390, %dma_start3A_391] : memref<100000x8xf32, #tpu.memory_space<hbm>> -> memref<100000x8xf32, #tpu.memory_space<hbm>>
          %dma_start3A_393 = tpu.memref_slice %arg15[%dma_start3A_384] : memref<4x!tpu.dma_semaphore, #tpu.memory_space<semaphore_mem>> -> memref<1x!tpu.dma_semaphore, #tpu.memory_space<semaphore_mem>>
          %dma_start3A_394 = tpu.memref_squeeze %dma_start3A_393 : memref<1x!tpu.dma_semaphore, #tpu.memory_space<semaphore_mem>> -> memref<!tpu.dma_semaphore, #tpu.memory_space<semaphore_mem>>
          tpu.enqueue_indirect_dma source(%dma_start3A_392 : memref<100000x8xf32, #tpu.memory_space<hbm>>) target(%dma_start3A_387 : memref<512x8xf32, #tpu.memory_space<vmem>>) offsets(%dma_start3A_389 : memref<512xi32, #tpu.memory_space<vmem>>) semaphore(%dma_start3A_394 : memref<!tpu.dma_semaphore, #tpu.memory_space<semaphore_mem>>)
          %dma_start3A_395 = arith.constant 0 : i32
          %dma_start3A_396 = arith.constant 0 : i32
          %dma_start3A_397 = arith.constant 0 : i32
          %dma_start3A_398 = tpu.memref_slice %arg10[%dma_start3A_396, %dma_start3A_397] : memref<2048x8xf32, #tpu.memory_space<vmem>> -> memref<512x8xf32, #tpu.memory_space<vmem>>
          %dma_start3A_399 = arith.constant 2048 : i32
          %dma_start3A_400 = tpu.memref_slice %arg8[%dma_start3A_399] : memref<4096xi32, #tpu.memory_space<vmem>> -> memref<512xi32, #tpu.memory_space<vmem>>
          %dma_start3A_401 = arith.constant 0 : i32
          %dma_start3A_402 = arith.constant 0 : i32
          %dma_start3A_403 = tpu.memref_slice %arg2[%dma_start3A_401, %dma_start3A_402] : memref<100000x8xf32, #tpu.memory_space<hbm>> -> memref<100000x8xf32, #tpu.memory_space<hbm>>
          %dma_start3A_404 = tpu.memref_slice %arg15[%dma_start3A_395] : memref<4x!tpu.dma_semaphore, #tpu.memory_space<semaphore_mem>> -> memref<1x!tpu.dma_semaphore, #tpu.memory_space<semaphore_mem>>
          %dma_start3A_405 = tpu.memref_squeeze %dma_start3A_404 : memref<1x!tpu.dma_semaphore, #tpu.memory_space<semaphore_mem>> -> memref<!tpu.dma_semaphore, #tpu.memory_space<semaphore_mem>>
          tpu.enqueue_indirect_dma source(%dma_start3A_403 : memref<100000x8xf32, #tpu.memory_space<hbm>>) target(%dma_start3A_398 : memref<512x8xf32, #tpu.memory_space<vmem>>) offsets(%dma_start3A_400 : memref<512xi32, #tpu.memory_space<vmem>>) semaphore(%dma_start3A_405 : memref<!tpu.dma_semaphore, #tpu.memory_space<semaphore_mem>>)
        } else {
        }
        %dma_wait3A_276 = arith.constant 1 : i32
        %dma_wait3A_277 = arith.constant 512 : i32
        %dma_wait3A_278 = arith.constant 0 : i32
        %dma_wait3A_279 = tpu.memref_slice %arg9[%dma_wait3A_277, %dma_wait3A_278] : memref<2048x8xf32, #tpu.memory_space<vmem>> -> memref<512x8xf32, #tpu.memory_space<vmem>>
        %dma_wait3A_280 = arith.constant 0 : i32
        %dma_wait3A_281 = tpu.memref_slice %arg7[%dma_wait3A_280] : memref<4096xi32, #tpu.memory_space<vmem>> -> memref<512xi32, #tpu.memory_space<vmem>>
        %dma_wait3A_282 = arith.constant 0 : i32
        %dma_wait3A_283 = arith.constant 0 : i32
        %dma_wait3A_284 = tpu.memref_slice %arg2[%dma_wait3A_282, %dma_wait3A_283] : memref<100000x8xf32, #tpu.memory_space<hbm>> -> memref<100000x8xf32, #tpu.memory_space<hbm>>
        %dma_wait3A_285 = tpu.memref_slice %arg15[%dma_wait3A_276] : memref<4x!tpu.dma_semaphore, #tpu.memory_space<semaphore_mem>> -> memref<1x!tpu.dma_semaphore, #tpu.memory_space<semaphore_mem>>
        %dma_wait3A_286 = tpu.memref_squeeze %dma_wait3A_285 : memref<1x!tpu.dma_semaphore, #tpu.memory_space<semaphore_mem>> -> memref<!tpu.dma_semaphore, #tpu.memory_space<semaphore_mem>>
        tpu.wait_indirect_dma semaphore(%dma_wait3A_286 : memref<!tpu.dma_semaphore, #tpu.memory_space<semaphore_mem>>) src(%dma_wait3A_284 : memref<100000x8xf32, #tpu.memory_space<hbm>>) dst(%dma_wait3A_279 : memref<512x8xf32, #tpu.memory_space<vmem>>)
        %dma_wait3A_287 = arith.constant 1 : i32
        %dma_wait3A_288 = arith.constant 512 : i32
        %dma_wait3A_289 = arith.constant 0 : i32
        %dma_wait3A_290 = tpu.memref_slice %arg10[%dma_wait3A_288, %dma_wait3A_289] : memref<2048x8xf32, #tpu.memory_space<vmem>> -> memref<512x8xf32, #tpu.memory_space<vmem>>
        %dma_wait3A_291 = arith.constant 0 : i32
        %dma_wait3A_292 = tpu.memref_slice %arg7[%dma_wait3A_291] : memref<4096xi32, #tpu.memory_space<vmem>> -> memref<512xi32, #tpu.memory_space<vmem>>
        %dma_wait3A_293 = arith.constant 0 : i32
        %dma_wait3A_294 = arith.constant 0 : i32
        %dma_wait3A_295 = tpu.memref_slice %arg2[%dma_wait3A_293, %dma_wait3A_294] : memref<100000x8xf32, #tpu.memory_space<hbm>> -> memref<100000x8xf32, #tpu.memory_space<hbm>>
        %dma_wait3A_296 = tpu.memref_slice %arg15[%dma_wait3A_287] : memref<4x!tpu.dma_semaphore, #tpu.memory_space<semaphore_mem>> -> memref<1x!tpu.dma_semaphore, #tpu.memory_space<semaphore_mem>>
        %dma_wait3A_297 = tpu.memref_squeeze %dma_wait3A_296 : memref<1x!tpu.dma_semaphore, #tpu.memory_space<semaphore_mem>> -> memref<!tpu.dma_semaphore, #tpu.memory_space<semaphore_mem>>
        tpu.wait_indirect_dma semaphore(%dma_wait3A_297 : memref<!tpu.dma_semaphore, #tpu.memory_space<semaphore_mem>>) src(%dma_wait3A_295 : memref<100000x8xf32, #tpu.memory_space<hbm>>) dst(%dma_wait3A_290 : memref<512x8xf32, #tpu.memory_space<vmem>>)
        %scan3A_298 = arith.constant 0 : i32
        %scan3A_299 = arith.constant 32 : i32
        %scan3A_300 = arith.addi %scan3A_298, %scan3A_299 : i32
        %scan3A_301 = arith.constant 1 : i32
        scf.for %scan3A_384 = %scan3A_298 to %scan3A_300 step %scan3A_301  : i32 {
          %mul3A_385 = arith.constant 16 : i32
          %mul3A_386 = arith.muli %scan3A_384, %mul3A_385 : i32
          %add3A_387 = arith.constant 0 : i32
          %add3A_388 = arith.addi %add3A_387, %mul3A_386 : i32
          %add3A_389 = arith.constant 512 : i32
          %add3A_390 = arith.addi %add3A_389, %add3A_388 : i32
          %add3A_391 = vector.broadcast %add3A_390 : i32 to vector<16xi32>
          %add3A_392 = arith.addi %add3A_391, %iota3A : vector<16xi32>
          %gather3A = tpu.vector_load_idx %arg9[%add3A_392, %broadcast_in_dim3A_1] : memref<2048x8xf32, #tpu.memory_space<vmem>>[vector<16xi32>, vector<16xi32>], vector<16xf32>,
          %gather3A_393 = tpu.vector_load_idx %arg9[%add3A_392, %broadcast_in_dim3A_3] : memref<2048x8xf32, #tpu.memory_space<vmem>>[vector<16xi32>, vector<16xi32>], vector<16xf32>,
          %gather3A_394 = tpu.vector_load_idx %arg9[%add3A_392, %broadcast_in_dim3A_5] : memref<2048x8xf32, #tpu.memory_space<vmem>>[vector<16xi32>, vector<16xi32>], vector<16xf32>,
          %gather3A_395 = tpu.vector_load_idx %arg9[%add3A_392, %broadcast_in_dim3A_7] : memref<2048x8xf32, #tpu.memory_space<vmem>>[vector<16xi32>, vector<16xi32>], vector<16xf32>,
          %gather3A_396 = tpu.vector_load_idx %arg10[%add3A_392, %broadcast_in_dim3A_1] : memref<2048x8xf32, #tpu.memory_space<vmem>>[vector<16xi32>, vector<16xi32>], vector<16xf32>,
          %gather3A_397 = tpu.vector_load_idx %arg10[%add3A_392, %broadcast_in_dim3A_3] : memref<2048x8xf32, #tpu.memory_space<vmem>>[vector<16xi32>, vector<16xi32>], vector<16xf32>,
          %gather3A_398 = tpu.vector_load_idx %arg10[%add3A_392, %broadcast_in_dim3A_5] : memref<2048x8xf32, #tpu.memory_space<vmem>>[vector<16xi32>, vector<16xi32>], vector<16xf32>,
          %gather3A_399 = tpu.vector_load_idx %arg10[%add3A_392, %broadcast_in_dim3A_7] : memref<2048x8xf32, #tpu.memory_space<vmem>>[vector<16xi32>, vector<16xi32>], vector<16xf32>,
          %sub3A_400 = arith.subf %gather3A_396, %gather3A : vector<16xf32>
          %sub3A_401 = arith.subf %gather3A_397, %gather3A_393 : vector<16xf32>
          %sub3A_402 = arith.subf %gather3A_398, %gather3A_394 : vector<16xf32>
          %mul3A_403 = arith.mulf %sub3A_400, %sub3A_400 : vector<16xf32>
          %mul3A_404 = arith.mulf %sub3A_401, %sub3A_401 : vector<16xf32>
          %add3A_405 = arith.addf %mul3A_403, %mul3A_404 : vector<16xf32>
          %mul3A_406 = arith.mulf %sub3A_402, %sub3A_402 : vector<16xf32>
          %add3A_407 = arith.addf %add3A_405, %mul3A_406 : vector<16xf32>
          %add3A_408 = arith.constant 9.99999996E-13 : f32
          %add3A_409 = vector.broadcast %add3A_408 : f32 to vector<16xf32>
          %add3A_410 = arith.addf %add3A_407, %add3A_409 : vector<16xf32>
          %bitcast3A = vector.bitcast %add3A_410 : vector<16xf32> to vector<16xi32>
          %shift_right_logical3A = arith.constant 1 : i32
          %shift_right_logical3A_411 = vector.broadcast %shift_right_logical3A : i32 to vector<16xi32>
          %shift_right_logical3A_412 = arith.shrui %bitcast3A, %shift_right_logical3A_411 : vector<16xi32>
          %sub3A_413 = arith.constant 1597463007 : i32
          %sub3A_414 = vector.broadcast %sub3A_413 : i32 to vector<16xi32>
          %sub3A_415 = arith.subi %sub3A_414, %shift_right_logical3A_412 : vector<16xi32>
          %bitcast3A_416 = vector.bitcast %sub3A_415 : vector<16xi32> to vector<16xf32>
          %mul3A_417 = arith.constant 5.000000e-01 : f32
          %mul3A_418 = vector.broadcast %mul3A_417 : f32 to vector<16xf32>
          %mul3A_419 = arith.mulf %add3A_410, %mul3A_418 : vector<16xf32>
          %mul3A_420 = arith.mulf %mul3A_419, %bitcast3A_416 : vector<16xf32>
          %mul3A_421 = arith.mulf %mul3A_420, %bitcast3A_416 : vector<16xf32>
          %sub3A_422 = arith.constant 1.500000e+00 : f32
          %sub3A_423 = vector.broadcast %sub3A_422 : f32 to vector<16xf32>
          %sub3A_424 = arith.subf %sub3A_423, %mul3A_421 : vector<16xf32>
          %mul3A_425 = arith.mulf %bitcast3A_416, %sub3A_424 : vector<16xf32>
          %mul3A_426 = arith.mulf %mul3A_419, %mul3A_425 : vector<16xf32>
          %mul3A_427 = arith.mulf %mul3A_426, %mul3A_425 : vector<16xf32>
          %sub3A_428 = arith.constant 1.500000e+00 : f32
          %sub3A_429 = vector.broadcast %sub3A_428 : f32 to vector<16xf32>
          %sub3A_430 = arith.subf %sub3A_429, %mul3A_427 : vector<16xf32>
          %mul3A_431 = arith.mulf %mul3A_425, %sub3A_430 : vector<16xf32>
          %mul3A_432 = arith.mulf %mul3A_419, %mul3A_431 : vector<16xf32>
          %mul3A_433 = arith.mulf %mul3A_432, %mul3A_431 : vector<16xf32>
          %sub3A_434 = arith.constant 1.500000e+00 : f32
          %sub3A_435 = vector.broadcast %sub3A_434 : f32 to vector<16xf32>
          %sub3A_436 = arith.subf %sub3A_435, %mul3A_433 : vector<16xf32>
          %mul3A_437 = arith.mulf %mul3A_431, %sub3A_436 : vector<16xf32>
          %mul3A_438 = arith.mulf %add3A_410, %mul3A_437 : vector<16xf32>
          %convert_element_type3A_439 = arith.fptosi %gather3A_395 : vector<16xf32> to vector<16xi32>
          %convert_element_type3A_440 = arith.fptosi %gather3A_399 : vector<16xf32> to vector<16xi32>
          %mul3A_441 = arith.constant 25 : i32
          %mul3A_442 = vector.broadcast %mul3A_441 : i32 to vector<16xi32>
          %mul3A_443 = arith.muli %convert_element_type3A_439, %mul3A_442 : vector<16xi32>
          %add3A_444 = arith.addi %mul3A_443, %convert_element_type3A_440 : vector<16xi32>
          %gather3A_445 = tpu.vector_load_idx %arg12[%add3A_444] : memref<640xf32, #tpu.memory_space<vmem>>[vector<16xi32>], vector<16xf32>,
          %gather3A_446 = tpu.vector_load_idx %arg13[%add3A_444] : memref<640xf32, #tpu.memory_space<vmem>>[vector<16xi32>], vector<16xf32>,
          %sub3A_447 = arith.subf %mul3A_438, %gather3A_445 : vector<16xf32>
          %mul3A_448 = arith.mulf %gather3A_446, %sub3A_447 : vector<16xf32>
          %mul3A_449 = arith.mulf %mul3A_448, %sub3A_447 : vector<16xf32>
          %add3A_450 = arith.constant 512 : i32
          %add3A_451 = arith.addi %add3A_450, %add3A_388 : i32
          %swap3A = arith.index_cast %add3A_451 : i32 to index
          %swap3A_452 = tpu.vector_load %arg11[%swap3A] {strides = array<i32>} : memref<4096xf32, #tpu.memory_space<vmem>>, vector<16xf32>,
          tpu.vector_store %arg11[%swap3A], %mul3A_449 {strides = array<i32>} : memref<4096xf32, #tpu.memory_space<vmem>>, vector<16xf32>,
        }
        %scan3A_302 = arith.constant 32 : i32
        %convert_element_type3A_303 = arith.extui %lt3A_242 : i1 to i32
        %cond3A_304 = arith.constant 0 : i32
        %cond3A_305 = arith.cmpi ne, %convert_element_type3A_303, %cond3A_304 : i32
        scf.if %cond3A_305 {
          %dma_start3A_384 = arith.constant 1 : i32
          %dma_start3A_385 = arith.constant 512 : i32
          %dma_start3A_386 = arith.constant 0 : i32
          %dma_start3A_387 = tpu.memref_slice %arg9[%dma_start3A_385, %dma_start3A_386] : memref<2048x8xf32, #tpu.memory_space<vmem>> -> memref<512x8xf32, #tpu.memory_space<vmem>>
          %dma_start3A_388 = arith.constant 2560 : i32
          %dma_start3A_389 = tpu.memref_slice %arg7[%dma_start3A_388] : memref<4096xi32, #tpu.memory_space<vmem>> -> memref<512xi32, #tpu.memory_space<vmem>>
          %dma_start3A_390 = arith.constant 0 : i32
          %dma_start3A_391 = arith.constant 0 : i32
          %dma_start3A_392 = tpu.memref_slice %arg2[%dma_start3A_390, %dma_start3A_391] : memref<100000x8xf32, #tpu.memory_space<hbm>> -> memref<100000x8xf32, #tpu.memory_space<hbm>>
          %dma_start3A_393 = tpu.memref_slice %arg15[%dma_start3A_384] : memref<4x!tpu.dma_semaphore, #tpu.memory_space<semaphore_mem>> -> memref<1x!tpu.dma_semaphore, #tpu.memory_space<semaphore_mem>>
          %dma_start3A_394 = tpu.memref_squeeze %dma_start3A_393 : memref<1x!tpu.dma_semaphore, #tpu.memory_space<semaphore_mem>> -> memref<!tpu.dma_semaphore, #tpu.memory_space<semaphore_mem>>
          tpu.enqueue_indirect_dma source(%dma_start3A_392 : memref<100000x8xf32, #tpu.memory_space<hbm>>) target(%dma_start3A_387 : memref<512x8xf32, #tpu.memory_space<vmem>>) offsets(%dma_start3A_389 : memref<512xi32, #tpu.memory_space<vmem>>) semaphore(%dma_start3A_394 : memref<!tpu.dma_semaphore, #tpu.memory_space<semaphore_mem>>)
          %dma_start3A_395 = arith.constant 1 : i32
          %dma_start3A_396 = arith.constant 512 : i32
          %dma_start3A_397 = arith.constant 0 : i32
          %dma_start3A_398 = tpu.memref_slice %arg10[%dma_start3A_396, %dma_start3A_397] : memref<2048x8xf32, #tpu.memory_space<vmem>> -> memref<512x8xf32, #tpu.memory_space<vmem>>
          %dma_start3A_399 = arith.constant 2560 : i32
          %dma_start3A_400 = tpu.memref_slice %arg8[%dma_start3A_399] : memref<4096xi32, #tpu.memory_space<vmem>> -> memref<512xi32, #tpu.memory_space<vmem>>
          %dma_start3A_401 = arith.constant 0 : i32
          %dma_start3A_402 = arith.constant 0 : i32
          %dma_start3A_403 = tpu.memref_slice %arg2[%dma_start3A_401, %dma_start3A_402] : memref<100000x8xf32, #tpu.memory_space<hbm>> -> memref<100000x8xf32, #tpu.memory_space<hbm>>
          %dma_start3A_404 = tpu.memref_slice %arg15[%dma_start3A_395] : memref<4x!tpu.dma_semaphore, #tpu.memory_space<semaphore_mem>> -> memref<1x!tpu.dma_semaphore, #tpu.memory_space<semaphore_mem>>
          %dma_start3A_405 = tpu.memref_squeeze %dma_start3A_404 : memref<1x!tpu.dma_semaphore, #tpu.memory_space<semaphore_mem>> -> memref<!tpu.dma_semaphore, #tpu.memory_space<semaphore_mem>>
          tpu.enqueue_indirect_dma source(%dma_start3A_403 : memref<100000x8xf32, #tpu.memory_space<hbm>>) target(%dma_start3A_398 : memref<512x8xf32, #tpu.memory_space<vmem>>) offsets(%dma_start3A_400 : memref<512xi32, #tpu.memory_space<vmem>>) semaphore(%dma_start3A_405 : memref<!tpu.dma_semaphore, #tpu.memory_space<semaphore_mem>>)
        } else {
        }
        %dma_wait3A_306 = arith.constant 2 : i32
        %dma_wait3A_307 = arith.constant 1024 : i32
        %dma_wait3A_308 = arith.constant 0 : i32
        %dma_wait3A_309 = tpu.memref_slice %arg9[%dma_wait3A_307, %dma_wait3A_308] : memref<2048x8xf32, #tpu.memory_space<vmem>> -> memref<512x8xf32, #tpu.memory_space<vmem>>
        %dma_wait3A_310 = arith.constant 0 : i32
        %dma_wait3A_311 = tpu.memref_slice %arg7[%dma_wait3A_310] : memref<4096xi32, #tpu.memory_space<vmem>> -> memref<512xi32, #tpu.memory_space<vmem>>
        %dma_wait3A_312 = arith.constant 0 : i32
        %dma_wait3A_313 = arith.constant 0 : i32
        %dma_wait3A_314 = tpu.memref_slice %arg2[%dma_wait3A_312, %dma_wait3A_313] : memref<100000x8xf32, #tpu.memory_space<hbm>> -> memref<100000x8xf32, #tpu.memory_space<hbm>>
        %dma_wait3A_315 = tpu.memref_slice %arg15[%dma_wait3A_306] : memref<4x!tpu.dma_semaphore, #tpu.memory_space<semaphore_mem>> -> memref<1x!tpu.dma_semaphore, #tpu.memory_space<semaphore_mem>>
        %dma_wait3A_316 = tpu.memref_squeeze %dma_wait3A_315 : memref<1x!tpu.dma_semaphore, #tpu.memory_space<semaphore_mem>> -> memref<!tpu.dma_semaphore, #tpu.memory_space<semaphore_mem>>
        tpu.wait_indirect_dma semaphore(%dma_wait3A_316 : memref<!tpu.dma_semaphore, #tpu.memory_space<semaphore_mem>>) src(%dma_wait3A_314 : memref<100000x8xf32, #tpu.memory_space<hbm>>) dst(%dma_wait3A_309 : memref<512x8xf32, #tpu.memory_space<vmem>>)
        %dma_wait3A_317 = arith.constant 2 : i32
        %dma_wait3A_318 = arith.constant 1024 : i32
        %dma_wait3A_319 = arith.constant 0 : i32
        %dma_wait3A_320 = tpu.memref_slice %arg10[%dma_wait3A_318, %dma_wait3A_319] : memref<2048x8xf32, #tpu.memory_space<vmem>> -> memref<512x8xf32, #tpu.memory_space<vmem>>
        %dma_wait3A_321 = arith.constant 0 : i32
        %dma_wait3A_322 = tpu.memref_slice %arg7[%dma_wait3A_321] : memref<4096xi32, #tpu.memory_space<vmem>> -> memref<512xi32, #tpu.memory_space<vmem>>
        %dma_wait3A_323 = arith.constant 0 : i32
        %dma_wait3A_324 = arith.constant 0 : i32
        %dma_wait3A_325 = tpu.memref_slice %arg2[%dma_wait3A_323, %dma_wait3A_324] : memref<100000x8xf32, #tpu.memory_space<hbm>> -> memref<100000x8xf32, #tpu.memory_space<hbm>>
        %dma_wait3A_326 = tpu.memref_slice %arg15[%dma_wait3A_317] : memref<4x!tpu.dma_semaphore, #tpu.memory_space<semaphore_mem>> -> memref<1x!tpu.dma_semaphore, #tpu.memory_space<semaphore_mem>>
        %dma_wait3A_327 = tpu.memref_squeeze %dma_wait3A_326 : memref<1x!tpu.dma_semaphore, #tpu.memory_space<semaphore_mem>> -> memref<!tpu.dma_semaphore, #tpu.memory_space<semaphore_mem>>
        tpu.wait_indirect_dma semaphore(%dma_wait3A_327 : memref<!tpu.dma_semaphore, #tpu.memory_space<semaphore_mem>>) src(%dma_wait3A_325 : memref<100000x8xf32, #tpu.memory_space<hbm>>) dst(%dma_wait3A_320 : memref<512x8xf32, #tpu.memory_space<vmem>>)
        %scan3A_328 = arith.constant 0 : i32
        %scan3A_329 = arith.constant 32 : i32
        %scan3A_330 = arith.addi %scan3A_328, %scan3A_329 : i32
        %scan3A_331 = arith.constant 1 : i32
        scf.for %scan3A_384 = %scan3A_328 to %scan3A_330 step %scan3A_331  : i32 {
          %mul3A_385 = arith.constant 16 : i32
          %mul3A_386 = arith.muli %scan3A_384, %mul3A_385 : i32
          %add3A_387 = arith.constant 0 : i32
          %add3A_388 = arith.addi %add3A_387, %mul3A_386 : i32
          %add3A_389 = arith.constant 1024 : i32
          %add3A_390 = arith.addi %add3A_389, %add3A_388 : i32
          %add3A_391 = vector.broadcast %add3A_390 : i32 to vector<16xi32>
          %add3A_392 = arith.addi %add3A_391, %iota3A : vector<16xi32>
          %gather3A = tpu.vector_load_idx %arg9[%add3A_392, %broadcast_in_dim3A_1] : memref<2048x8xf32, #tpu.memory_space<vmem>>[vector<16xi32>, vector<16xi32>], vector<16xf32>,
          %gather3A_393 = tpu.vector_load_idx %arg9[%add3A_392, %broadcast_in_dim3A_3] : memref<2048x8xf32, #tpu.memory_space<vmem>>[vector<16xi32>, vector<16xi32>], vector<16xf32>,
          %gather3A_394 = tpu.vector_load_idx %arg9[%add3A_392, %broadcast_in_dim3A_5] : memref<2048x8xf32, #tpu.memory_space<vmem>>[vector<16xi32>, vector<16xi32>], vector<16xf32>,
          %gather3A_395 = tpu.vector_load_idx %arg9[%add3A_392, %broadcast_in_dim3A_7] : memref<2048x8xf32, #tpu.memory_space<vmem>>[vector<16xi32>, vector<16xi32>], vector<16xf32>,
          %gather3A_396 = tpu.vector_load_idx %arg10[%add3A_392, %broadcast_in_dim3A_1] : memref<2048x8xf32, #tpu.memory_space<vmem>>[vector<16xi32>, vector<16xi32>], vector<16xf32>,
          %gather3A_397 = tpu.vector_load_idx %arg10[%add3A_392, %broadcast_in_dim3A_3] : memref<2048x8xf32, #tpu.memory_space<vmem>>[vector<16xi32>, vector<16xi32>], vector<16xf32>,
          %gather3A_398 = tpu.vector_load_idx %arg10[%add3A_392, %broadcast_in_dim3A_5] : memref<2048x8xf32, #tpu.memory_space<vmem>>[vector<16xi32>, vector<16xi32>], vector<16xf32>,
          %gather3A_399 = tpu.vector_load_idx %arg10[%add3A_392, %broadcast_in_dim3A_7] : memref<2048x8xf32, #tpu.memory_space<vmem>>[vector<16xi32>, vector<16xi32>], vector<16xf32>,
          %sub3A_400 = arith.subf %gather3A_396, %gather3A : vector<16xf32>
          %sub3A_401 = arith.subf %gather3A_397, %gather3A_393 : vector<16xf32>
          %sub3A_402 = arith.subf %gather3A_398, %gather3A_394 : vector<16xf32>
          %mul3A_403 = arith.mulf %sub3A_400, %sub3A_400 : vector<16xf32>
          %mul3A_404 = arith.mulf %sub3A_401, %sub3A_401 : vector<16xf32>
          %add3A_405 = arith.addf %mul3A_403, %mul3A_404 : vector<16xf32>
          %mul3A_406 = arith.mulf %sub3A_402, %sub3A_402 : vector<16xf32>
          %add3A_407 = arith.addf %add3A_405, %mul3A_406 : vector<16xf32>
          %add3A_408 = arith.constant 9.99999996E-13 : f32
          %add3A_409 = vector.broadcast %add3A_408 : f32 to vector<16xf32>
          %add3A_410 = arith.addf %add3A_407, %add3A_409 : vector<16xf32>
          %bitcast3A = vector.bitcast %add3A_410 : vector<16xf32> to vector<16xi32>
          %shift_right_logical3A = arith.constant 1 : i32
          %shift_right_logical3A_411 = vector.broadcast %shift_right_logical3A : i32 to vector<16xi32>
          %shift_right_logical3A_412 = arith.shrui %bitcast3A, %shift_right_logical3A_411 : vector<16xi32>
          %sub3A_413 = arith.constant 1597463007 : i32
          %sub3A_414 = vector.broadcast %sub3A_413 : i32 to vector<16xi32>
          %sub3A_415 = arith.subi %sub3A_414, %shift_right_logical3A_412 : vector<16xi32>
          %bitcast3A_416 = vector.bitcast %sub3A_415 : vector<16xi32> to vector<16xf32>
          %mul3A_417 = arith.constant 5.000000e-01 : f32
          %mul3A_418 = vector.broadcast %mul3A_417 : f32 to vector<16xf32>
          %mul3A_419 = arith.mulf %add3A_410, %mul3A_418 : vector<16xf32>
          %mul3A_420 = arith.mulf %mul3A_419, %bitcast3A_416 : vector<16xf32>
          %mul3A_421 = arith.mulf %mul3A_420, %bitcast3A_416 : vector<16xf32>
          %sub3A_422 = arith.constant 1.500000e+00 : f32
          %sub3A_423 = vector.broadcast %sub3A_422 : f32 to vector<16xf32>
          %sub3A_424 = arith.subf %sub3A_423, %mul3A_421 : vector<16xf32>
          %mul3A_425 = arith.mulf %bitcast3A_416, %sub3A_424 : vector<16xf32>
          %mul3A_426 = arith.mulf %mul3A_419, %mul3A_425 : vector<16xf32>
          %mul3A_427 = arith.mulf %mul3A_426, %mul3A_425 : vector<16xf32>
          %sub3A_428 = arith.constant 1.500000e+00 : f32
          %sub3A_429 = vector.broadcast %sub3A_428 : f32 to vector<16xf32>
          %sub3A_430 = arith.subf %sub3A_429, %mul3A_427 : vector<16xf32>
          %mul3A_431 = arith.mulf %mul3A_425, %sub3A_430 : vector<16xf32>
          %mul3A_432 = arith.mulf %mul3A_419, %mul3A_431 : vector<16xf32>
          %mul3A_433 = arith.mulf %mul3A_432, %mul3A_431 : vector<16xf32>
          %sub3A_434 = arith.constant 1.500000e+00 : f32
          %sub3A_435 = vector.broadcast %sub3A_434 : f32 to vector<16xf32>
          %sub3A_436 = arith.subf %sub3A_435, %mul3A_433 : vector<16xf32>
          %mul3A_437 = arith.mulf %mul3A_431, %sub3A_436 : vector<16xf32>
          %mul3A_438 = arith.mulf %add3A_410, %mul3A_437 : vector<16xf32>
          %convert_element_type3A_439 = arith.fptosi %gather3A_395 : vector<16xf32> to vector<16xi32>
          %convert_element_type3A_440 = arith.fptosi %gather3A_399 : vector<16xf32> to vector<16xi32>
          %mul3A_441 = arith.constant 25 : i32
          %mul3A_442 = vector.broadcast %mul3A_441 : i32 to vector<16xi32>
          %mul3A_443 = arith.muli %convert_element_type3A_439, %mul3A_442 : vector<16xi32>
          %add3A_444 = arith.addi %mul3A_443, %convert_element_type3A_440 : vector<16xi32>
          %gather3A_445 = tpu.vector_load_idx %arg12[%add3A_444] : memref<640xf32, #tpu.memory_space<vmem>>[vector<16xi32>], vector<16xf32>,
          %gather3A_446 = tpu.vector_load_idx %arg13[%add3A_444] : memref<640xf32, #tpu.memory_space<vmem>>[vector<16xi32>], vector<16xf32>,
          %sub3A_447 = arith.subf %mul3A_438, %gather3A_445 : vector<16xf32>
          %mul3A_448 = arith.mulf %gather3A_446, %sub3A_447 : vector<16xf32>
          %mul3A_449 = arith.mulf %mul3A_448, %sub3A_447 : vector<16xf32>
          %add3A_450 = arith.constant 1024 : i32
          %add3A_451 = arith.addi %add3A_450, %add3A_388 : i32
          %swap3A = arith.index_cast %add3A_451 : i32 to index
          %swap3A_452 = tpu.vector_load %arg11[%swap3A] {strides = array<i32>} : memref<4096xf32, #tpu.memory_space<vmem>>, vector<16xf32>,
          tpu.vector_store %arg11[%swap3A], %mul3A_449 {strides = array<i32>} : memref<4096xf32, #tpu.memory_space<vmem>>, vector<16xf32>,
        }
        %scan3A_332 = arith.constant 32 : i32
        %convert_element_type3A_333 = arith.extui %lt3A_242 : i1 to i32
        %cond3A_334 = arith.constant 0 : i32
        %cond3A_335 = arith.cmpi ne, %convert_element_type3A_333, %cond3A_334 : i32
        scf.if %cond3A_335 {
          %dma_start3A_384 = arith.constant 2 : i32
          %dma_start3A_385 = arith.constant 1024 : i32
          %dma_start3A_386 = arith.constant 0 : i32
          %dma_start3A_387 = tpu.memref_slice %arg9[%dma_start3A_385, %dma_start3A_386] : memref<2048x8xf32, #tpu.memory_space<vmem>> -> memref<512x8xf32, #tpu.memory_space<vmem>>
          %dma_start3A_388 = arith.constant 3072 : i32
          %dma_start3A_389 = tpu.memref_slice %arg7[%dma_start3A_388] : memref<4096xi32, #tpu.memory_space<vmem>> -> memref<512xi32, #tpu.memory_space<vmem>>
          %dma_start3A_390 = arith.constant 0 : i32
          %dma_start3A_391 = arith.constant 0 : i32
          %dma_start3A_392 = tpu.memref_slice %arg2[%dma_start3A_390, %dma_start3A_391] : memref<100000x8xf32, #tpu.memory_space<hbm>> -> memref<100000x8xf32, #tpu.memory_space<hbm>>
          %dma_start3A_393 = tpu.memref_slice %arg15[%dma_start3A_384] : memref<4x!tpu.dma_semaphore, #tpu.memory_space<semaphore_mem>> -> memref<1x!tpu.dma_semaphore, #tpu.memory_space<semaphore_mem>>
          %dma_start3A_394 = tpu.memref_squeeze %dma_start3A_393 : memref<1x!tpu.dma_semaphore, #tpu.memory_space<semaphore_mem>> -> memref<!tpu.dma_semaphore, #tpu.memory_space<semaphore_mem>>
          tpu.enqueue_indirect_dma source(%dma_start3A_392 : memref<100000x8xf32, #tpu.memory_space<hbm>>) target(%dma_start3A_387 : memref<512x8xf32, #tpu.memory_space<vmem>>) offsets(%dma_start3A_389 : memref<512xi32, #tpu.memory_space<vmem>>) semaphore(%dma_start3A_394 : memref<!tpu.dma_semaphore, #tpu.memory_space<semaphore_mem>>)
          %dma_start3A_395 = arith.constant 2 : i32
          %dma_start3A_396 = arith.constant 1024 : i32
          %dma_start3A_397 = arith.constant 0 : i32
          %dma_start3A_398 = tpu.memref_slice %arg10[%dma_start3A_396, %dma_start3A_397] : memref<2048x8xf32, #tpu.memory_space<vmem>> -> memref<512x8xf32, #tpu.memory_space<vmem>>
          %dma_start3A_399 = arith.constant 3072 : i32
          %dma_start3A_400 = tpu.memref_slice %arg8[%dma_start3A_399] : memref<4096xi32, #tpu.memory_space<vmem>> -> memref<512xi32, #tpu.memory_space<vmem>>
          %dma_start3A_401 = arith.constant 0 : i32
          %dma_start3A_402 = arith.constant 0 : i32
          %dma_start3A_403 = tpu.memref_slice %arg2[%dma_start3A_401, %dma_start3A_402] : memref<100000x8xf32, #tpu.memory_space<hbm>> -> memref<100000x8xf32, #tpu.memory_space<hbm>>
          %dma_start3A_404 = tpu.memref_slice %arg15[%dma_start3A_395] : memref<4x!tpu.dma_semaphore, #tpu.memory_space<semaphore_mem>> -> memref<1x!tpu.dma_semaphore, #tpu.memory_space<semaphore_mem>>
          %dma_start3A_405 = tpu.memref_squeeze %dma_start3A_404 : memref<1x!tpu.dma_semaphore, #tpu.memory_space<semaphore_mem>> -> memref<!tpu.dma_semaphore, #tpu.memory_space<semaphore_mem>>
          tpu.enqueue_indirect_dma source(%dma_start3A_403 : memref<100000x8xf32, #tpu.memory_space<hbm>>) target(%dma_start3A_398 : memref<512x8xf32, #tpu.memory_space<vmem>>) offsets(%dma_start3A_400 : memref<512xi32, #tpu.memory_space<vmem>>) semaphore(%dma_start3A_405 : memref<!tpu.dma_semaphore, #tpu.memory_space<semaphore_mem>>)
        } else {
        }
        %dma_wait3A_336 = arith.constant 3 : i32
        %dma_wait3A_337 = arith.constant 1536 : i32
        %dma_wait3A_338 = arith.constant 0 : i32
        %dma_wait3A_339 = tpu.memref_slice %arg9[%dma_wait3A_337, %dma_wait3A_338] : memref<2048x8xf32, #tpu.memory_space<vmem>> -> memref<512x8xf32, #tpu.memory_space<vmem>>
        %dma_wait3A_340 = arith.constant 0 : i32
        %dma_wait3A_341 = tpu.memref_slice %arg7[%dma_wait3A_340] : memref<4096xi32, #tpu.memory_space<vmem>> -> memref<512xi32, #tpu.memory_space<vmem>>
        %dma_wait3A_342 = arith.constant 0 : i32
        %dma_wait3A_343 = arith.constant 0 : i32
        %dma_wait3A_344 = tpu.memref_slice %arg2[%dma_wait3A_342, %dma_wait3A_343] : memref<100000x8xf32, #tpu.memory_space<hbm>> -> memref<100000x8xf32, #tpu.memory_space<hbm>>
        %dma_wait3A_345 = tpu.memref_slice %arg15[%dma_wait3A_336] : memref<4x!tpu.dma_semaphore, #tpu.memory_space<semaphore_mem>> -> memref<1x!tpu.dma_semaphore, #tpu.memory_space<semaphore_mem>>
        %dma_wait3A_346 = tpu.memref_squeeze %dma_wait3A_345 : memref<1x!tpu.dma_semaphore, #tpu.memory_space<semaphore_mem>> -> memref<!tpu.dma_semaphore, #tpu.memory_space<semaphore_mem>>
        tpu.wait_indirect_dma semaphore(%dma_wait3A_346 : memref<!tpu.dma_semaphore, #tpu.memory_space<semaphore_mem>>) src(%dma_wait3A_344 : memref<100000x8xf32, #tpu.memory_space<hbm>>) dst(%dma_wait3A_339 : memref<512x8xf32, #tpu.memory_space<vmem>>)
        %dma_wait3A_347 = arith.constant 3 : i32
        %dma_wait3A_348 = arith.constant 1536 : i32
        %dma_wait3A_349 = arith.constant 0 : i32
        %dma_wait3A_350 = tpu.memref_slice %arg10[%dma_wait3A_348, %dma_wait3A_349] : memref<2048x8xf32, #tpu.memory_space<vmem>> -> memref<512x8xf32, #tpu.memory_space<vmem>>
        %dma_wait3A_351 = arith.constant 0 : i32
        %dma_wait3A_352 = tpu.memref_slice %arg7[%dma_wait3A_351] : memref<4096xi32, #tpu.memory_space<vmem>> -> memref<512xi32, #tpu.memory_space<vmem>>
        %dma_wait3A_353 = arith.constant 0 : i32
        %dma_wait3A_354 = arith.constant 0 : i32
        %dma_wait3A_355 = tpu.memref_slice %arg2[%dma_wait3A_353, %dma_wait3A_354] : memref<100000x8xf32, #tpu.memory_space<hbm>> -> memref<100000x8xf32, #tpu.memory_space<hbm>>
        %dma_wait3A_356 = tpu.memref_slice %arg15[%dma_wait3A_347] : memref<4x!tpu.dma_semaphore, #tpu.memory_space<semaphore_mem>> -> memref<1x!tpu.dma_semaphore, #tpu.memory_space<semaphore_mem>>
        %dma_wait3A_357 = tpu.memref_squeeze %dma_wait3A_356 : memref<1x!tpu.dma_semaphore, #tpu.memory_space<semaphore_mem>> -> memref<!tpu.dma_semaphore, #tpu.memory_space<semaphore_mem>>
        tpu.wait_indirect_dma semaphore(%dma_wait3A_357 : memref<!tpu.dma_semaphore, #tpu.memory_space<semaphore_mem>>) src(%dma_wait3A_355 : memref<100000x8xf32, #tpu.memory_space<hbm>>) dst(%dma_wait3A_350 : memref<512x8xf32, #tpu.memory_space<vmem>>)
        %scan3A_358 = arith.constant 0 : i32
        %scan3A_359 = arith.constant 32 : i32
        %scan3A_360 = arith.addi %scan3A_358, %scan3A_359 : i32
        %scan3A_361 = arith.constant 1 : i32
        scf.for %scan3A_384 = %scan3A_358 to %scan3A_360 step %scan3A_361  : i32 {
          %mul3A_385 = arith.constant 16 : i32
          %mul3A_386 = arith.muli %scan3A_384, %mul3A_385 : i32
          %add3A_387 = arith.constant 0 : i32
          %add3A_388 = arith.addi %add3A_387, %mul3A_386 : i32
          %add3A_389 = arith.constant 1536 : i32
          %add3A_390 = arith.addi %add3A_389, %add3A_388 : i32
          %add3A_391 = vector.broadcast %add3A_390 : i32 to vector<16xi32>
          %add3A_392 = arith.addi %add3A_391, %iota3A : vector<16xi32>
          %gather3A = tpu.vector_load_idx %arg9[%add3A_392, %broadcast_in_dim3A_1] : memref<2048x8xf32, #tpu.memory_space<vmem>>[vector<16xi32>, vector<16xi32>], vector<16xf32>,
          %gather3A_393 = tpu.vector_load_idx %arg9[%add3A_392, %broadcast_in_dim3A_3] : memref<2048x8xf32, #tpu.memory_space<vmem>>[vector<16xi32>, vector<16xi32>], vector<16xf32>,
          %gather3A_394 = tpu.vector_load_idx %arg9[%add3A_392, %broadcast_in_dim3A_5] : memref<2048x8xf32, #tpu.memory_space<vmem>>[vector<16xi32>, vector<16xi32>], vector<16xf32>,
          %gather3A_395 = tpu.vector_load_idx %arg9[%add3A_392, %broadcast_in_dim3A_7] : memref<2048x8xf32, #tpu.memory_space<vmem>>[vector<16xi32>, vector<16xi32>], vector<16xf32>,
          %gather3A_396 = tpu.vector_load_idx %arg10[%add3A_392, %broadcast_in_dim3A_1] : memref<2048x8xf32, #tpu.memory_space<vmem>>[vector<16xi32>, vector<16xi32>], vector<16xf32>,
          %gather3A_397 = tpu.vector_load_idx %arg10[%add3A_392, %broadcast_in_dim3A_3] : memref<2048x8xf32, #tpu.memory_space<vmem>>[vector<16xi32>, vector<16xi32>], vector<16xf32>,
          %gather3A_398 = tpu.vector_load_idx %arg10[%add3A_392, %broadcast_in_dim3A_5] : memref<2048x8xf32, #tpu.memory_space<vmem>>[vector<16xi32>, vector<16xi32>], vector<16xf32>,
          %gather3A_399 = tpu.vector_load_idx %arg10[%add3A_392, %broadcast_in_dim3A_7] : memref<2048x8xf32, #tpu.memory_space<vmem>>[vector<16xi32>, vector<16xi32>], vector<16xf32>,
          %sub3A_400 = arith.subf %gather3A_396, %gather3A : vector<16xf32>
          %sub3A_401 = arith.subf %gather3A_397, %gather3A_393 : vector<16xf32>
          %sub3A_402 = arith.subf %gather3A_398, %gather3A_394 : vector<16xf32>
          %mul3A_403 = arith.mulf %sub3A_400, %sub3A_400 : vector<16xf32>
          %mul3A_404 = arith.mulf %sub3A_401, %sub3A_401 : vector<16xf32>
          %add3A_405 = arith.addf %mul3A_403, %mul3A_404 : vector<16xf32>
          %mul3A_406 = arith.mulf %sub3A_402, %sub3A_402 : vector<16xf32>
          %add3A_407 = arith.addf %add3A_405, %mul3A_406 : vector<16xf32>
          %add3A_408 = arith.constant 9.99999996E-13 : f32
          %add3A_409 = vector.broadcast %add3A_408 : f32 to vector<16xf32>
          %add3A_410 = arith.addf %add3A_407, %add3A_409 : vector<16xf32>
          %bitcast3A = vector.bitcast %add3A_410 : vector<16xf32> to vector<16xi32>
          %shift_right_logical3A = arith.constant 1 : i32
          %shift_right_logical3A_411 = vector.broadcast %shift_right_logical3A : i32 to vector<16xi32>
          %shift_right_logical3A_412 = arith.shrui %bitcast3A, %shift_right_logical3A_411 : vector<16xi32>
          %sub3A_413 = arith.constant 1597463007 : i32
          %sub3A_414 = vector.broadcast %sub3A_413 : i32 to vector<16xi32>
          %sub3A_415 = arith.subi %sub3A_414, %shift_right_logical3A_412 : vector<16xi32>
          %bitcast3A_416 = vector.bitcast %sub3A_415 : vector<16xi32> to vector<16xf32>
          %mul3A_417 = arith.constant 5.000000e-01 : f32
          %mul3A_418 = vector.broadcast %mul3A_417 : f32 to vector<16xf32>
          %mul3A_419 = arith.mulf %add3A_410, %mul3A_418 : vector<16xf32>
          %mul3A_420 = arith.mulf %mul3A_419, %bitcast3A_416 : vector<16xf32>
          %mul3A_421 = arith.mulf %mul3A_420, %bitcast3A_416 : vector<16xf32>
          %sub3A_422 = arith.constant 1.500000e+00 : f32
          %sub3A_423 = vector.broadcast %sub3A_422 : f32 to vector<16xf32>
          %sub3A_424 = arith.subf %sub3A_423, %mul3A_421 : vector<16xf32>
          %mul3A_425 = arith.mulf %bitcast3A_416, %sub3A_424 : vector<16xf32>
          %mul3A_426 = arith.mulf %mul3A_419, %mul3A_425 : vector<16xf32>
          %mul3A_427 = arith.mulf %mul3A_426, %mul3A_425 : vector<16xf32>
          %sub3A_428 = arith.constant 1.500000e+00 : f32
          %sub3A_429 = vector.broadcast %sub3A_428 : f32 to vector<16xf32>
          %sub3A_430 = arith.subf %sub3A_429, %mul3A_427 : vector<16xf32>
          %mul3A_431 = arith.mulf %mul3A_425, %sub3A_430 : vector<16xf32>
          %mul3A_432 = arith.mulf %mul3A_419, %mul3A_431 : vector<16xf32>
          %mul3A_433 = arith.mulf %mul3A_432, %mul3A_431 : vector<16xf32>
          %sub3A_434 = arith.constant 1.500000e+00 : f32
          %sub3A_435 = vector.broadcast %sub3A_434 : f32 to vector<16xf32>
          %sub3A_436 = arith.subf %sub3A_435, %mul3A_433 : vector<16xf32>
          %mul3A_437 = arith.mulf %mul3A_431, %sub3A_436 : vector<16xf32>
          %mul3A_438 = arith.mulf %add3A_410, %mul3A_437 : vector<16xf32>
          %convert_element_type3A_439 = arith.fptosi %gather3A_395 : vector<16xf32> to vector<16xi32>
          %convert_element_type3A_440 = arith.fptosi %gather3A_399 : vector<16xf32> to vector<16xi32>
          %mul3A_441 = arith.constant 25 : i32
          %mul3A_442 = vector.broadcast %mul3A_441 : i32 to vector<16xi32>
          %mul3A_443 = arith.muli %convert_element_type3A_439, %mul3A_442 : vector<16xi32>
          %add3A_444 = arith.addi %mul3A_443, %convert_element_type3A_440 : vector<16xi32>
          %gather3A_445 = tpu.vector_load_idx %arg12[%add3A_444] : memref<640xf32, #tpu.memory_space<vmem>>[vector<16xi32>], vector<16xf32>,
          %gather3A_446 = tpu.vector_load_idx %arg13[%add3A_444] : memref<640xf32, #tpu.memory_space<vmem>>[vector<16xi32>], vector<16xf32>,
          %sub3A_447 = arith.subf %mul3A_438, %gather3A_445 : vector<16xf32>
          %mul3A_448 = arith.mulf %gather3A_446, %sub3A_447 : vector<16xf32>
          %mul3A_449 = arith.mulf %mul3A_448, %sub3A_447 : vector<16xf32>
          %add3A_450 = arith.constant 1536 : i32
          %add3A_451 = arith.addi %add3A_450, %add3A_388 : i32
          %swap3A = arith.index_cast %add3A_451 : i32 to index
          %swap3A_452 = tpu.vector_load %arg11[%swap3A] {strides = array<i32>} : memref<4096xf32, #tpu.memory_space<vmem>>, vector<16xf32>,
          tpu.vector_store %arg11[%swap3A], %mul3A_449 {strides = array<i32>} : memref<4096xf32, #tpu.memory_space<vmem>>, vector<16xf32>,
        }
        %scan3A_362 = arith.constant 32 : i32
        %convert_element_type3A_363 = arith.extui %lt3A_242 : i1 to i32
        %cond3A_364 = arith.constant 0 : i32
        %cond3A_365 = arith.cmpi ne, %convert_element_type3A_363, %cond3A_364 : i32
        scf.if %cond3A_365 {
          %dma_start3A_384 = arith.constant 3 : i32
          %dma_start3A_385 = arith.constant 1536 : i32
          %dma_start3A_386 = arith.constant 0 : i32
          %dma_start3A_387 = tpu.memref_slice %arg9[%dma_start3A_385, %dma_start3A_386] : memref<2048x8xf32, #tpu.memory_space<vmem>> -> memref<512x8xf32, #tpu.memory_space<vmem>>
          %dma_start3A_388 = arith.constant 3584 : i32
          %dma_start3A_389 = tpu.memref_slice %arg7[%dma_start3A_388] : memref<4096xi32, #tpu.memory_space<vmem>> -> memref<512xi32, #tpu.memory_space<vmem>>
          %dma_start3A_390 = arith.constant 0 : i32
          %dma_start3A_391 = arith.constant 0 : i32
          %dma_start3A_392 = tpu.memref_slice %arg2[%dma_start3A_390, %dma_start3A_391] : memref<100000x8xf32, #tpu.memory_space<hbm>> -> memref<100000x8xf32, #tpu.memory_space<hbm>>
          %dma_start3A_393 = tpu.memref_slice %arg15[%dma_start3A_384] : memref<4x!tpu.dma_semaphore, #tpu.memory_space<semaphore_mem>> -> memref<1x!tpu.dma_semaphore, #tpu.memory_space<semaphore_mem>>
          %dma_start3A_394 = tpu.memref_squeeze %dma_start3A_393 : memref<1x!tpu.dma_semaphore, #tpu.memory_space<semaphore_mem>> -> memref<!tpu.dma_semaphore, #tpu.memory_space<semaphore_mem>>
          tpu.enqueue_indirect_dma source(%dma_start3A_392 : memref<100000x8xf32, #tpu.memory_space<hbm>>) target(%dma_start3A_387 : memref<512x8xf32, #tpu.memory_space<vmem>>) offsets(%dma_start3A_389 : memref<512xi32, #tpu.memory_space<vmem>>) semaphore(%dma_start3A_394 : memref<!tpu.dma_semaphore, #tpu.memory_space<semaphore_mem>>)
          %dma_start3A_395 = arith.constant 3 : i32
          %dma_start3A_396 = arith.constant 1536 : i32
          %dma_start3A_397 = arith.constant 0 : i32
          %dma_start3A_398 = tpu.memref_slice %arg10[%dma_start3A_396, %dma_start3A_397] : memref<2048x8xf32, #tpu.memory_space<vmem>> -> memref<512x8xf32, #tpu.memory_space<vmem>>
          %dma_start3A_399 = arith.constant 3584 : i32
          %dma_start3A_400 = tpu.memref_slice %arg8[%dma_start3A_399] : memref<4096xi32, #tpu.memory_space<vmem>> -> memref<512xi32, #tpu.memory_space<vmem>>
          %dma_start3A_401 = arith.constant 0 : i32
          %dma_start3A_402 = arith.constant 0 : i32
          %dma_start3A_403 = tpu.memref_slice %arg2[%dma_start3A_401, %dma_start3A_402] : memref<100000x8xf32, #tpu.memory_space<hbm>> -> memref<100000x8xf32, #tpu.memory_space<hbm>>
          %dma_start3A_404 = tpu.memref_slice %arg15[%dma_start3A_395] : memref<4x!tpu.dma_semaphore, #tpu.memory_space<semaphore_mem>> -> memref<1x!tpu.dma_semaphore, #tpu.memory_space<semaphore_mem>>
          %dma_start3A_405 = tpu.memref_squeeze %dma_start3A_404 : memref<1x!tpu.dma_semaphore, #tpu.memory_space<semaphore_mem>> -> memref<!tpu.dma_semaphore, #tpu.memory_space<semaphore_mem>>
          tpu.enqueue_indirect_dma source(%dma_start3A_403 : memref<100000x8xf32, #tpu.memory_space<hbm>>) target(%dma_start3A_398 : memref<512x8xf32, #tpu.memory_space<vmem>>) offsets(%dma_start3A_400 : memref<512xi32, #tpu.memory_space<vmem>>) semaphore(%dma_start3A_405 : memref<!tpu.dma_semaphore, #tpu.memory_space<semaphore_mem>>)
        } else {
        }
        %mul3A_366 = arith.constant 2048 : i32
        %mul3A_367 = arith.muli %add3A_215, %mul3A_366 : i32
        %dma_start3A_368 = arith.constant 0 : i32
        %dma_start3A_369 = arith.constant 0 : i32
        %dma_start3A_370 = tpu.memref_slice %arg11[%dma_start3A_369] : memref<4096xf32, #tpu.memory_space<vmem>> -> memref<2048xf32, #tpu.memory_space<vmem>>
        %dma_start3A_371 = tpu.memref_slice %arg6[%mul3A_367] : memref<6400000xf32, #tpu.memory_space<hbm>> -> memref<2048xf32, #tpu.memory_space<hbm>>
        %dma_start3A_372 = tpu.memref_slice %arg16[%dma_start3A_368] : memref<2x!tpu.dma_semaphore, #tpu.memory_space<semaphore_mem>> -> memref<1x!tpu.dma_semaphore, #tpu.memory_space<semaphore_mem>>
        %dma_start3A_373 = tpu.memref_squeeze %dma_start3A_372 : memref<1x!tpu.dma_semaphore, #tpu.memory_space<semaphore_mem>> -> memref<!tpu.dma_semaphore, #tpu.memory_space<semaphore_mem>>
        %dma_start3A_374 = tpu.memref_slice %arg6[%mul3A_367] : memref<6400000xf32, #tpu.memory_space<hbm>> -> memref<2048xf32, #tpu.memory_space<hbm>>
        %dma_start3A_375 = arith.constant 0 : i32
        %dma_start3A_376 = tpu.memref_slice %arg11[%dma_start3A_375] : memref<4096xf32, #tpu.memory_space<vmem>> -> memref<2048xf32, #tpu.memory_space<vmem>>
        tpu.enqueue_dma source(%dma_start3A_376 : memref<2048xf32, #tpu.memory_space<vmem>>) target(%dma_start3A_374 : memref<2048xf32, #tpu.memory_space<hbm>>) target_semaphore(%dma_start3A_373 : memref<!tpu.dma_semaphore, #tpu.memory_space<semaphore_mem>>)
        %add3A_377 = arith.constant 64 : i32
        %add3A_378 = arith.addi %add3A_215, %add3A_377 : i32
        %lt3A_379 = arith.constant 3125 : i32
        %lt3A_380 = arith.cmpi slt, %add3A_378, %lt3A_379 : i32
        %convert_element_type3A_381 = arith.extui %lt3A_380 : i1 to i32
        %cond3A_382 = arith.constant 0 : i32
        %cond3A_383 = arith.cmpi ne, %convert_element_type3A_381, %cond3A_382 : i32
        scf.if %cond3A_383 {
          %add3A_384 = arith.constant 64 : i32
          %add3A_385 = arith.addi %add3A_215, %add3A_384 : i32
          %mul3A_386 = arith.constant 2048 : i32
          %mul3A_387 = arith.muli %add3A_385, %mul3A_386 : i32
          %dma_start3A_388 = arith.constant 0 : i32
          %dma_start3A_389 = arith.constant 0 : i32
          %dma_start3A_390 = arith.constant 0 : i32
          %dma_start3A_391 = tpu.memref_slice %arg7[%dma_start3A_390] : memref<4096xi32, #tpu.memory_space<vmem>> -> memref<2048xi32, #tpu.memory_space<vmem>>
          %dma_start3A_392 = tpu.memref_slice %arg3[%dma_start3A_388, %mul3A_387] : memref<2x6400000xi32, #tpu.memory_space<hbm>> -> memref<1x2048xi32, #tpu.memory_space<hbm>>
          %dma_start3A_393 = tpu.memref_squeeze %dma_start3A_392 : memref<1x2048xi32, #tpu.memory_space<hbm>> -> memref<2048xi32, #tpu.memory_space<hbm>>
          %dma_start3A_394 = tpu.memref_slice %arg14[%dma_start3A_389] : memref<2x!tpu.dma_semaphore, #tpu.memory_space<semaphore_mem>> -> memref<1x!tpu.dma_semaphore, #tpu.memory_space<semaphore_mem>>
          %dma_start3A_395 = tpu.memref_squeeze %dma_start3A_394 : memref<1x!tpu.dma_semaphore, #tpu.memory_space<semaphore_mem>> -> memref<!tpu.dma_semaphore, #tpu.memory_space<semaphore_mem>>
          %dma_start3A_396 = arith.constant 0 : i32
          %dma_start3A_397 = tpu.memref_slice %arg7[%dma_start3A_396] : memref<4096xi32, #tpu.memory_space<vmem>> -> memref<2048xi32, #tpu.memory_space<vmem>>
          %dma_start3A_398 = tpu.memref_slice %arg3[%dma_start3A_388, %mul3A_387] : memref<2x6400000xi32, #tpu.memory_space<hbm>> -> memref<1x2048xi32, #tpu.memory_space<hbm>>
          %dma_start3A_399 = tpu.memref_squeeze %dma_start3A_398 : memref<1x2048xi32, #tpu.memory_space<hbm>> -> memref<2048xi32, #tpu.memory_space<hbm>>
          tpu.enqueue_dma source(%dma_start3A_399 : memref<2048xi32, #tpu.memory_space<hbm>>) target(%dma_start3A_397 : memref<2048xi32, #tpu.memory_space<vmem>>) target_semaphore(%dma_start3A_395 : memref<!tpu.dma_semaphore, #tpu.memory_space<semaphore_mem>>)
          %mul3A_400 = arith.constant 2048 : i32
          %mul3A_401 = arith.muli %add3A_385, %mul3A_400 : i32
          %dma_start3A_402 = arith.constant 1 : i32
          %dma_start3A_403 = arith.constant 0 : i32
          %dma_start3A_404 = arith.constant 0 : i32
          %dma_start3A_405 = tpu.memref_slice %arg8[%dma_start3A_404] : memref<4096xi32, #tpu.memory_space<vmem>> -> memref<2048xi32, #tpu.memory_space<vmem>>
          %dma_start3A_406 = tpu.memref_slice %arg3[%dma_start3A_402, %mul3A_401] : memref<2x6400000xi32, #tpu.memory_space<hbm>> -> memref<1x2048xi32, #tpu.memory_space<hbm>>
          %dma_start3A_407 = tpu.memref_squeeze %dma_start3A_406 : memref<1x2048xi32, #tpu.memory_space<hbm>> -> memref<2048xi32, #tpu.memory_space<hbm>>
          %dma_start3A_408 = tpu.memref_slice %arg14[%dma_start3A_403] : memref<2x!tpu.dma_semaphore, #tpu.memory_space<semaphore_mem>> -> memref<1x!tpu.dma_semaphore, #tpu.memory_space<semaphore_mem>>
          %dma_start3A_409 = tpu.memref_squeeze %dma_start3A_408 : memref<1x!tpu.dma_semaphore, #tpu.memory_space<semaphore_mem>> -> memref<!tpu.dma_semaphore, #tpu.memory_space<semaphore_mem>>
          %dma_start3A_410 = arith.constant 0 : i32
          %dma_start3A_411 = tpu.memref_slice %arg8[%dma_start3A_410] : memref<4096xi32, #tpu.memory_space<vmem>> -> memref<2048xi32, #tpu.memory_space<vmem>>
          %dma_start3A_412 = tpu.memref_slice %arg3[%dma_start3A_402, %mul3A_401] : memref<2x6400000xi32, #tpu.memory_space<hbm>> -> memref<1x2048xi32, #tpu.memory_space<hbm>>
          %dma_start3A_413 = tpu.memref_squeeze %dma_start3A_412 : memref<1x2048xi32, #tpu.memory_space<hbm>> -> memref<2048xi32, #tpu.memory_space<hbm>>
          tpu.enqueue_dma source(%dma_start3A_413 : memref<2048xi32, #tpu.memory_space<hbm>>) target(%dma_start3A_411 : memref<2048xi32, #tpu.memory_space<vmem>>) target_semaphore(%dma_start3A_409 : memref<!tpu.dma_semaphore, #tpu.memory_space<semaphore_mem>>)
        } else {
        }
      } else {
      }
      %add3A_220 = arith.constant 1 : i32
      %add3A_221 = arith.addi %mul3A_212, %add3A_220 : i32
      %mul3A_222 = arith.constant 32 : i32
      %mul3A_223 = arith.muli %add3A_221, %mul3A_222 : i32
      %add3A_224 = arith.addi %mul3A_223, %add3A : i32
      %lt3A_225 = arith.constant 3125 : i32
      %lt3A_226 = arith.cmpi slt, %add3A_224, %lt3A_225 : i32
      %add3A_227 = arith.constant 32 : i32
      %add3A_228 = arith.addi %add3A_224, %add3A_227 : i32
      %convert_element_type3A_229 = arith.extui %lt3A_226 : i1 to i32
      %cond3A_230 = arith.constant 0 : i32
      %cond3A_231 = arith.cmpi ne, %convert_element_type3A_229, %cond3A_230 : i32
      scf.if %cond3A_231 {
        %sub3A = arith.constant 64 : i32
        %sub3A_232 = arith.subi %add3A_224, %sub3A : i32
        %ge3A = arith.constant 0 : i32
        %ge3A_233 = arith.cmpi sge, %sub3A_232, %ge3A : i32
        %sub3A_234 = arith.constant 64 : i32
        %sub3A_235 = arith.subi %add3A_224, %sub3A_234 : i32
        %lt3A_236 = arith.constant 3125 : i32
        %lt3A_237 = arith.cmpi slt, %sub3A_235, %lt3A_236 : i32
        %and3A = arith.andi %ge3A_233, %lt3A_237 : i1
        %convert_element_type3A_238 = arith.extui %and3A : i1 to i32
        %cond3A_239 = arith.constant 0 : i32
        %cond3A_240 = arith.cmpi ne, %convert_element_type3A_238, %cond3A_239 : i32
        scf.if %cond3A_240 {
          %dma_wait3A_384 = arith.constant 1 : i32
          %dma_wait3A_385 = arith.constant 2048 : i32
          %dma_wait3A_386 = tpu.memref_slice %arg11[%dma_wait3A_385] : memref<4096xf32, #tpu.memory_space<vmem>> -> memref<2048xf32, #tpu.memory_space<vmem>>
          %dma_wait3A_387 = arith.constant 0 : i32
          %dma_wait3A_388 = tpu.memref_slice %arg6[%dma_wait3A_387] : memref<6400000xf32, #tpu.memory_space<hbm>> -> memref<2048xf32, #tpu.memory_space<hbm>>
          %dma_wait3A_389 = tpu.memref_slice %arg16[%dma_wait3A_384] : memref<2x!tpu.dma_semaphore, #tpu.memory_space<semaphore_mem>> -> memref<1x!tpu.dma_semaphore, #tpu.memory_space<semaphore_mem>>
          %dma_wait3A_390 = tpu.memref_squeeze %dma_wait3A_389 : memref<1x!tpu.dma_semaphore, #tpu.memory_space<semaphore_mem>> -> memref<!tpu.dma_semaphore, #tpu.memory_space<semaphore_mem>>
          %dma_wait3A_391 = arith.constant 0 : i32
          %dma_wait3A_392 = tpu.memref_slice %arg6[%dma_wait3A_391] : memref<6400000xf32, #tpu.memory_space<hbm>> -> memref<2048xf32, #tpu.memory_space<hbm>>
          %dma_wait3A_393 = arith.constant 2048 : i32
          %dma_wait3A_394 = tpu.memref_slice %arg11[%dma_wait3A_393] : memref<4096xf32, #tpu.memory_space<vmem>> -> memref<2048xf32, #tpu.memory_space<vmem>>
          tpu.wait_dma2 semaphore(%dma_wait3A_390 : memref<!tpu.dma_semaphore, #tpu.memory_space<semaphore_mem>>) src(%dma_wait3A_394 : memref<2048xf32, #tpu.memory_space<vmem>>) dst(%dma_wait3A_392 : memref<2048xf32, #tpu.memory_space<hbm>>)
        } else {
        }
        %lt3A_241 = arith.constant 3125 : i32
        %lt3A_242 = arith.cmpi slt, %add3A_228, %lt3A_241 : i32
        %dma_wait3A_243 = arith.constant 0 : i32
        %dma_wait3A_244 = arith.constant 0 : i32
        %dma_wait3A_245 = arith.constant 0 : i32
        %dma_wait3A_246 = tpu.memref_slice %arg9[%dma_wait3A_244, %dma_wait3A_245] : memref<2048x8xf32, #tpu.memory_space<vmem>> -> memref<512x8xf32, #tpu.memory_space<vmem>>
        %dma_wait3A_247 = arith.constant 0 : i32
        %dma_wait3A_248 = tpu.memref_slice %arg7[%dma_wait3A_247] : memref<4096xi32, #tpu.memory_space<vmem>> -> memref<512xi32, #tpu.memory_space<vmem>>
        %dma_wait3A_249 = arith.constant 0 : i32
        %dma_wait3A_250 = arith.constant 0 : i32
        %dma_wait3A_251 = tpu.memref_slice %arg2[%dma_wait3A_249, %dma_wait3A_250] : memref<100000x8xf32, #tpu.memory_space<hbm>> -> memref<100000x8xf32, #tpu.memory_space<hbm>>
        %dma_wait3A_252 = tpu.memref_slice %arg15[%dma_wait3A_243] : memref<4x!tpu.dma_semaphore, #tpu.memory_space<semaphore_mem>> -> memref<1x!tpu.dma_semaphore, #tpu.memory_space<semaphore_mem>>
        %dma_wait3A_253 = tpu.memref_squeeze %dma_wait3A_252 : memref<1x!tpu.dma_semaphore, #tpu.memory_space<semaphore_mem>> -> memref<!tpu.dma_semaphore, #tpu.memory_space<semaphore_mem>>
        tpu.wait_indirect_dma semaphore(%dma_wait3A_253 : memref<!tpu.dma_semaphore, #tpu.memory_space<semaphore_mem>>) src(%dma_wait3A_251 : memref<100000x8xf32, #tpu.memory_space<hbm>>) dst(%dma_wait3A_246 : memref<512x8xf32, #tpu.memory_space<vmem>>)
        %dma_wait3A_254 = arith.constant 0 : i32
        %dma_wait3A_255 = arith.constant 0 : i32
        %dma_wait3A_256 = arith.constant 0 : i32
        %dma_wait3A_257 = tpu.memref_slice %arg10[%dma_wait3A_255, %dma_wait3A_256] : memref<2048x8xf32, #tpu.memory_space<vmem>> -> memref<512x8xf32, #tpu.memory_space<vmem>>
        %dma_wait3A_258 = arith.constant 0 : i32
        %dma_wait3A_259 = tpu.memref_slice %arg7[%dma_wait3A_258] : memref<4096xi32, #tpu.memory_space<vmem>> -> memref<512xi32, #tpu.memory_space<vmem>>
        %dma_wait3A_260 = arith.constant 0 : i32
        %dma_wait3A_261 = arith.constant 0 : i32
        %dma_wait3A_262 = tpu.memref_slice %arg2[%dma_wait3A_260, %dma_wait3A_261] : memref<100000x8xf32, #tpu.memory_space<hbm>> -> memref<100000x8xf32, #tpu.memory_space<hbm>>
        %dma_wait3A_263 = tpu.memref_slice %arg15[%dma_wait3A_254] : memref<4x!tpu.dma_semaphore, #tpu.memory_space<semaphore_mem>> -> memref<1x!tpu.dma_semaphore, #tpu.memory_space<semaphore_mem>>
        %dma_wait3A_264 = tpu.memref_squeeze %dma_wait3A_263 : memref<1x!tpu.dma_semaphore, #tpu.memory_space<semaphore_mem>> -> memref<!tpu.dma_semaphore, #tpu.memory_space<semaphore_mem>>
        tpu.wait_indirect_dma semaphore(%dma_wait3A_264 : memref<!tpu.dma_semaphore, #tpu.memory_space<semaphore_mem>>) src(%dma_wait3A_262 : memref<100000x8xf32, #tpu.memory_space<hbm>>) dst(%dma_wait3A_257 : memref<512x8xf32, #tpu.memory_space<vmem>>)
        %scan3A_265 = arith.constant 0 : i32
        %scan3A_266 = arith.constant 32 : i32
        %scan3A_267 = arith.addi %scan3A_265, %scan3A_266 : i32
        %scan3A_268 = arith.constant 1 : i32
        scf.for %scan3A_384 = %scan3A_265 to %scan3A_267 step %scan3A_268  : i32 {
          %mul3A_385 = arith.constant 16 : i32
          %mul3A_386 = arith.muli %scan3A_384, %mul3A_385 : i32
          %add3A_387 = arith.constant 0 : i32
          %add3A_388 = arith.addi %add3A_387, %mul3A_386 : i32
          %add3A_389 = arith.constant 0 : i32
          %add3A_390 = arith.addi %add3A_389, %add3A_388 : i32
          %add3A_391 = vector.broadcast %add3A_390 : i32 to vector<16xi32>
          %add3A_392 = arith.addi %add3A_391, %iota3A : vector<16xi32>
          %gather3A = tpu.vector_load_idx %arg9[%add3A_392, %broadcast_in_dim3A_1] : memref<2048x8xf32, #tpu.memory_space<vmem>>[vector<16xi32>, vector<16xi32>], vector<16xf32>,
          %gather3A_393 = tpu.vector_load_idx %arg9[%add3A_392, %broadcast_in_dim3A_3] : memref<2048x8xf32, #tpu.memory_space<vmem>>[vector<16xi32>, vector<16xi32>], vector<16xf32>,
          %gather3A_394 = tpu.vector_load_idx %arg9[%add3A_392, %broadcast_in_dim3A_5] : memref<2048x8xf32, #tpu.memory_space<vmem>>[vector<16xi32>, vector<16xi32>], vector<16xf32>,
          %gather3A_395 = tpu.vector_load_idx %arg9[%add3A_392, %broadcast_in_dim3A_7] : memref<2048x8xf32, #tpu.memory_space<vmem>>[vector<16xi32>, vector<16xi32>], vector<16xf32>,
          %gather3A_396 = tpu.vector_load_idx %arg10[%add3A_392, %broadcast_in_dim3A_1] : memref<2048x8xf32, #tpu.memory_space<vmem>>[vector<16xi32>, vector<16xi32>], vector<16xf32>,
          %gather3A_397 = tpu.vector_load_idx %arg10[%add3A_392, %broadcast_in_dim3A_3] : memref<2048x8xf32, #tpu.memory_space<vmem>>[vector<16xi32>, vector<16xi32>], vector<16xf32>,
          %gather3A_398 = tpu.vector_load_idx %arg10[%add3A_392, %broadcast_in_dim3A_5] : memref<2048x8xf32, #tpu.memory_space<vmem>>[vector<16xi32>, vector<16xi32>], vector<16xf32>,
          %gather3A_399 = tpu.vector_load_idx %arg10[%add3A_392, %broadcast_in_dim3A_7] : memref<2048x8xf32, #tpu.memory_space<vmem>>[vector<16xi32>, vector<16xi32>], vector<16xf32>,
          %sub3A_400 = arith.subf %gather3A_396, %gather3A : vector<16xf32>
          %sub3A_401 = arith.subf %gather3A_397, %gather3A_393 : vector<16xf32>
          %sub3A_402 = arith.subf %gather3A_398, %gather3A_394 : vector<16xf32>
          %mul3A_403 = arith.mulf %sub3A_400, %sub3A_400 : vector<16xf32>
          %mul3A_404 = arith.mulf %sub3A_401, %sub3A_401 : vector<16xf32>
          %add3A_405 = arith.addf %mul3A_403, %mul3A_404 : vector<16xf32>
          %mul3A_406 = arith.mulf %sub3A_402, %sub3A_402 : vector<16xf32>
          %add3A_407 = arith.addf %add3A_405, %mul3A_406 : vector<16xf32>
          %add3A_408 = arith.constant 9.99999996E-13 : f32
          %add3A_409 = vector.broadcast %add3A_408 : f32 to vector<16xf32>
          %add3A_410 = arith.addf %add3A_407, %add3A_409 : vector<16xf32>
          %bitcast3A = vector.bitcast %add3A_410 : vector<16xf32> to vector<16xi32>
          %shift_right_logical3A = arith.constant 1 : i32
          %shift_right_logical3A_411 = vector.broadcast %shift_right_logical3A : i32 to vector<16xi32>
          %shift_right_logical3A_412 = arith.shrui %bitcast3A, %shift_right_logical3A_411 : vector<16xi32>
          %sub3A_413 = arith.constant 1597463007 : i32
          %sub3A_414 = vector.broadcast %sub3A_413 : i32 to vector<16xi32>
          %sub3A_415 = arith.subi %sub3A_414, %shift_right_logical3A_412 : vector<16xi32>
          %bitcast3A_416 = vector.bitcast %sub3A_415 : vector<16xi32> to vector<16xf32>
          %mul3A_417 = arith.constant 5.000000e-01 : f32
          %mul3A_418 = vector.broadcast %mul3A_417 : f32 to vector<16xf32>
          %mul3A_419 = arith.mulf %add3A_410, %mul3A_418 : vector<16xf32>
          %mul3A_420 = arith.mulf %mul3A_419, %bitcast3A_416 : vector<16xf32>
          %mul3A_421 = arith.mulf %mul3A_420, %bitcast3A_416 : vector<16xf32>
          %sub3A_422 = arith.constant 1.500000e+00 : f32
          %sub3A_423 = vector.broadcast %sub3A_422 : f32 to vector<16xf32>
          %sub3A_424 = arith.subf %sub3A_423, %mul3A_421 : vector<16xf32>
          %mul3A_425 = arith.mulf %bitcast3A_416, %sub3A_424 : vector<16xf32>
          %mul3A_426 = arith.mulf %mul3A_419, %mul3A_425 : vector<16xf32>
          %mul3A_427 = arith.mulf %mul3A_426, %mul3A_425 : vector<16xf32>
          %sub3A_428 = arith.constant 1.500000e+00 : f32
          %sub3A_429 = vector.broadcast %sub3A_428 : f32 to vector<16xf32>
          %sub3A_430 = arith.subf %sub3A_429, %mul3A_427 : vector<16xf32>
          %mul3A_431 = arith.mulf %mul3A_425, %sub3A_430 : vector<16xf32>
          %mul3A_432 = arith.mulf %mul3A_419, %mul3A_431 : vector<16xf32>
          %mul3A_433 = arith.mulf %mul3A_432, %mul3A_431 : vector<16xf32>
          %sub3A_434 = arith.constant 1.500000e+00 : f32
          %sub3A_435 = vector.broadcast %sub3A_434 : f32 to vector<16xf32>
          %sub3A_436 = arith.subf %sub3A_435, %mul3A_433 : vector<16xf32>
          %mul3A_437 = arith.mulf %mul3A_431, %sub3A_436 : vector<16xf32>
          %mul3A_438 = arith.mulf %add3A_410, %mul3A_437 : vector<16xf32>
          %convert_element_type3A_439 = arith.fptosi %gather3A_395 : vector<16xf32> to vector<16xi32>
          %convert_element_type3A_440 = arith.fptosi %gather3A_399 : vector<16xf32> to vector<16xi32>
          %mul3A_441 = arith.constant 25 : i32
          %mul3A_442 = vector.broadcast %mul3A_441 : i32 to vector<16xi32>
          %mul3A_443 = arith.muli %convert_element_type3A_439, %mul3A_442 : vector<16xi32>
          %add3A_444 = arith.addi %mul3A_443, %convert_element_type3A_440 : vector<16xi32>
          %gather3A_445 = tpu.vector_load_idx %arg12[%add3A_444] : memref<640xf32, #tpu.memory_space<vmem>>[vector<16xi32>], vector<16xf32>,
          %gather3A_446 = tpu.vector_load_idx %arg13[%add3A_444] : memref<640xf32, #tpu.memory_space<vmem>>[vector<16xi32>], vector<16xf32>,
          %sub3A_447 = arith.subf %mul3A_438, %gather3A_445 : vector<16xf32>
          %mul3A_448 = arith.mulf %gather3A_446, %sub3A_447 : vector<16xf32>
          %mul3A_449 = arith.mulf %mul3A_448, %sub3A_447 : vector<16xf32>
          %add3A_450 = arith.constant 2048 : i32
          %add3A_451 = arith.addi %add3A_450, %add3A_388 : i32
          %swap3A = arith.index_cast %add3A_451 : i32 to index
          %swap3A_452 = tpu.vector_load %arg11[%swap3A] {strides = array<i32>} : memref<4096xf32, #tpu.memory_space<vmem>>, vector<16xf32>,
          tpu.vector_store %arg11[%swap3A], %mul3A_449 {strides = array<i32>} : memref<4096xf32, #tpu.memory_space<vmem>>, vector<16xf32>,
        }
        %scan3A_269 = arith.constant 32 : i32
        %convert_element_type3A_270 = arith.extui %lt3A_242 : i1 to i32
        %cond3A_271 = arith.constant 0 : i32
        %cond3A_272 = arith.cmpi ne, %convert_element_type3A_270, %cond3A_271 : i32
        scf.if %cond3A_272 {
          %dma_wait3A_384 = arith.constant 0 : i32
          %dma_wait3A_385 = arith.constant 0 : i32
          %dma_wait3A_386 = arith.constant 0 : i32
          %dma_wait3A_387 = tpu.memref_slice %arg7[%dma_wait3A_386] : memref<4096xi32, #tpu.memory_space<vmem>> -> memref<2048xi32, #tpu.memory_space<vmem>>
          %dma_wait3A_388 = arith.constant 0 : i32
          %dma_wait3A_389 = tpu.memref_slice %arg3[%dma_wait3A_384, %dma_wait3A_388] : memref<2x6400000xi32, #tpu.memory_space<hbm>> -> memref<1x2048xi32, #tpu.memory_space<hbm>>
          %dma_wait3A_390 = tpu.memref_squeeze %dma_wait3A_389 : memref<1x2048xi32, #tpu.memory_space<hbm>> -> memref<2048xi32, #tpu.memory_space<hbm>>
          %dma_wait3A_391 = tpu.memref_slice %arg14[%dma_wait3A_385] : memref<2x!tpu.dma_semaphore, #tpu.memory_space<semaphore_mem>> -> memref<1x!tpu.dma_semaphore, #tpu.memory_space<semaphore_mem>>
          %dma_wait3A_392 = tpu.memref_squeeze %dma_wait3A_391 : memref<1x!tpu.dma_semaphore, #tpu.memory_space<semaphore_mem>> -> memref<!tpu.dma_semaphore, #tpu.memory_space<semaphore_mem>>
          %dma_wait3A_393 = arith.constant 0 : i32
          %dma_wait3A_394 = tpu.memref_slice %arg7[%dma_wait3A_393] : memref<4096xi32, #tpu.memory_space<vmem>> -> memref<2048xi32, #tpu.memory_space<vmem>>
          %dma_wait3A_395 = arith.constant 0 : i32
          %dma_wait3A_396 = tpu.memref_slice %arg3[%dma_wait3A_384, %dma_wait3A_395] : memref<2x6400000xi32, #tpu.memory_space<hbm>> -> memref<1x2048xi32, #tpu.memory_space<hbm>>
          %dma_wait3A_397 = tpu.memref_squeeze %dma_wait3A_396 : memref<1x2048xi32, #tpu.memory_space<hbm>> -> memref<2048xi32, #tpu.memory_space<hbm>>
          tpu.wait_dma2 semaphore(%dma_wait3A_392 : memref<!tpu.dma_semaphore, #tpu.memory_space<semaphore_mem>>) src(%dma_wait3A_397 : memref<2048xi32, #tpu.memory_space<hbm>>) dst(%dma_wait3A_394 : memref<2048xi32, #tpu.memory_space<vmem>>)
          %dma_wait3A_398 = arith.constant 1 : i32
          %dma_wait3A_399 = arith.constant 0 : i32
          %dma_wait3A_400 = arith.constant 0 : i32
          %dma_wait3A_401 = tpu.memref_slice %arg8[%dma_wait3A_400] : memref<4096xi32, #tpu.memory_space<vmem>> -> memref<2048xi32, #tpu.memory_space<vmem>>
          %dma_wait3A_402 = arith.constant 0 : i32
          %dma_wait3A_403 = tpu.memref_slice %arg3[%dma_wait3A_398, %dma_wait3A_402] : memref<2x6400000xi32, #tpu.memory_space<hbm>> -> memref<1x2048xi32, #tpu.memory_space<hbm>>
          %dma_wait3A_404 = tpu.memref_squeeze %dma_wait3A_403 : memref<1x2048xi32, #tpu.memory_space<hbm>> -> memref<2048xi32, #tpu.memory_space<hbm>>
          %dma_wait3A_405 = tpu.memref_slice %arg14[%dma_wait3A_399] : memref<2x!tpu.dma_semaphore, #tpu.memory_space<semaphore_mem>> -> memref<1x!tpu.dma_semaphore, #tpu.memory_space<semaphore_mem>>
          %dma_wait3A_406 = tpu.memref_squeeze %dma_wait3A_405 : memref<1x!tpu.dma_semaphore, #tpu.memory_space<semaphore_mem>> -> memref<!tpu.dma_semaphore, #tpu.memory_space<semaphore_mem>>
          %dma_wait3A_407 = arith.constant 0 : i32
          %dma_wait3A_408 = tpu.memref_slice %arg8[%dma_wait3A_407] : memref<4096xi32, #tpu.memory_space<vmem>> -> memref<2048xi32, #tpu.memory_space<vmem>>
          %dma_wait3A_409 = arith.constant 0 : i32
          %dma_wait3A_410 = tpu.memref_slice %arg3[%dma_wait3A_398, %dma_wait3A_409] : memref<2x6400000xi32, #tpu.memory_space<hbm>> -> memref<1x2048xi32, #tpu.memory_space<hbm>>
          %dma_wait3A_411 = tpu.memref_squeeze %dma_wait3A_410 : memref<1x2048xi32, #tpu.memory_space<hbm>> -> memref<2048xi32, #tpu.memory_space<hbm>>
          tpu.wait_dma2 semaphore(%dma_wait3A_406 : memref<!tpu.dma_semaphore, #tpu.memory_space<semaphore_mem>>) src(%dma_wait3A_411 : memref<2048xi32, #tpu.memory_space<hbm>>) dst(%dma_wait3A_408 : memref<2048xi32, #tpu.memory_space<vmem>>)
        } else {
        }
        %convert_element_type3A_273 = arith.extui %lt3A_242 : i1 to i32
        %cond3A_274 = arith.constant 0 : i32
        %cond3A_275 = arith.cmpi ne, %convert_element_type3A_273, %cond3A_274 : i32
        scf.if %cond3A_275 {
          %dma_start3A_384 = arith.constant 0 : i32
          %dma_start3A_385 = arith.constant 0 : i32
          %dma_start3A_386 = arith.constant 0 : i32
          %dma_start3A_387 = tpu.memref_slice %arg9[%dma_start3A_385, %dma_start3A_386] : memref<2048x8xf32, #tpu.memory_space<vmem>> -> memref<512x8xf32, #tpu.memory_space<vmem>>
          %dma_start3A_388 = arith.constant 0 : i32
          %dma_start3A_389 = tpu.memref_slice %arg7[%dma_start3A_388] : memref<4096xi32, #tpu.memory_space<vmem>> -> memref<512xi32, #tpu.memory_space<vmem>>
          %dma_start3A_390 = arith.constant 0 : i32
          %dma_start3A_391 = arith.constant 0 : i32
          %dma_start3A_392 = tpu.memref_slice %arg2[%dma_start3A_390, %dma_start3A_391] : memref<100000x8xf32, #tpu.memory_space<hbm>> -> memref<100000x8xf32, #tpu.memory_space<hbm>>
          %dma_start3A_393 = tpu.memref_slice %arg15[%dma_start3A_384] : memref<4x!tpu.dma_semaphore, #tpu.memory_space<semaphore_mem>> -> memref<1x!tpu.dma_semaphore, #tpu.memory_space<semaphore_mem>>
          %dma_start3A_394 = tpu.memref_squeeze %dma_start3A_393 : memref<1x!tpu.dma_semaphore, #tpu.memory_space<semaphore_mem>> -> memref<!tpu.dma_semaphore, #tpu.memory_space<semaphore_mem>>
          tpu.enqueue_indirect_dma source(%dma_start3A_392 : memref<100000x8xf32, #tpu.memory_space<hbm>>) target(%dma_start3A_387 : memref<512x8xf32, #tpu.memory_space<vmem>>) offsets(%dma_start3A_389 : memref<512xi32, #tpu.memory_space<vmem>>) semaphore(%dma_start3A_394 : memref<!tpu.dma_semaphore, #tpu.memory_space<semaphore_mem>>)
          %dma_start3A_395 = arith.constant 0 : i32
          %dma_start3A_396 = arith.constant 0 : i32
          %dma_start3A_397 = arith.constant 0 : i32
          %dma_start3A_398 = tpu.memref_slice %arg10[%dma_start3A_396, %dma_start3A_397] : memref<2048x8xf32, #tpu.memory_space<vmem>> -> memref<512x8xf32, #tpu.memory_space<vmem>>
          %dma_start3A_399 = arith.constant 0 : i32
          %dma_start3A_400 = tpu.memref_slice %arg8[%dma_start3A_399] : memref<4096xi32, #tpu.memory_space<vmem>> -> memref<512xi32, #tpu.memory_space<vmem>>
          %dma_start3A_401 = arith.constant 0 : i32
          %dma_start3A_402 = arith.constant 0 : i32
          %dma_start3A_403 = tpu.memref_slice %arg2[%dma_start3A_401, %dma_start3A_402] : memref<100000x8xf32, #tpu.memory_space<hbm>> -> memref<100000x8xf32, #tpu.memory_space<hbm>>
          %dma_start3A_404 = tpu.memref_slice %arg15[%dma_start3A_395] : memref<4x!tpu.dma_semaphore, #tpu.memory_space<semaphore_mem>> -> memref<1x!tpu.dma_semaphore, #tpu.memory_space<semaphore_mem>>
          %dma_start3A_405 = tpu.memref_squeeze %dma_start3A_404 : memref<1x!tpu.dma_semaphore, #tpu.memory_space<semaphore_mem>> -> memref<!tpu.dma_semaphore, #tpu.memory_space<semaphore_mem>>
          tpu.enqueue_indirect_dma source(%dma_start3A_403 : memref<100000x8xf32, #tpu.memory_space<hbm>>) target(%dma_start3A_398 : memref<512x8xf32, #tpu.memory_space<vmem>>) offsets(%dma_start3A_400 : memref<512xi32, #tpu.memory_space<vmem>>) semaphore(%dma_start3A_405 : memref<!tpu.dma_semaphore, #tpu.memory_space<semaphore_mem>>)
        } else {
        }
        %dma_wait3A_276 = arith.constant 1 : i32
        %dma_wait3A_277 = arith.constant 512 : i32
        %dma_wait3A_278 = arith.constant 0 : i32
        %dma_wait3A_279 = tpu.memref_slice %arg9[%dma_wait3A_277, %dma_wait3A_278] : memref<2048x8xf32, #tpu.memory_space<vmem>> -> memref<512x8xf32, #tpu.memory_space<vmem>>
        %dma_wait3A_280 = arith.constant 0 : i32
        %dma_wait3A_281 = tpu.memref_slice %arg7[%dma_wait3A_280] : memref<4096xi32, #tpu.memory_space<vmem>> -> memref<512xi32, #tpu.memory_space<vmem>>
        %dma_wait3A_282 = arith.constant 0 : i32
        %dma_wait3A_283 = arith.constant 0 : i32
        %dma_wait3A_284 = tpu.memref_slice %arg2[%dma_wait3A_282, %dma_wait3A_283] : memref<100000x8xf32, #tpu.memory_space<hbm>> -> memref<100000x8xf32, #tpu.memory_space<hbm>>
        %dma_wait3A_285 = tpu.memref_slice %arg15[%dma_wait3A_276] : memref<4x!tpu.dma_semaphore, #tpu.memory_space<semaphore_mem>> -> memref<1x!tpu.dma_semaphore, #tpu.memory_space<semaphore_mem>>
        %dma_wait3A_286 = tpu.memref_squeeze %dma_wait3A_285 : memref<1x!tpu.dma_semaphore, #tpu.memory_space<semaphore_mem>> -> memref<!tpu.dma_semaphore, #tpu.memory_space<semaphore_mem>>
        tpu.wait_indirect_dma semaphore(%dma_wait3A_286 : memref<!tpu.dma_semaphore, #tpu.memory_space<semaphore_mem>>) src(%dma_wait3A_284 : memref<100000x8xf32, #tpu.memory_space<hbm>>) dst(%dma_wait3A_279 : memref<512x8xf32, #tpu.memory_space<vmem>>)
        %dma_wait3A_287 = arith.constant 1 : i32
        %dma_wait3A_288 = arith.constant 512 : i32
        %dma_wait3A_289 = arith.constant 0 : i32
        %dma_wait3A_290 = tpu.memref_slice %arg10[%dma_wait3A_288, %dma_wait3A_289] : memref<2048x8xf32, #tpu.memory_space<vmem>> -> memref<512x8xf32, #tpu.memory_space<vmem>>
        %dma_wait3A_291 = arith.constant 0 : i32
        %dma_wait3A_292 = tpu.memref_slice %arg7[%dma_wait3A_291] : memref<4096xi32, #tpu.memory_space<vmem>> -> memref<512xi32, #tpu.memory_space<vmem>>
        %dma_wait3A_293 = arith.constant 0 : i32
        %dma_wait3A_294 = arith.constant 0 : i32
        %dma_wait3A_295 = tpu.memref_slice %arg2[%dma_wait3A_293, %dma_wait3A_294] : memref<100000x8xf32, #tpu.memory_space<hbm>> -> memref<100000x8xf32, #tpu.memory_space<hbm>>
        %dma_wait3A_296 = tpu.memref_slice %arg15[%dma_wait3A_287] : memref<4x!tpu.dma_semaphore, #tpu.memory_space<semaphore_mem>> -> memref<1x!tpu.dma_semaphore, #tpu.memory_space<semaphore_mem>>
        %dma_wait3A_297 = tpu.memref_squeeze %dma_wait3A_296 : memref<1x!tpu.dma_semaphore, #tpu.memory_space<semaphore_mem>> -> memref<!tpu.dma_semaphore, #tpu.memory_space<semaphore_mem>>
        tpu.wait_indirect_dma semaphore(%dma_wait3A_297 : memref<!tpu.dma_semaphore, #tpu.memory_space<semaphore_mem>>) src(%dma_wait3A_295 : memref<100000x8xf32, #tpu.memory_space<hbm>>) dst(%dma_wait3A_290 : memref<512x8xf32, #tpu.memory_space<vmem>>)
        %scan3A_298 = arith.constant 0 : i32
        %scan3A_299 = arith.constant 32 : i32
        %scan3A_300 = arith.addi %scan3A_298, %scan3A_299 : i32
        %scan3A_301 = arith.constant 1 : i32
        scf.for %scan3A_384 = %scan3A_298 to %scan3A_300 step %scan3A_301  : i32 {
          %mul3A_385 = arith.constant 16 : i32
          %mul3A_386 = arith.muli %scan3A_384, %mul3A_385 : i32
          %add3A_387 = arith.constant 0 : i32
          %add3A_388 = arith.addi %add3A_387, %mul3A_386 : i32
          %add3A_389 = arith.constant 512 : i32
          %add3A_390 = arith.addi %add3A_389, %add3A_388 : i32
          %add3A_391 = vector.broadcast %add3A_390 : i32 to vector<16xi32>
          %add3A_392 = arith.addi %add3A_391, %iota3A : vector<16xi32>
          %gather3A = tpu.vector_load_idx %arg9[%add3A_392, %broadcast_in_dim3A_1] : memref<2048x8xf32, #tpu.memory_space<vmem>>[vector<16xi32>, vector<16xi32>], vector<16xf32>,
          %gather3A_393 = tpu.vector_load_idx %arg9[%add3A_392, %broadcast_in_dim3A_3] : memref<2048x8xf32, #tpu.memory_space<vmem>>[vector<16xi32>, vector<16xi32>], vector<16xf32>,
          %gather3A_394 = tpu.vector_load_idx %arg9[%add3A_392, %broadcast_in_dim3A_5] : memref<2048x8xf32, #tpu.memory_space<vmem>>[vector<16xi32>, vector<16xi32>], vector<16xf32>,
          %gather3A_395 = tpu.vector_load_idx %arg9[%add3A_392, %broadcast_in_dim3A_7] : memref<2048x8xf32, #tpu.memory_space<vmem>>[vector<16xi32>, vector<16xi32>], vector<16xf32>,
          %gather3A_396 = tpu.vector_load_idx %arg10[%add3A_392, %broadcast_in_dim3A_1] : memref<2048x8xf32, #tpu.memory_space<vmem>>[vector<16xi32>, vector<16xi32>], vector<16xf32>,
          %gather3A_397 = tpu.vector_load_idx %arg10[%add3A_392, %broadcast_in_dim3A_3] : memref<2048x8xf32, #tpu.memory_space<vmem>>[vector<16xi32>, vector<16xi32>], vector<16xf32>,
          %gather3A_398 = tpu.vector_load_idx %arg10[%add3A_392, %broadcast_in_dim3A_5] : memref<2048x8xf32, #tpu.memory_space<vmem>>[vector<16xi32>, vector<16xi32>], vector<16xf32>,
          %gather3A_399 = tpu.vector_load_idx %arg10[%add3A_392, %broadcast_in_dim3A_7] : memref<2048x8xf32, #tpu.memory_space<vmem>>[vector<16xi32>, vector<16xi32>], vector<16xf32>,
          %sub3A_400 = arith.subf %gather3A_396, %gather3A : vector<16xf32>
          %sub3A_401 = arith.subf %gather3A_397, %gather3A_393 : vector<16xf32>
          %sub3A_402 = arith.subf %gather3A_398, %gather3A_394 : vector<16xf32>
          %mul3A_403 = arith.mulf %sub3A_400, %sub3A_400 : vector<16xf32>
          %mul3A_404 = arith.mulf %sub3A_401, %sub3A_401 : vector<16xf32>
          %add3A_405 = arith.addf %mul3A_403, %mul3A_404 : vector<16xf32>
          %mul3A_406 = arith.mulf %sub3A_402, %sub3A_402 : vector<16xf32>
          %add3A_407 = arith.addf %add3A_405, %mul3A_406 : vector<16xf32>
          %add3A_408 = arith.constant 9.99999996E-13 : f32
          %add3A_409 = vector.broadcast %add3A_408 : f32 to vector<16xf32>
          %add3A_410 = arith.addf %add3A_407, %add3A_409 : vector<16xf32>
          %bitcast3A = vector.bitcast %add3A_410 : vector<16xf32> to vector<16xi32>
          %shift_right_logical3A = arith.constant 1 : i32
          %shift_right_logical3A_411 = vector.broadcast %shift_right_logical3A : i32 to vector<16xi32>
          %shift_right_logical3A_412 = arith.shrui %bitcast3A, %shift_right_logical3A_411 : vector<16xi32>
          %sub3A_413 = arith.constant 1597463007 : i32
          %sub3A_414 = vector.broadcast %sub3A_413 : i32 to vector<16xi32>
          %sub3A_415 = arith.subi %sub3A_414, %shift_right_logical3A_412 : vector<16xi32>
          %bitcast3A_416 = vector.bitcast %sub3A_415 : vector<16xi32> to vector<16xf32>
          %mul3A_417 = arith.constant 5.000000e-01 : f32
          %mul3A_418 = vector.broadcast %mul3A_417 : f32 to vector<16xf32>
          %mul3A_419 = arith.mulf %add3A_410, %mul3A_418 : vector<16xf32>
          %mul3A_420 = arith.mulf %mul3A_419, %bitcast3A_416 : vector<16xf32>
          %mul3A_421 = arith.mulf %mul3A_420, %bitcast3A_416 : vector<16xf32>
          %sub3A_422 = arith.constant 1.500000e+00 : f32
          %sub3A_423 = vector.broadcast %sub3A_422 : f32 to vector<16xf32>
          %sub3A_424 = arith.subf %sub3A_423, %mul3A_421 : vector<16xf32>
          %mul3A_425 = arith.mulf %bitcast3A_416, %sub3A_424 : vector<16xf32>
          %mul3A_426 = arith.mulf %mul3A_419, %mul3A_425 : vector<16xf32>
          %mul3A_427 = arith.mulf %mul3A_426, %mul3A_425 : vector<16xf32>
          %sub3A_428 = arith.constant 1.500000e+00 : f32
          %sub3A_429 = vector.broadcast %sub3A_428 : f32 to vector<16xf32>
          %sub3A_430 = arith.subf %sub3A_429, %mul3A_427 : vector<16xf32>
          %mul3A_431 = arith.mulf %mul3A_425, %sub3A_430 : vector<16xf32>
          %mul3A_432 = arith.mulf %mul3A_419, %mul3A_431 : vector<16xf32>
          %mul3A_433 = arith.mulf %mul3A_432, %mul3A_431 : vector<16xf32>
          %sub3A_434 = arith.constant 1.500000e+00 : f32
          %sub3A_435 = vector.broadcast %sub3A_434 : f32 to vector<16xf32>
          %sub3A_436 = arith.subf %sub3A_435, %mul3A_433 : vector<16xf32>
          %mul3A_437 = arith.mulf %mul3A_431, %sub3A_436 : vector<16xf32>
          %mul3A_438 = arith.mulf %add3A_410, %mul3A_437 : vector<16xf32>
          %convert_element_type3A_439 = arith.fptosi %gather3A_395 : vector<16xf32> to vector<16xi32>
          %convert_element_type3A_440 = arith.fptosi %gather3A_399 : vector<16xf32> to vector<16xi32>
          %mul3A_441 = arith.constant 25 : i32
          %mul3A_442 = vector.broadcast %mul3A_441 : i32 to vector<16xi32>
          %mul3A_443 = arith.muli %convert_element_type3A_439, %mul3A_442 : vector<16xi32>
          %add3A_444 = arith.addi %mul3A_443, %convert_element_type3A_440 : vector<16xi32>
          %gather3A_445 = tpu.vector_load_idx %arg12[%add3A_444] : memref<640xf32, #tpu.memory_space<vmem>>[vector<16xi32>], vector<16xf32>,
          %gather3A_446 = tpu.vector_load_idx %arg13[%add3A_444] : memref<640xf32, #tpu.memory_space<vmem>>[vector<16xi32>], vector<16xf32>,
          %sub3A_447 = arith.subf %mul3A_438, %gather3A_445 : vector<16xf32>
          %mul3A_448 = arith.mulf %gather3A_446, %sub3A_447 : vector<16xf32>
          %mul3A_449 = arith.mulf %mul3A_448, %sub3A_447 : vector<16xf32>
          %add3A_450 = arith.constant 2560 : i32
          %add3A_451 = arith.addi %add3A_450, %add3A_388 : i32
          %swap3A = arith.index_cast %add3A_451 : i32 to index
          %swap3A_452 = tpu.vector_load %arg11[%swap3A] {strides = array<i32>} : memref<4096xf32, #tpu.memory_space<vmem>>, vector<16xf32>,
          tpu.vector_store %arg11[%swap3A], %mul3A_449 {strides = array<i32>} : memref<4096xf32, #tpu.memory_space<vmem>>, vector<16xf32>,
        }
        %scan3A_302 = arith.constant 32 : i32
        %convert_element_type3A_303 = arith.extui %lt3A_242 : i1 to i32
        %cond3A_304 = arith.constant 0 : i32
        %cond3A_305 = arith.cmpi ne, %convert_element_type3A_303, %cond3A_304 : i32
        scf.if %cond3A_305 {
          %dma_start3A_384 = arith.constant 1 : i32
          %dma_start3A_385 = arith.constant 512 : i32
          %dma_start3A_386 = arith.constant 0 : i32
          %dma_start3A_387 = tpu.memref_slice %arg9[%dma_start3A_385, %dma_start3A_386] : memref<2048x8xf32, #tpu.memory_space<vmem>> -> memref<512x8xf32, #tpu.memory_space<vmem>>
          %dma_start3A_388 = arith.constant 512 : i32
          %dma_start3A_389 = tpu.memref_slice %arg7[%dma_start3A_388] : memref<4096xi32, #tpu.memory_space<vmem>> -> memref<512xi32, #tpu.memory_space<vmem>>
          %dma_start3A_390 = arith.constant 0 : i32
          %dma_start3A_391 = arith.constant 0 : i32
          %dma_start3A_392 = tpu.memref_slice %arg2[%dma_start3A_390, %dma_start3A_391] : memref<100000x8xf32, #tpu.memory_space<hbm>> -> memref<100000x8xf32, #tpu.memory_space<hbm>>
          %dma_start3A_393 = tpu.memref_slice %arg15[%dma_start3A_384] : memref<4x!tpu.dma_semaphore, #tpu.memory_space<semaphore_mem>> -> memref<1x!tpu.dma_semaphore, #tpu.memory_space<semaphore_mem>>
          %dma_start3A_394 = tpu.memref_squeeze %dma_start3A_393 : memref<1x!tpu.dma_semaphore, #tpu.memory_space<semaphore_mem>> -> memref<!tpu.dma_semaphore, #tpu.memory_space<semaphore_mem>>
          tpu.enqueue_indirect_dma source(%dma_start3A_392 : memref<100000x8xf32, #tpu.memory_space<hbm>>) target(%dma_start3A_387 : memref<512x8xf32, #tpu.memory_space<vmem>>) offsets(%dma_start3A_389 : memref<512xi32, #tpu.memory_space<vmem>>) semaphore(%dma_start3A_394 : memref<!tpu.dma_semaphore, #tpu.memory_space<semaphore_mem>>)
          %dma_start3A_395 = arith.constant 1 : i32
          %dma_start3A_396 = arith.constant 512 : i32
          %dma_start3A_397 = arith.constant 0 : i32
          %dma_start3A_398 = tpu.memref_slice %arg10[%dma_start3A_396, %dma_start3A_397] : memref<2048x8xf32, #tpu.memory_space<vmem>> -> memref<512x8xf32, #tpu.memory_space<vmem>>
          %dma_start3A_399 = arith.constant 512 : i32
          %dma_start3A_400 = tpu.memref_slice %arg8[%dma_start3A_399] : memref<4096xi32, #tpu.memory_space<vmem>> -> memref<512xi32, #tpu.memory_space<vmem>>
          %dma_start3A_401 = arith.constant 0 : i32
          %dma_start3A_402 = arith.constant 0 : i32
          %dma_start3A_403 = tpu.memref_slice %arg2[%dma_start3A_401, %dma_start3A_402] : memref<100000x8xf32, #tpu.memory_space<hbm>> -> memref<100000x8xf32, #tpu.memory_space<hbm>>
          %dma_start3A_404 = tpu.memref_slice %arg15[%dma_start3A_395] : memref<4x!tpu.dma_semaphore, #tpu.memory_space<semaphore_mem>> -> memref<1x!tpu.dma_semaphore, #tpu.memory_space<semaphore_mem>>
          %dma_start3A_405 = tpu.memref_squeeze %dma_start3A_404 : memref<1x!tpu.dma_semaphore, #tpu.memory_space<semaphore_mem>> -> memref<!tpu.dma_semaphore, #tpu.memory_space<semaphore_mem>>
          tpu.enqueue_indirect_dma source(%dma_start3A_403 : memref<100000x8xf32, #tpu.memory_space<hbm>>) target(%dma_start3A_398 : memref<512x8xf32, #tpu.memory_space<vmem>>) offsets(%dma_start3A_400 : memref<512xi32, #tpu.memory_space<vmem>>) semaphore(%dma_start3A_405 : memref<!tpu.dma_semaphore, #tpu.memory_space<semaphore_mem>>)
        } else {
        }
        %dma_wait3A_306 = arith.constant 2 : i32
        %dma_wait3A_307 = arith.constant 1024 : i32
        %dma_wait3A_308 = arith.constant 0 : i32
        %dma_wait3A_309 = tpu.memref_slice %arg9[%dma_wait3A_307, %dma_wait3A_308] : memref<2048x8xf32, #tpu.memory_space<vmem>> -> memref<512x8xf32, #tpu.memory_space<vmem>>
        %dma_wait3A_310 = arith.constant 0 : i32
        %dma_wait3A_311 = tpu.memref_slice %arg7[%dma_wait3A_310] : memref<4096xi32, #tpu.memory_space<vmem>> -> memref<512xi32, #tpu.memory_space<vmem>>
        %dma_wait3A_312 = arith.constant 0 : i32
        %dma_wait3A_313 = arith.constant 0 : i32
        %dma_wait3A_314 = tpu.memref_slice %arg2[%dma_wait3A_312, %dma_wait3A_313] : memref<100000x8xf32, #tpu.memory_space<hbm>> -> memref<100000x8xf32, #tpu.memory_space<hbm>>
        %dma_wait3A_315 = tpu.memref_slice %arg15[%dma_wait3A_306] : memref<4x!tpu.dma_semaphore, #tpu.memory_space<semaphore_mem>> -> memref<1x!tpu.dma_semaphore, #tpu.memory_space<semaphore_mem>>
        %dma_wait3A_316 = tpu.memref_squeeze %dma_wait3A_315 : memref<1x!tpu.dma_semaphore, #tpu.memory_space<semaphore_mem>> -> memref<!tpu.dma_semaphore, #tpu.memory_space<semaphore_mem>>
        tpu.wait_indirect_dma semaphore(%dma_wait3A_316 : memref<!tpu.dma_semaphore, #tpu.memory_space<semaphore_mem>>) src(%dma_wait3A_314 : memref<100000x8xf32, #tpu.memory_space<hbm>>) dst(%dma_wait3A_309 : memref<512x8xf32, #tpu.memory_space<vmem>>)
        %dma_wait3A_317 = arith.constant 2 : i32
        %dma_wait3A_318 = arith.constant 1024 : i32
        %dma_wait3A_319 = arith.constant 0 : i32
        %dma_wait3A_320 = tpu.memref_slice %arg10[%dma_wait3A_318, %dma_wait3A_319] : memref<2048x8xf32, #tpu.memory_space<vmem>> -> memref<512x8xf32, #tpu.memory_space<vmem>>
        %dma_wait3A_321 = arith.constant 0 : i32
        %dma_wait3A_322 = tpu.memref_slice %arg7[%dma_wait3A_321] : memref<4096xi32, #tpu.memory_space<vmem>> -> memref<512xi32, #tpu.memory_space<vmem>>
        %dma_wait3A_323 = arith.constant 0 : i32
        %dma_wait3A_324 = arith.constant 0 : i32
        %dma_wait3A_325 = tpu.memref_slice %arg2[%dma_wait3A_323, %dma_wait3A_324] : memref<100000x8xf32, #tpu.memory_space<hbm>> -> memref<100000x8xf32, #tpu.memory_space<hbm>>
        %dma_wait3A_326 = tpu.memref_slice %arg15[%dma_wait3A_317] : memref<4x!tpu.dma_semaphore, #tpu.memory_space<semaphore_mem>> -> memref<1x!tpu.dma_semaphore, #tpu.memory_space<semaphore_mem>>
        %dma_wait3A_327 = tpu.memref_squeeze %dma_wait3A_326 : memref<1x!tpu.dma_semaphore, #tpu.memory_space<semaphore_mem>> -> memref<!tpu.dma_semaphore, #tpu.memory_space<semaphore_mem>>
        tpu.wait_indirect_dma semaphore(%dma_wait3A_327 : memref<!tpu.dma_semaphore, #tpu.memory_space<semaphore_mem>>) src(%dma_wait3A_325 : memref<100000x8xf32, #tpu.memory_space<hbm>>) dst(%dma_wait3A_320 : memref<512x8xf32, #tpu.memory_space<vmem>>)
        %scan3A_328 = arith.constant 0 : i32
        %scan3A_329 = arith.constant 32 : i32
        %scan3A_330 = arith.addi %scan3A_328, %scan3A_329 : i32
        %scan3A_331 = arith.constant 1 : i32
        scf.for %scan3A_384 = %scan3A_328 to %scan3A_330 step %scan3A_331  : i32 {
          %mul3A_385 = arith.constant 16 : i32
          %mul3A_386 = arith.muli %scan3A_384, %mul3A_385 : i32
          %add3A_387 = arith.constant 0 : i32
          %add3A_388 = arith.addi %add3A_387, %mul3A_386 : i32
          %add3A_389 = arith.constant 1024 : i32
          %add3A_390 = arith.addi %add3A_389, %add3A_388 : i32
          %add3A_391 = vector.broadcast %add3A_390 : i32 to vector<16xi32>
          %add3A_392 = arith.addi %add3A_391, %iota3A : vector<16xi32>
          %gather3A = tpu.vector_load_idx %arg9[%add3A_392, %broadcast_in_dim3A_1] : memref<2048x8xf32, #tpu.memory_space<vmem>>[vector<16xi32>, vector<16xi32>], vector<16xf32>,
          %gather3A_393 = tpu.vector_load_idx %arg9[%add3A_392, %broadcast_in_dim3A_3] : memref<2048x8xf32, #tpu.memory_space<vmem>>[vector<16xi32>, vector<16xi32>], vector<16xf32>,
          %gather3A_394 = tpu.vector_load_idx %arg9[%add3A_392, %broadcast_in_dim3A_5] : memref<2048x8xf32, #tpu.memory_space<vmem>>[vector<16xi32>, vector<16xi32>], vector<16xf32>,
          %gather3A_395 = tpu.vector_load_idx %arg9[%add3A_392, %broadcast_in_dim3A_7] : memref<2048x8xf32, #tpu.memory_space<vmem>>[vector<16xi32>, vector<16xi32>], vector<16xf32>,
          %gather3A_396 = tpu.vector_load_idx %arg10[%add3A_392, %broadcast_in_dim3A_1] : memref<2048x8xf32, #tpu.memory_space<vmem>>[vector<16xi32>, vector<16xi32>], vector<16xf32>,
          %gather3A_397 = tpu.vector_load_idx %arg10[%add3A_392, %broadcast_in_dim3A_3] : memref<2048x8xf32, #tpu.memory_space<vmem>>[vector<16xi32>, vector<16xi32>], vector<16xf32>,
          %gather3A_398 = tpu.vector_load_idx %arg10[%add3A_392, %broadcast_in_dim3A_5] : memref<2048x8xf32, #tpu.memory_space<vmem>>[vector<16xi32>, vector<16xi32>], vector<16xf32>,
          %gather3A_399 = tpu.vector_load_idx %arg10[%add3A_392, %broadcast_in_dim3A_7] : memref<2048x8xf32, #tpu.memory_space<vmem>>[vector<16xi32>, vector<16xi32>], vector<16xf32>,
          %sub3A_400 = arith.subf %gather3A_396, %gather3A : vector<16xf32>
          %sub3A_401 = arith.subf %gather3A_397, %gather3A_393 : vector<16xf32>
          %sub3A_402 = arith.subf %gather3A_398, %gather3A_394 : vector<16xf32>
          %mul3A_403 = arith.mulf %sub3A_400, %sub3A_400 : vector<16xf32>
          %mul3A_404 = arith.mulf %sub3A_401, %sub3A_401 : vector<16xf32>
          %add3A_405 = arith.addf %mul3A_403, %mul3A_404 : vector<16xf32>
          %mul3A_406 = arith.mulf %sub3A_402, %sub3A_402 : vector<16xf32>
          %add3A_407 = arith.addf %add3A_405, %mul3A_406 : vector<16xf32>
          %add3A_408 = arith.constant 9.99999996E-13 : f32
          %add3A_409 = vector.broadcast %add3A_408 : f32 to vector<16xf32>
          %add3A_410 = arith.addf %add3A_407, %add3A_409 : vector<16xf32>
          %bitcast3A = vector.bitcast %add3A_410 : vector<16xf32> to vector<16xi32>
          %shift_right_logical3A = arith.constant 1 : i32
          %shift_right_logical3A_411 = vector.broadcast %shift_right_logical3A : i32 to vector<16xi32>
          %shift_right_logical3A_412 = arith.shrui %bitcast3A, %shift_right_logical3A_411 : vector<16xi32>
          %sub3A_413 = arith.constant 1597463007 : i32
          %sub3A_414 = vector.broadcast %sub3A_413 : i32 to vector<16xi32>
          %sub3A_415 = arith.subi %sub3A_414, %shift_right_logical3A_412 : vector<16xi32>
          %bitcast3A_416 = vector.bitcast %sub3A_415 : vector<16xi32> to vector<16xf32>
          %mul3A_417 = arith.constant 5.000000e-01 : f32
          %mul3A_418 = vector.broadcast %mul3A_417 : f32 to vector<16xf32>
          %mul3A_419 = arith.mulf %add3A_410, %mul3A_418 : vector<16xf32>
          %mul3A_420 = arith.mulf %mul3A_419, %bitcast3A_416 : vector<16xf32>
          %mul3A_421 = arith.mulf %mul3A_420, %bitcast3A_416 : vector<16xf32>
          %sub3A_422 = arith.constant 1.500000e+00 : f32
          %sub3A_423 = vector.broadcast %sub3A_422 : f32 to vector<16xf32>
          %sub3A_424 = arith.subf %sub3A_423, %mul3A_421 : vector<16xf32>
          %mul3A_425 = arith.mulf %bitcast3A_416, %sub3A_424 : vector<16xf32>
          %mul3A_426 = arith.mulf %mul3A_419, %mul3A_425 : vector<16xf32>
          %mul3A_427 = arith.mulf %mul3A_426, %mul3A_425 : vector<16xf32>
          %sub3A_428 = arith.constant 1.500000e+00 : f32
          %sub3A_429 = vector.broadcast %sub3A_428 : f32 to vector<16xf32>
          %sub3A_430 = arith.subf %sub3A_429, %mul3A_427 : vector<16xf32>
          %mul3A_431 = arith.mulf %mul3A_425, %sub3A_430 : vector<16xf32>
          %mul3A_432 = arith.mulf %mul3A_419, %mul3A_431 : vector<16xf32>
          %mul3A_433 = arith.mulf %mul3A_432, %mul3A_431 : vector<16xf32>
          %sub3A_434 = arith.constant 1.500000e+00 : f32
          %sub3A_435 = vector.broadcast %sub3A_434 : f32 to vector<16xf32>
          %sub3A_436 = arith.subf %sub3A_435, %mul3A_433 : vector<16xf32>
          %mul3A_437 = arith.mulf %mul3A_431, %sub3A_436 : vector<16xf32>
          %mul3A_438 = arith.mulf %add3A_410, %mul3A_437 : vector<16xf32>
          %convert_element_type3A_439 = arith.fptosi %gather3A_395 : vector<16xf32> to vector<16xi32>
          %convert_element_type3A_440 = arith.fptosi %gather3A_399 : vector<16xf32> to vector<16xi32>
          %mul3A_441 = arith.constant 25 : i32
          %mul3A_442 = vector.broadcast %mul3A_441 : i32 to vector<16xi32>
          %mul3A_443 = arith.muli %convert_element_type3A_439, %mul3A_442 : vector<16xi32>
          %add3A_444 = arith.addi %mul3A_443, %convert_element_type3A_440 : vector<16xi32>
          %gather3A_445 = tpu.vector_load_idx %arg12[%add3A_444] : memref<640xf32, #tpu.memory_space<vmem>>[vector<16xi32>], vector<16xf32>,
          %gather3A_446 = tpu.vector_load_idx %arg13[%add3A_444] : memref<640xf32, #tpu.memory_space<vmem>>[vector<16xi32>], vector<16xf32>,
          %sub3A_447 = arith.subf %mul3A_438, %gather3A_445 : vector<16xf32>
          %mul3A_448 = arith.mulf %gather3A_446, %sub3A_447 : vector<16xf32>
          %mul3A_449 = arith.mulf %mul3A_448, %sub3A_447 : vector<16xf32>
          %add3A_450 = arith.constant 3072 : i32
          %add3A_451 = arith.addi %add3A_450, %add3A_388 : i32
          %swap3A = arith.index_cast %add3A_451 : i32 to index
          %swap3A_452 = tpu.vector_load %arg11[%swap3A] {strides = array<i32>} : memref<4096xf32, #tpu.memory_space<vmem>>, vector<16xf32>,
          tpu.vector_store %arg11[%swap3A], %mul3A_449 {strides = array<i32>} : memref<4096xf32, #tpu.memory_space<vmem>>, vector<16xf32>,
        }
        %scan3A_332 = arith.constant 32 : i32
        %convert_element_type3A_333 = arith.extui %lt3A_242 : i1 to i32
        %cond3A_334 = arith.constant 0 : i32
        %cond3A_335 = arith.cmpi ne, %convert_element_type3A_333, %cond3A_334 : i32
        scf.if %cond3A_335 {
          %dma_start3A_384 = arith.constant 2 : i32
          %dma_start3A_385 = arith.constant 1024 : i32
          %dma_start3A_386 = arith.constant 0 : i32
          %dma_start3A_387 = tpu.memref_slice %arg9[%dma_start3A_385, %dma_start3A_386] : memref<2048x8xf32, #tpu.memory_space<vmem>> -> memref<512x8xf32, #tpu.memory_space<vmem>>
          %dma_start3A_388 = arith.constant 1024 : i32
          %dma_start3A_389 = tpu.memref_slice %arg7[%dma_start3A_388] : memref<4096xi32, #tpu.memory_space<vmem>> -> memref<512xi32, #tpu.memory_space<vmem>>
          %dma_start3A_390 = arith.constant 0 : i32
          %dma_start3A_391 = arith.constant 0 : i32
          %dma_start3A_392 = tpu.memref_slice %arg2[%dma_start3A_390, %dma_start3A_391] : memref<100000x8xf32, #tpu.memory_space<hbm>> -> memref<100000x8xf32, #tpu.memory_space<hbm>>
          %dma_start3A_393 = tpu.memref_slice %arg15[%dma_start3A_384] : memref<4x!tpu.dma_semaphore, #tpu.memory_space<semaphore_mem>> -> memref<1x!tpu.dma_semaphore, #tpu.memory_space<semaphore_mem>>
          %dma_start3A_394 = tpu.memref_squeeze %dma_start3A_393 : memref<1x!tpu.dma_semaphore, #tpu.memory_space<semaphore_mem>> -> memref<!tpu.dma_semaphore, #tpu.memory_space<semaphore_mem>>
          tpu.enqueue_indirect_dma source(%dma_start3A_392 : memref<100000x8xf32, #tpu.memory_space<hbm>>) target(%dma_start3A_387 : memref<512x8xf32, #tpu.memory_space<vmem>>) offsets(%dma_start3A_389 : memref<512xi32, #tpu.memory_space<vmem>>) semaphore(%dma_start3A_394 : memref<!tpu.dma_semaphore, #tpu.memory_space<semaphore_mem>>)
          %dma_start3A_395 = arith.constant 2 : i32
          %dma_start3A_396 = arith.constant 1024 : i32
          %dma_start3A_397 = arith.constant 0 : i32
          %dma_start3A_398 = tpu.memref_slice %arg10[%dma_start3A_396, %dma_start3A_397] : memref<2048x8xf32, #tpu.memory_space<vmem>> -> memref<512x8xf32, #tpu.memory_space<vmem>>
          %dma_start3A_399 = arith.constant 1024 : i32
          %dma_start3A_400 = tpu.memref_slice %arg8[%dma_start3A_399] : memref<4096xi32, #tpu.memory_space<vmem>> -> memref<512xi32, #tpu.memory_space<vmem>>
          %dma_start3A_401 = arith.constant 0 : i32
          %dma_start3A_402 = arith.constant 0 : i32
          %dma_start3A_403 = tpu.memref_slice %arg2[%dma_start3A_401, %dma_start3A_402] : memref<100000x8xf32, #tpu.memory_space<hbm>> -> memref<100000x8xf32, #tpu.memory_space<hbm>>
          %dma_start3A_404 = tpu.memref_slice %arg15[%dma_start3A_395] : memref<4x!tpu.dma_semaphore, #tpu.memory_space<semaphore_mem>> -> memref<1x!tpu.dma_semaphore, #tpu.memory_space<semaphore_mem>>
          %dma_start3A_405 = tpu.memref_squeeze %dma_start3A_404 : memref<1x!tpu.dma_semaphore, #tpu.memory_space<semaphore_mem>> -> memref<!tpu.dma_semaphore, #tpu.memory_space<semaphore_mem>>
          tpu.enqueue_indirect_dma source(%dma_start3A_403 : memref<100000x8xf32, #tpu.memory_space<hbm>>) target(%dma_start3A_398 : memref<512x8xf32, #tpu.memory_space<vmem>>) offsets(%dma_start3A_400 : memref<512xi32, #tpu.memory_space<vmem>>) semaphore(%dma_start3A_405 : memref<!tpu.dma_semaphore, #tpu.memory_space<semaphore_mem>>)
        } else {
        }
        %dma_wait3A_336 = arith.constant 3 : i32
        %dma_wait3A_337 = arith.constant 1536 : i32
        %dma_wait3A_338 = arith.constant 0 : i32
        %dma_wait3A_339 = tpu.memref_slice %arg9[%dma_wait3A_337, %dma_wait3A_338] : memref<2048x8xf32, #tpu.memory_space<vmem>> -> memref<512x8xf32, #tpu.memory_space<vmem>>
        %dma_wait3A_340 = arith.constant 0 : i32
        %dma_wait3A_341 = tpu.memref_slice %arg7[%dma_wait3A_340] : memref<4096xi32, #tpu.memory_space<vmem>> -> memref<512xi32, #tpu.memory_space<vmem>>
        %dma_wait3A_342 = arith.constant 0 : i32
        %dma_wait3A_343 = arith.constant 0 : i32
        %dma_wait3A_344 = tpu.memref_slice %arg2[%dma_wait3A_342, %dma_wait3A_343] : memref<100000x8xf32, #tpu.memory_space<hbm>> -> memref<100000x8xf32, #tpu.memory_space<hbm>>
        %dma_wait3A_345 = tpu.memref_slice %arg15[%dma_wait3A_336] : memref<4x!tpu.dma_semaphore, #tpu.memory_space<semaphore_mem>> -> memref<1x!tpu.dma_semaphore, #tpu.memory_space<semaphore_mem>>
        %dma_wait3A_346 = tpu.memref_squeeze %dma_wait3A_345 : memref<1x!tpu.dma_semaphore, #tpu.memory_space<semaphore_mem>> -> memref<!tpu.dma_semaphore, #tpu.memory_space<semaphore_mem>>
        tpu.wait_indirect_dma semaphore(%dma_wait3A_346 : memref<!tpu.dma_semaphore, #tpu.memory_space<semaphore_mem>>) src(%dma_wait3A_344 : memref<100000x8xf32, #tpu.memory_space<hbm>>) dst(%dma_wait3A_339 : memref<512x8xf32, #tpu.memory_space<vmem>>)
        %dma_wait3A_347 = arith.constant 3 : i32
        %dma_wait3A_348 = arith.constant 1536 : i32
        %dma_wait3A_349 = arith.constant 0 : i32
        %dma_wait3A_350 = tpu.memref_slice %arg10[%dma_wait3A_348, %dma_wait3A_349] : memref<2048x8xf32, #tpu.memory_space<vmem>> -> memref<512x8xf32, #tpu.memory_space<vmem>>
        %dma_wait3A_351 = arith.constant 0 : i32
        %dma_wait3A_352 = tpu.memref_slice %arg7[%dma_wait3A_351] : memref<4096xi32, #tpu.memory_space<vmem>> -> memref<512xi32, #tpu.memory_space<vmem>>
        %dma_wait3A_353 = arith.constant 0 : i32
        %dma_wait3A_354 = arith.constant 0 : i32
        %dma_wait3A_355 = tpu.memref_slice %arg2[%dma_wait3A_353, %dma_wait3A_354] : memref<100000x8xf32, #tpu.memory_space<hbm>> -> memref<100000x8xf32, #tpu.memory_space<hbm>>
        %dma_wait3A_356 = tpu.memref_slice %arg15[%dma_wait3A_347] : memref<4x!tpu.dma_semaphore, #tpu.memory_space<semaphore_mem>> -> memref<1x!tpu.dma_semaphore, #tpu.memory_space<semaphore_mem>>
        %dma_wait3A_357 = tpu.memref_squeeze %dma_wait3A_356 : memref<1x!tpu.dma_semaphore, #tpu.memory_space<semaphore_mem>> -> memref<!tpu.dma_semaphore, #tpu.memory_space<semaphore_mem>>
        tpu.wait_indirect_dma semaphore(%dma_wait3A_357 : memref<!tpu.dma_semaphore, #tpu.memory_space<semaphore_mem>>) src(%dma_wait3A_355 : memref<100000x8xf32, #tpu.memory_space<hbm>>) dst(%dma_wait3A_350 : memref<512x8xf32, #tpu.memory_space<vmem>>)
        %scan3A_358 = arith.constant 0 : i32
        %scan3A_359 = arith.constant 32 : i32
        %scan3A_360 = arith.addi %scan3A_358, %scan3A_359 : i32
        %scan3A_361 = arith.constant 1 : i32
        scf.for %scan3A_384 = %scan3A_358 to %scan3A_360 step %scan3A_361  : i32 {
          %mul3A_385 = arith.constant 16 : i32
          %mul3A_386 = arith.muli %scan3A_384, %mul3A_385 : i32
          %add3A_387 = arith.constant 0 : i32
          %add3A_388 = arith.addi %add3A_387, %mul3A_386 : i32
          %add3A_389 = arith.constant 1536 : i32
          %add3A_390 = arith.addi %add3A_389, %add3A_388 : i32
          %add3A_391 = vector.broadcast %add3A_390 : i32 to vector<16xi32>
          %add3A_392 = arith.addi %add3A_391, %iota3A : vector<16xi32>
          %gather3A = tpu.vector_load_idx %arg9[%add3A_392, %broadcast_in_dim3A_1] : memref<2048x8xf32, #tpu.memory_space<vmem>>[vector<16xi32>, vector<16xi32>], vector<16xf32>,
          %gather3A_393 = tpu.vector_load_idx %arg9[%add3A_392, %broadcast_in_dim3A_3] : memref<2048x8xf32, #tpu.memory_space<vmem>>[vector<16xi32>, vector<16xi32>], vector<16xf32>,
          %gather3A_394 = tpu.vector_load_idx %arg9[%add3A_392, %broadcast_in_dim3A_5] : memref<2048x8xf32, #tpu.memory_space<vmem>>[vector<16xi32>, vector<16xi32>], vector<16xf32>,
          %gather3A_395 = tpu.vector_load_idx %arg9[%add3A_392, %broadcast_in_dim3A_7] : memref<2048x8xf32, #tpu.memory_space<vmem>>[vector<16xi32>, vector<16xi32>], vector<16xf32>,
          %gather3A_396 = tpu.vector_load_idx %arg10[%add3A_392, %broadcast_in_dim3A_1] : memref<2048x8xf32, #tpu.memory_space<vmem>>[vector<16xi32>, vector<16xi32>], vector<16xf32>,
          %gather3A_397 = tpu.vector_load_idx %arg10[%add3A_392, %broadcast_in_dim3A_3] : memref<2048x8xf32, #tpu.memory_space<vmem>>[vector<16xi32>, vector<16xi32>], vector<16xf32>,
          %gather3A_398 = tpu.vector_load_idx %arg10[%add3A_392, %broadcast_in_dim3A_5] : memref<2048x8xf32, #tpu.memory_space<vmem>>[vector<16xi32>, vector<16xi32>], vector<16xf32>,
          %gather3A_399 = tpu.vector_load_idx %arg10[%add3A_392, %broadcast_in_dim3A_7] : memref<2048x8xf32, #tpu.memory_space<vmem>>[vector<16xi32>, vector<16xi32>], vector<16xf32>,
          %sub3A_400 = arith.subf %gather3A_396, %gather3A : vector<16xf32>
          %sub3A_401 = arith.subf %gather3A_397, %gather3A_393 : vector<16xf32>
          %sub3A_402 = arith.subf %gather3A_398, %gather3A_394 : vector<16xf32>
          %mul3A_403 = arith.mulf %sub3A_400, %sub3A_400 : vector<16xf32>
          %mul3A_404 = arith.mulf %sub3A_401, %sub3A_401 : vector<16xf32>
          %add3A_405 = arith.addf %mul3A_403, %mul3A_404 : vector<16xf32>
          %mul3A_406 = arith.mulf %sub3A_402, %sub3A_402 : vector<16xf32>
          %add3A_407 = arith.addf %add3A_405, %mul3A_406 : vector<16xf32>
          %add3A_408 = arith.constant 9.99999996E-13 : f32
          %add3A_409 = vector.broadcast %add3A_408 : f32 to vector<16xf32>
          %add3A_410 = arith.addf %add3A_407, %add3A_409 : vector<16xf32>
          %bitcast3A = vector.bitcast %add3A_410 : vector<16xf32> to vector<16xi32>
          %shift_right_logical3A = arith.constant 1 : i32
          %shift_right_logical3A_411 = vector.broadcast %shift_right_logical3A : i32 to vector<16xi32>
          %shift_right_logical3A_412 = arith.shrui %bitcast3A, %shift_right_logical3A_411 : vector<16xi32>
          %sub3A_413 = arith.constant 1597463007 : i32
          %sub3A_414 = vector.broadcast %sub3A_413 : i32 to vector<16xi32>
          %sub3A_415 = arith.subi %sub3A_414, %shift_right_logical3A_412 : vector<16xi32>
          %bitcast3A_416 = vector.bitcast %sub3A_415 : vector<16xi32> to vector<16xf32>
          %mul3A_417 = arith.constant 5.000000e-01 : f32
          %mul3A_418 = vector.broadcast %mul3A_417 : f32 to vector<16xf32>
          %mul3A_419 = arith.mulf %add3A_410, %mul3A_418 : vector<16xf32>
          %mul3A_420 = arith.mulf %mul3A_419, %bitcast3A_416 : vector<16xf32>
          %mul3A_421 = arith.mulf %mul3A_420, %bitcast3A_416 : vector<16xf32>
          %sub3A_422 = arith.constant 1.500000e+00 : f32
          %sub3A_423 = vector.broadcast %sub3A_422 : f32 to vector<16xf32>
          %sub3A_424 = arith.subf %sub3A_423, %mul3A_421 : vector<16xf32>
          %mul3A_425 = arith.mulf %bitcast3A_416, %sub3A_424 : vector<16xf32>
          %mul3A_426 = arith.mulf %mul3A_419, %mul3A_425 : vector<16xf32>
          %mul3A_427 = arith.mulf %mul3A_426, %mul3A_425 : vector<16xf32>
          %sub3A_428 = arith.constant 1.500000e+00 : f32
          %sub3A_429 = vector.broadcast %sub3A_428 : f32 to vector<16xf32>
          %sub3A_430 = arith.subf %sub3A_429, %mul3A_427 : vector<16xf32>
          %mul3A_431 = arith.mulf %mul3A_425, %sub3A_430 : vector<16xf32>
          %mul3A_432 = arith.mulf %mul3A_419, %mul3A_431 : vector<16xf32>
          %mul3A_433 = arith.mulf %mul3A_432, %mul3A_431 : vector<16xf32>
          %sub3A_434 = arith.constant 1.500000e+00 : f32
          %sub3A_435 = vector.broadcast %sub3A_434 : f32 to vector<16xf32>
          %sub3A_436 = arith.subf %sub3A_435, %mul3A_433 : vector<16xf32>
          %mul3A_437 = arith.mulf %mul3A_431, %sub3A_436 : vector<16xf32>
          %mul3A_438 = arith.mulf %add3A_410, %mul3A_437 : vector<16xf32>
          %convert_element_type3A_439 = arith.fptosi %gather3A_395 : vector<16xf32> to vector<16xi32>
          %convert_element_type3A_440 = arith.fptosi %gather3A_399 : vector<16xf32> to vector<16xi32>
          %mul3A_441 = arith.constant 25 : i32
          %mul3A_442 = vector.broadcast %mul3A_441 : i32 to vector<16xi32>
          %mul3A_443 = arith.muli %convert_element_type3A_439, %mul3A_442 : vector<16xi32>
          %add3A_444 = arith.addi %mul3A_443, %convert_element_type3A_440 : vector<16xi32>
          %gather3A_445 = tpu.vector_load_idx %arg12[%add3A_444] : memref<640xf32, #tpu.memory_space<vmem>>[vector<16xi32>], vector<16xf32>,
          %gather3A_446 = tpu.vector_load_idx %arg13[%add3A_444] : memref<640xf32, #tpu.memory_space<vmem>>[vector<16xi32>], vector<16xf32>,
          %sub3A_447 = arith.subf %mul3A_438, %gather3A_445 : vector<16xf32>
          %mul3A_448 = arith.mulf %gather3A_446, %sub3A_447 : vector<16xf32>
          %mul3A_449 = arith.mulf %mul3A_448, %sub3A_447 : vector<16xf32>
          %add3A_450 = arith.constant 3584 : i32
          %add3A_451 = arith.addi %add3A_450, %add3A_388 : i32
          %swap3A = arith.index_cast %add3A_451 : i32 to index
          %swap3A_452 = tpu.vector_load %arg11[%swap3A] {strides = array<i32>} : memref<4096xf32, #tpu.memory_space<vmem>>, vector<16xf32>,
          tpu.vector_store %arg11[%swap3A], %mul3A_449 {strides = array<i32>} : memref<4096xf32, #tpu.memory_space<vmem>>, vector<16xf32>,
        }
        %scan3A_362 = arith.constant 32 : i32
        %convert_element_type3A_363 = arith.extui %lt3A_242 : i1 to i32
        %cond3A_364 = arith.constant 0 : i32
        %cond3A_365 = arith.cmpi ne, %convert_element_type3A_363, %cond3A_364 : i32
        scf.if %cond3A_365 {
          %dma_start3A_384 = arith.constant 3 : i32
          %dma_start3A_385 = arith.constant 1536 : i32
          %dma_start3A_386 = arith.constant 0 : i32
          %dma_start3A_387 = tpu.memref_slice %arg9[%dma_start3A_385, %dma_start3A_386] : memref<2048x8xf32, #tpu.memory_space<vmem>> -> memref<512x8xf32, #tpu.memory_space<vmem>>
          %dma_start3A_388 = arith.constant 1536 : i32
          %dma_start3A_389 = tpu.memref_slice %arg7[%dma_start3A_388] : memref<4096xi32, #tpu.memory_space<vmem>> -> memref<512xi32, #tpu.memory_space<vmem>>
          %dma_start3A_390 = arith.constant 0 : i32
          %dma_start3A_391 = arith.constant 0 : i32
          %dma_start3A_392 = tpu.memref_slice %arg2[%dma_start3A_390, %dma_start3A_391] : memref<100000x8xf32, #tpu.memory_space<hbm>> -> memref<100000x8xf32, #tpu.memory_space<hbm>>
          %dma_start3A_393 = tpu.memref_slice %arg15[%dma_start3A_384] : memref<4x!tpu.dma_semaphore, #tpu.memory_space<semaphore_mem>> -> memref<1x!tpu.dma_semaphore, #tpu.memory_space<semaphore_mem>>
          %dma_start3A_394 = tpu.memref_squeeze %dma_start3A_393 : memref<1x!tpu.dma_semaphore, #tpu.memory_space<semaphore_mem>> -> memref<!tpu.dma_semaphore, #tpu.memory_space<semaphore_mem>>
          tpu.enqueue_indirect_dma source(%dma_start3A_392 : memref<100000x8xf32, #tpu.memory_space<hbm>>) target(%dma_start3A_387 : memref<512x8xf32, #tpu.memory_space<vmem>>) offsets(%dma_start3A_389 : memref<512xi32, #tpu.memory_space<vmem>>) semaphore(%dma_start3A_394 : memref<!tpu.dma_semaphore, #tpu.memory_space<semaphore_mem>>)
          %dma_start3A_395 = arith.constant 3 : i32
          %dma_start3A_396 = arith.constant 1536 : i32
          %dma_start3A_397 = arith.constant 0 : i32
          %dma_start3A_398 = tpu.memref_slice %arg10[%dma_start3A_396, %dma_start3A_397] : memref<2048x8xf32, #tpu.memory_space<vmem>> -> memref<512x8xf32, #tpu.memory_space<vmem>>
          %dma_start3A_399 = arith.constant 1536 : i32
          %dma_start3A_400 = tpu.memref_slice %arg8[%dma_start3A_399] : memref<4096xi32, #tpu.memory_space<vmem>> -> memref<512xi32, #tpu.memory_space<vmem>>
          %dma_start3A_401 = arith.constant 0 : i32
          %dma_start3A_402 = arith.constant 0 : i32
          %dma_start3A_403 = tpu.memref_slice %arg2[%dma_start3A_401, %dma_start3A_402] : memref<100000x8xf32, #tpu.memory_space<hbm>> -> memref<100000x8xf32, #tpu.memory_space<hbm>>
          %dma_start3A_404 = tpu.memref_slice %arg15[%dma_start3A_395] : memref<4x!tpu.dma_semaphore, #tpu.memory_space<semaphore_mem>> -> memref<1x!tpu.dma_semaphore, #tpu.memory_space<semaphore_mem>>
          %dma_start3A_405 = tpu.memref_squeeze %dma_start3A_404 : memref<1x!tpu.dma_semaphore, #tpu.memory_space<semaphore_mem>> -> memref<!tpu.dma_semaphore, #tpu.memory_space<semaphore_mem>>
          tpu.enqueue_indirect_dma source(%dma_start3A_403 : memref<100000x8xf32, #tpu.memory_space<hbm>>) target(%dma_start3A_398 : memref<512x8xf32, #tpu.memory_space<vmem>>) offsets(%dma_start3A_400 : memref<512xi32, #tpu.memory_space<vmem>>) semaphore(%dma_start3A_405 : memref<!tpu.dma_semaphore, #tpu.memory_space<semaphore_mem>>)
        } else {
        }
        %mul3A_366 = arith.constant 2048 : i32
        %mul3A_367 = arith.muli %add3A_224, %mul3A_366 : i32
        %dma_start3A_368 = arith.constant 1 : i32
        %dma_start3A_369 = arith.constant 2048 : i32
        %dma_start3A_370 = tpu.memref_slice %arg11[%dma_start3A_369] : memref<4096xf32, #tpu.memory_space<vmem>> -> memref<2048xf32, #tpu.memory_space<vmem>>
        %dma_start3A_371 = tpu.memref_slice %arg6[%mul3A_367] : memref<6400000xf32, #tpu.memory_space<hbm>> -> memref<2048xf32, #tpu.memory_space<hbm>>
        %dma_start3A_372 = tpu.memref_slice %arg16[%dma_start3A_368] : memref<2x!tpu.dma_semaphore, #tpu.memory_space<semaphore_mem>> -> memref<1x!tpu.dma_semaphore, #tpu.memory_space<semaphore_mem>>
        %dma_start3A_373 = tpu.memref_squeeze %dma_start3A_372 : memref<1x!tpu.dma_semaphore, #tpu.memory_space<semaphore_mem>> -> memref<!tpu.dma_semaphore, #tpu.memory_space<semaphore_mem>>
        %dma_start3A_374 = tpu.memref_slice %arg6[%mul3A_367] : memref<6400000xf32, #tpu.memory_space<hbm>> -> memref<2048xf32, #tpu.memory_space<hbm>>
        %dma_start3A_375 = arith.constant 2048 : i32
        %dma_start3A_376 = tpu.memref_slice %arg11[%dma_start3A_375] : memref<4096xf32, #tpu.memory_space<vmem>> -> memref<2048xf32, #tpu.memory_space<vmem>>
        tpu.enqueue_dma source(%dma_start3A_376 : memref<2048xf32, #tpu.memory_space<vmem>>) target(%dma_start3A_374 : memref<2048xf32, #tpu.memory_space<hbm>>) target_semaphore(%dma_start3A_373 : memref<!tpu.dma_semaphore, #tpu.memory_space<semaphore_mem>>)
        %add3A_377 = arith.constant 64 : i32
        %add3A_378 = arith.addi %add3A_224, %add3A_377 : i32
        %lt3A_379 = arith.constant 3125 : i32
        %lt3A_380 = arith.cmpi slt, %add3A_378, %lt3A_379 : i32
        %convert_element_type3A_381 = arith.extui %lt3A_380 : i1 to i32
        %cond3A_382 = arith.constant 0 : i32
        %cond3A_383 = arith.cmpi ne, %convert_element_type3A_381, %cond3A_382 : i32
        scf.if %cond3A_383 {
          %add3A_384 = arith.constant 64 : i32
          %add3A_385 = arith.addi %add3A_224, %add3A_384 : i32
          %mul3A_386 = arith.constant 2048 : i32
          %mul3A_387 = arith.muli %add3A_385, %mul3A_386 : i32
          %dma_start3A_388 = arith.constant 0 : i32
          %dma_start3A_389 = arith.constant 1 : i32
          %dma_start3A_390 = arith.constant 2048 : i32
          %dma_start3A_391 = tpu.memref_slice %arg7[%dma_start3A_390] : memref<4096xi32, #tpu.memory_space<vmem>> -> memref<2048xi32, #tpu.memory_space<vmem>>
          %dma_start3A_392 = tpu.memref_slice %arg3[%dma_start3A_388, %mul3A_387] : memref<2x6400000xi32, #tpu.memory_space<hbm>> -> memref<1x2048xi32, #tpu.memory_space<hbm>>
          %dma_start3A_393 = tpu.memref_squeeze %dma_start3A_392 : memref<1x2048xi32, #tpu.memory_space<hbm>> -> memref<2048xi32, #tpu.memory_space<hbm>>
          %dma_start3A_394 = tpu.memref_slice %arg14[%dma_start3A_389] : memref<2x!tpu.dma_semaphore, #tpu.memory_space<semaphore_mem>> -> memref<1x!tpu.dma_semaphore, #tpu.memory_space<semaphore_mem>>
          %dma_start3A_395 = tpu.memref_squeeze %dma_start3A_394 : memref<1x!tpu.dma_semaphore, #tpu.memory_space<semaphore_mem>> -> memref<!tpu.dma_semaphore, #tpu.memory_space<semaphore_mem>>
          %dma_start3A_396 = arith.constant 2048 : i32
          %dma_start3A_397 = tpu.memref_slice %arg7[%dma_start3A_396] : memref<4096xi32, #tpu.memory_space<vmem>> -> memref<2048xi32, #tpu.memory_space<vmem>>
          %dma_start3A_398 = tpu.memref_slice %arg3[%dma_start3A_388, %mul3A_387] : memref<2x6400000xi32, #tpu.memory_space<hbm>> -> memref<1x2048xi32, #tpu.memory_space<hbm>>
          %dma_start3A_399 = tpu.memref_squeeze %dma_start3A_398 : memref<1x2048xi32, #tpu.memory_space<hbm>> -> memref<2048xi32, #tpu.memory_space<hbm>>
          tpu.enqueue_dma source(%dma_start3A_399 : memref<2048xi32, #tpu.memory_space<hbm>>) target(%dma_start3A_397 : memref<2048xi32, #tpu.memory_space<vmem>>) target_semaphore(%dma_start3A_395 : memref<!tpu.dma_semaphore, #tpu.memory_space<semaphore_mem>>)
          %mul3A_400 = arith.constant 2048 : i32
          %mul3A_401 = arith.muli %add3A_385, %mul3A_400 : i32
          %dma_start3A_402 = arith.constant 1 : i32
          %dma_start3A_403 = arith.constant 1 : i32
          %dma_start3A_404 = arith.constant 2048 : i32
          %dma_start3A_405 = tpu.memref_slice %arg8[%dma_start3A_404] : memref<4096xi32, #tpu.memory_space<vmem>> -> memref<2048xi32, #tpu.memory_space<vmem>>
          %dma_start3A_406 = tpu.memref_slice %arg3[%dma_start3A_402, %mul3A_401] : memref<2x6400000xi32, #tpu.memory_space<hbm>> -> memref<1x2048xi32, #tpu.memory_space<hbm>>
          %dma_start3A_407 = tpu.memref_squeeze %dma_start3A_406 : memref<1x2048xi32, #tpu.memory_space<hbm>> -> memref<2048xi32, #tpu.memory_space<hbm>>
          %dma_start3A_408 = tpu.memref_slice %arg14[%dma_start3A_403] : memref<2x!tpu.dma_semaphore, #tpu.memory_space<semaphore_mem>> -> memref<1x!tpu.dma_semaphore, #tpu.memory_space<semaphore_mem>>
          %dma_start3A_409 = tpu.memref_squeeze %dma_start3A_408 : memref<1x!tpu.dma_semaphore, #tpu.memory_space<semaphore_mem>> -> memref<!tpu.dma_semaphore, #tpu.memory_space<semaphore_mem>>
          %dma_start3A_410 = arith.constant 2048 : i32
          %dma_start3A_411 = tpu.memref_slice %arg8[%dma_start3A_410] : memref<4096xi32, #tpu.memory_space<vmem>> -> memref<2048xi32, #tpu.memory_space<vmem>>
          %dma_start3A_412 = tpu.memref_slice %arg3[%dma_start3A_402, %mul3A_401] : memref<2x6400000xi32, #tpu.memory_space<hbm>> -> memref<1x2048xi32, #tpu.memory_space<hbm>>
          %dma_start3A_413 = tpu.memref_squeeze %dma_start3A_412 : memref<1x2048xi32, #tpu.memory_space<hbm>> -> memref<2048xi32, #tpu.memory_space<hbm>>
          tpu.enqueue_dma source(%dma_start3A_413 : memref<2048xi32, #tpu.memory_space<hbm>>) target(%dma_start3A_411 : memref<2048xi32, #tpu.memory_space<vmem>>) target_semaphore(%dma_start3A_409 : memref<!tpu.dma_semaphore, #tpu.memory_space<semaphore_mem>>)
        } else {
        }
      } else {
      }
    }
    %scan3A_183 = arith.constant 49 : i32
    %dma_wait3A_184 = arith.constant 0 : i32
    %dma_wait3A_185 = arith.constant 0 : i32
    %dma_wait3A_186 = tpu.memref_slice %arg11[%dma_wait3A_185] : memref<4096xf32, #tpu.memory_space<vmem>> -> memref<2048xf32, #tpu.memory_space<vmem>>
    %dma_wait3A_187 = arith.constant 0 : i32
    %dma_wait3A_188 = tpu.memref_slice %arg6[%dma_wait3A_187] : memref<6400000xf32, #tpu.memory_space<hbm>> -> memref<2048xf32, #tpu.memory_space<hbm>>
    %dma_wait3A_189 = tpu.memref_slice %arg16[%dma_wait3A_184] : memref<2x!tpu.dma_semaphore, #tpu.memory_space<semaphore_mem>> -> memref<1x!tpu.dma_semaphore, #tpu.memory_space<semaphore_mem>>
    %dma_wait3A_190 = tpu.memref_squeeze %dma_wait3A_189 : memref<1x!tpu.dma_semaphore, #tpu.memory_space<semaphore_mem>> -> memref<!tpu.dma_semaphore, #tpu.memory_space<semaphore_mem>>
    %dma_wait3A_191 = arith.constant 0 : i32
    %dma_wait3A_192 = tpu.memref_slice %arg6[%dma_wait3A_191] : memref<6400000xf32, #tpu.memory_space<hbm>> -> memref<2048xf32, #tpu.memory_space<hbm>>
    %dma_wait3A_193 = arith.constant 0 : i32
    %dma_wait3A_194 = tpu.memref_slice %arg11[%dma_wait3A_193] : memref<4096xf32, #tpu.memory_space<vmem>> -> memref<2048xf32, #tpu.memory_space<vmem>>
    tpu.wait_dma2 semaphore(%dma_wait3A_190 : memref<!tpu.dma_semaphore, #tpu.memory_space<semaphore_mem>>) src(%dma_wait3A_194 : memref<2048xf32, #tpu.memory_space<vmem>>) dst(%dma_wait3A_192 : memref<2048xf32, #tpu.memory_space<hbm>>)
    %dma_wait3A_195 = arith.constant 1 : i32
    %dma_wait3A_196 = arith.constant 2048 : i32
    %dma_wait3A_197 = tpu.memref_slice %arg11[%dma_wait3A_196] : memref<4096xf32, #tpu.memory_space<vmem>> -> memref<2048xf32, #tpu.memory_space<vmem>>
    %dma_wait3A_198 = arith.constant 0 : i32
    %dma_wait3A_199 = tpu.memref_slice %arg6[%dma_wait3A_198] : memref<6400000xf32, #tpu.memory_space<hbm>> -> memref<2048xf32, #tpu.memory_space<hbm>>
    %dma_wait3A_200 = tpu.memref_slice %arg16[%dma_wait3A_195] : memref<2x!tpu.dma_semaphore, #tpu.memory_space<semaphore_mem>> -> memref<1x!tpu.dma_semaphore, #tpu.memory_space<semaphore_mem>>
    %dma_wait3A_201 = tpu.memref_squeeze %dma_wait3A_200 : memref<1x!tpu.dma_semaphore, #tpu.memory_space<semaphore_mem>> -> memref<!tpu.dma_semaphore, #tpu.memory_space<semaphore_mem>>
    %dma_wait3A_202 = arith.constant 0 : i32
    %dma_wait3A_203 = tpu.memref_slice %arg6[%dma_wait3A_202] : memref<6400000xf32, #tpu.memory_space<hbm>> -> memref<2048xf32, #tpu.memory_space<hbm>>
    %dma_wait3A_204 = arith.constant 2048 : i32
    %dma_wait3A_205 = tpu.memref_slice %arg11[%dma_wait3A_204] : memref<4096xf32, #tpu.memory_space<vmem>> -> memref<2048xf32, #tpu.memory_space<vmem>>
    tpu.wait_dma2 semaphore(%dma_wait3A_201 : memref<!tpu.dma_semaphore, #tpu.memory_space<semaphore_mem>>) src(%dma_wait3A_205 : memref<2048xf32, #tpu.memory_space<vmem>>) dst(%dma_wait3A_203 : memref<2048xf32, #tpu.memory_space<hbm>>)
    return
  }
}

</mosaic_0001>

<sc_bundles>
// kernel: kernel.3.cloned.1.call-start
scs
__scs_entry_jumppad:
0x0: {  	(pc) =	sbr.rel $0x88, $3  }
0x1: {  	(tag) =	ssettag $0x0;
	lr =	simm.s32 $0x1  }
0x2: {  	[smem:$0x3F9C] =	sst lr;
	_ =	strace $0xD0000000  }
0x3: {  	_ = 	snop  }
0x4: {  	_ = 	snop  }
0x5: {  	_ = 	snop  }
0x6: {  	_ = 	snop  }
0x7: {  	_ = 	snop  }
__scs_overlays_trampoline_lowered:
0x8: {  	[smem:$0x3FAB] =	sst s0  }
0x9: {  	[smem:$0x3FAC] =	sst s1  }
0xa: {  	[smem:$0x3FAD] =	sst s2  }
0xb: {  	[smem:$0x3FAE] =	sst s3  }
0xc: {  	[smem:$0x3FAF] =	sst s4  }
0xd: {  	[smem:$0x3FB0] =	sst s5  }
0xe: {  	[smem:$0x3FB1] =	sst s6  }
0xf: {  	[smem:$0x3FB2] =	sst s7  }
0x10: {  	[smem:$0x3FB3] =	sst s8  }
0x11: {  	[smem:$0x3FB4] =	sst s9;
	s0 =	simm.s32 @!p0 $0x0  }
0x12: {  	s1 =	sld [smem:$0x3F9A];
	s0 =	simm.s32 @p0 $0x1  }
0x13: {  	[smem:$0x3FB5] =	sst s0;
	s0 =	simm.s32 @!p1 $0x0  }
0x14: {  	s2 =	sld [smem:$0x3F99];
	s0 =	simm.s32 @p1 $0x1  }
0x15: {  	[smem:$0x3FB6] =	sst s0;
	s0 =	simm.s32 @!p2 $0x0  }
0x16: {  	s3 =	sld [smem:$0x3FDB];
	s0 =	simm.s32 @p2 $0x1  }
0x17: {  	s4 =	simm.s32 $0x1BF5;
	[smem:$0x3FB8] =	sst s0  }
0x18: {  	s0 =	sld [smem:$0x3F9B];
	_ =	swait.ge [sflag:s4], $0x0  }
0x19: {  	s7 =	sld [smem:$0x3F9C]  }
0x1a: {  	s8 =	sadd.s32 $0xFFFFE003, lr  }
0x1b: {  	s9 =	sadd.s32 $0xFFFFFEF7, lr;
	s5 =	simm.s32 $0xFFFFFFFF;
	p2 =	slt.u32 s8, $0xFFFFF086  }
0x1c: {  	p1 =	slt.u32 s9, $0xF7A;
	s5 =	simm.s32 @!p2 $0x0  }
0x1d: {  	s5 =	simm.s32 @p1 $0x1;
	p0 =	seq.s32 s7, s2  }
0x1e: {  	s7 =	smul.u32 @!p0 $0xF7A, s2;
	p2 =	seq.s32 @!p0 s5, $0x0  }
0x1f: {  	s9 =	smul.u32 $0xF7A, s1;
	s8 =	simm.s32 @!p0 $0x1BF5;
	p2 =	por !p2, p0  }
0x20: {  	[sflag:s8] =	ssyncset.s32 @!p0 $0xFFFFF086;
	s6 =	sadd.s32 @!p0 s3, s7;
	s7 =	simm.s32 @!p0 $0x108  }
0x21: {  	s3 =	sadd.s32 s3, s9;
	s6 =	sadd.s32 @!p0 $0x88, s6;
	s7 =	simm.s32 @p2 $0x1082  }
0x22: {  	[simem:s7], [sflag:s8] =	dma.local @!p0 [hbm:s6], $0xF7A  }
0x23: {  	s9 =	sor.u32 $0xD0000000, s2;
	s6 =	simm.s32 $0x108;
	_ =	swait.ge @!p0 [sflag:s8], $0x0  }
0x24: {  	s3 =	sadd.s32 $0x88, s3;
	s6 =	simm.s32 @!p1 $0x1082;
	[sflag:s4] =	ssyncset.s32 $0xFFFFF086  }
0x25: {  	[simem:s6], [sflag:s4] =	dma.local [hbm:s3], $0xF7A  }
0x26: {  	[smem:$0x3F9C] =	sst s1;
	(tag) =	ssettag s2;
	_ =	strace s9  }
0x27: {  	s1 =	sld [smem:$0x3FAC]  }
0x28: {  	s2 =	sld [smem:$0x3FAD]  }
0x29: {  	s4 =	sld [smem:$0x3FAF]  }
0x2a: {  	p0 =	seq.s32 s5, $0x0;
	s5 =	sld [smem:$0x3FB0]  }
0x2b: {  	s6 =	sld [smem:$0x3FB1]  }
0x2c: {  	s7 =	sld [smem:$0x3FB2]  }
0x2d: {  	s3 =	simm.s32 $0x108;
	s8 =	sld [smem:$0x3FB3]  }
0x2e: {  	s3 =	simm.s32 @!p0 $0x1082;
	s9 =	sld [smem:$0x3FB4]  }
0x2f: {  	lr =	sadd.s32 s0, s3;
	s0 =	sld [smem:$0x3FAB]  }
0x30: {  	s3 =	sld [smem:$0x3FAE]  }
0x31: {  	[smem:$0x3FB7] =	sst s10  }
0x32: {  	s10 =	sld [smem:$0x3FB5];
	_ =	sdelay $0x3  }
0x33: {  	p0 =	seq.s32 s10, $0x1;
	s10 =	sld [smem:$0x3FB7];
	_ =	sdelay $0x3  }
0x34: {  	[smem:$0x3FB7] =	sst s10  }
0x35: {  	s10 =	sld [smem:$0x3FB6];
	_ =	sdelay $0x3  }
0x36: {  	p1 =	seq.s32 s10, $0x1;
	s10 =	sld [smem:$0x3FB7];
	_ =	sdelay $0x3  }
0x37: {  	[smem:$0x3FB7] =	sst s10  }
0x38: {  	s10 =	sld [smem:$0x3FB8]  }
0x39: {  	_ = 	snop;
	(pc) =	sbr.ind lr, $3  }
0x3a: {  	_ = 	snop  }
0x3b: {  	_ = 	snop  }
0x3c: {  	p2 =	seq.s32 s10, $0x1;
	s10 =	sld [smem:$0x3FB7]  }
0x3d: {  	_ =	shalt  }
0x3e: {  	_ =	shalt  }
0x3f: {  	_ =	shalt  }
0x40: {  	_ =	shalt  }
0x41: {  	_ =	shalt  }
0x42: {  	_ =	shalt  }
0x43: {  	_ =	shalt  }
0x44: {  	_ =	shalt  }
0x45: {  	_ =	shalt  }
0x46: {  	_ =	shalt  }
0x47: {  	_ =	shalt  }
0x48: {  	_ =	shalt  }
0x49: {  	_ =	shalt  }
0x4a: {  	_ =	shalt  }
0x4b: {  	_ =	shalt  }
0x4c: {  	_ =	shalt  }
0x4d: {  	_ =	shalt  }
0x4e: {  	_ =	shalt  }
0x4f: {  	_ =	shalt  }
0x50: {  	_ =	shalt  }
0x51: {  	_ =	shalt  }
0x52: {  	_ =	shalt  }
0x53: {  	_ =	shalt  }
0x54: {  	_ =	shalt  }
0x55: {  	_ =	shalt  }
0x56: {  	_ =	shalt  }
0x57: {  	_ =	shalt  }
0x58: {  	_ =	shalt  }
0x59: {  	_ =	shalt  }
0x5a: {  	_ =	shalt  }
0x5b: {  	_ =	shalt  }
0x5c: {  	_ =	shalt  }
0x5d: {  	_ =	shalt  }
0x5e: {  	_ =	shalt  }
0x5f: {  	_ =	shalt  }
0x60: {  	_ =	shalt  }
0x61: {  	_ =	shalt  }
0x62: {  	_ =	shalt  }
0x63: {  	_ =	shalt  }
0x64: {  	_ =	shalt  }
0x65: {  	_ =	shalt  }
0x66: {  	_ =	shalt  }
0x67: {  	_ =	shalt  }
0x68: {  	_ =	shalt  }
0x69: {  	_ =	shalt  }
0x6a: {  	_ =	shalt  }
0x6b: {  	_ =	shalt  }
0x6c: {  	_ =	shalt  }
0x6d: {  	_ =	shalt  }
0x6e: {  	_ =	shalt  }
0x6f: {  	_ =	shalt  }
0x70: {  	_ =	shalt  }
0x71: {  	_ =	shalt  }
0x72: {  	_ =	shalt  }
0x73: {  	_ =	shalt  }
0x74: {  	_ =	shalt  }
0x75: {  	_ =	shalt  }
0x76: {  	_ =	shalt  }
0x77: {  	_ =	shalt  }
0x78: {  	_ =	shalt  }
0x79: {  	_ =	shalt  }
0x7a: {  	_ =	shalt  }
0x7b: {  	_ =	shalt  }
0x7c: {  	_ =	shalt  }
0x7d: {  	_ =	shalt  }
0x7e: {  	_ =	shalt  }
0x7f: {  	_ =	shalt  }
0x80: {  	_ =	shalt  }
0x81: {  	_ =	shalt  }
0x82: {  	_ =	shalt  }
0x83: {  	_ =	shalt  }
0x84: {  	_ =	shalt  }
0x85: {  	_ =	shalt  }
0x86: {  	_ =	shalt  }
0x87: {  	_ =	shalt  }
.Lfunc_end0:
.L_simem_size_0:
called_computation.1_lowered:
.L_overlay_start_0:
0x88: {  	s2 =	sld [smem:$0x3FD9]  }
0x89: {  	s3 =	sld [smem:$0x3FFE];
	_ =	sdelay $0x1  }
0x8a: {  	s1 =	srdreg.scid  }
0x8b: {  	s0 =	sand.u32 $0x1, s1  }
0x8c: {  	s17 =	sshll.u32 s0, $0xA;
	s2 =	sadd.s32 s3, s2  }
0x8d: {  	s2 =	sadd.s32 s2, s17  }
0x8e: {  	[smem:$0x3FC3] =	sst s2  }
0x8f: {  	_ = 	snop  }
0x90: {  	s2 =	sld [smem:$0x3FD0];
	(tm) =	ssettm $0x1  }
0x91: {  	s18 =	sld [smem:$0x3FFB];
	_ =	sdelay $0x3  }
0x92: {  	_ =	strace s18  }
0x93: {  	s3 =	sld [smem:$0x3FFC];
	_ =	sdelay $0x3  }
0x94: {  	_ =	strace s3  }
0x95: {  	s3 =	sld [smem:$0x3FFD];
	_ =	sdelay $0x3  }
0x96: {  	_ =	strace s3  }
0x97: {  	_ =	strace $0x8FFFFFFF  }
0x98: {  	s19 =	sld [smem:$0x3FDB];
	_ =	sdelay $0x1  }
0x99: {  	s4 =	simm.s32 $_scs_section_size  }
0x9a: {  	s5 =	simm.s32 $_size__tile_overlayer_lowered;
	s6 =	simm.s32 $_tile_overlayer_lowered  }
0x9b: {  	s22 =	simm.s32 $0x1BFF;
	s21 =	sshll.u32 s6, $0x1;
	s3 =	sadd.s32 s4, s19  }
0x9c: {  	s7 =	simm.s32 $0x0;
	s20 =	sshll.u32 s5, $0x1;
	s5 =	sadd.s32 s21, s3  }
0x9d: {  	[timem:s7], [sflag:s22] =	dma.local [hbm:s5], s20  }
0x9e: {  	_ =	swait.ge [sflag:s22], s20  }
0x9f: {  	s4 =	ssub.s32 $0x0, s20;
	[sflag:s22] =	ssyncset.done $0x0  }
0xa0: {  	[sflag:s22] =	ssyncadd.s32 s4;
	_ =	sdelay $0x1  }
0xa1: {  	s23 =	simm.s32 $0x1B8B  }
0xa2: {  	_ =	swait.ge [sflag:s23], $0x1  }
0xa3: {  	[sflag:s23] =	ssyncset.done $0x0  }
0xa4: {  	s25 =	simm.s32 $0x1B8E;
	s24 =	sld [smem:$0x3FFE];
	[sflag:s23] =	ssyncadd.s32 $0xFFFFFFFF  }
0xa5: {  	s26 =	simm.s32 $execute0_lowered;
	[smem:$0x3FD2] =	sst s25  }
0xa6: {  	s5 =	sshll.u32 s26, $0x1;
	_ =	strace $0x80000049;
	[dreg:$0x1] =	wrdreg $0xFFFFFFFF  }
0xa7: {  	s28 =	simm.s32 $_size_execute0_lowered;
	s3 =	sadd.s32 s3, s5;
	[dreg:$0x0] =	wrdreg $0x0  }
0xa8: {  	s5 =	sshll.u32 s28, $0x1;
	[dreg:$0x2] =	wrdreg s3  }
0xa9: {  	[dreg:$0x3] =	wrdreg s5  }
0xaa: {  	[dreg:$0x4] =	wrdreg $0xC0  }
0xab: {  	_ =	task [dreg:s7], $0x5FFFF  }
0xac: {  	[dreg:$0x1] =	wrdreg $0xFFFFFFFF  }
0xad: {  	[dreg:$0x0] =	wrdreg $0x60  }
0xae: {  	[dreg:$0x2] =	wrdreg s24  }
0xaf: {  	[dreg:$0x3] =	wrdreg s2  }
0xb0: {  	[dreg:$0x4] =	wrdreg $0x9  }
0xb1: {  	_ =	task.clear_ibuf [dreg:s7], $0x5FFFF;
	_ =	strace $0x90000049  }
0xb2: {  	s29 =	simm.s32 $0x9;
	_ =	strace $0x8000004B  }
0xb3: {  	_ =	swait.ge [sflag:s29], $0x1  }
0xb4: {  	[sflag:s29] =	ssyncadd.s32 $0xFFFFFFFF  }
0xb5: {  	_ =	strace $0x9000004B  }
0xb6: {  	_ =	sfence  }
0xb7: {  	s30 =	sld [smem:$0x0];
	_ =	sdelay $0x2  }
0xb8: {  	s31 =	sshll.u32 s1, $0xD;
	s1 =	sshrl.u32 s1, $0x2  }
0xb9: {  	s3 =	sand.u32 $0x4000, s31;
	s1 =	sadd.s32 s1, s30  }
0xba: {  	s0 =	sor.u32 s3, s0;
	s1 =	sshll.u32 s1, $0x11  }
0xbb: {  	s0 =	sor.u32 s1, s0  }
0xbc: {  	s0 =	sadd.s32 $0x8F2B, s0  }
0xbd: {  	[sflag:s0] =	ssyncadd.remote.s32 $0x1  }
0xbe: {  	_ =	sfence.sel $0xFFFF  }
0xbf: {  	[dreg:$0x0] =	wrdreg $0xFFFFFFFF;
	(pc) =	sbr.abs _section_cstart, $3  }
0xc0: {  	[dreg:$0x1] =	wrdreg $0xFFFFFFFF  }
0xc1: {  	_ =	task.clear_ibuf [dreg:s7], $0x2FFFF;
	_ =	strace $0x9FFFFFFF  }
0xc2: {  	(tm) =	ssettm $0x7FFFFFFF  }
0xc3: {  	_ =	shalt  }
tec
execute0_lowered:
.L_overlay_start_1:
0x0: {  	(tag) =	ssettag $0x1  }
0x1: {  	s0 =	rddreg [dreg:$0x0]  }
0x2: {  	s2 =	rddreg [dreg:$0x1];
	s3 =	simm.s32 $0x0  }
0x3: {  	s1 =	srdreg.scid;
	s4 =	stileid.u32;
	s14 =	simm.s32 $0xB000  }
0x4: {  	s15 =	simm.s32 $0x9;
	s16 =	simm.s32 $0xB280;
	s17 =	simm.s32 $0x1000  }
0x5: {  	s20 =	simm.s32 $0x1;
	s21 =	simm.s32 $0x200;
	s22 =	simm.s32 $0x2000  }
0x6: {  	s23 =	simm.s32 $0x6000;
	s28 =	simm.s32 $0x6;
	s29 =	simm.s32 $0xA000  }
0x7: {  	s30 =	simm.s32 $0xA800;
	s31 =	simm.s32 $0x7;
	[smem:$0x7FF] =	sst s3  }
0x8: {  	s5 =	sshll.u32 s4, $0x1;
	s4 =	sadd.s32 $0x30E800, s0;
	s6 =	sadd.s32 $0x1000, s0  }
0x9: {  	s1 =	sand.u32 $0x1, s1;
	s8 =	sadd.s32 $0x187A00, s0;
	s0 =	sadd.s32 $0x187C00, s0  }
0xa: {  	_ =	strace $0x8000004A;
	s5 =	sor.u32 s1, s5;
	[dreg:$0x3] =	wrdreg s8  }
0xb: {  	s1 =	ssub.s32 $0x2, s1;
	[dreg:$0x4] =	wrdreg s0;
	s0 =	simm.s32 $0x8  }
.Ltmp0:
0xc: {  	s7 =	sshll.u32 s5, $0x8;
	s9 =	sshrl.u32 s1, $0x1;
	(pc) =	sbr.rel .LBB2_1-.Ltmp0, $4  }
0xd: {  	s8 =	sadd.s32 s6, s7;
	s24 =	ssub.s32 s1, s9;
	s1 =	simm.s32 $0x0  }
0xe: {  	s25 =	sadd.s32 $0xC3500, s8;
	s26 =	sadd.s32 $0x2000, s8;
	s12 =	sadd.s32 $0xC5500, s8  }
0xf: {  	v0 =	vlaneseq.u32;
	s13 =	smax.u32 s24, $0x1;
	s24 =	simm.s32 $0x3;
	[dreg:$0x5] =	wrdreg s25  }
0x10: {  	v0 =	vmul.u32 $0x8, v0;
	[dreg:$0x6] =	wrdreg s26;
	s25 =	simm.s32 $0x4;
	s26 =	simm.s32 $0x5  }
.LBB2_23:
0x11: {  	s1 =	sadd.s32 $0x1, s1  }
0x12: {  	_ =	swait.ge [sflag:s31], $0x800;
	p0 =	sne.s32 s1, s13  }
.Ltmp1:
0x13: {  	[sflag:s31] =	ssyncset.done $0x0;
	(pc) =	sbr.rel @!p0 .LBB2_24-.Ltmp1, $4  }
0x14: {  	[sflag:s31] =	ssyncadd.s32 $0xFFFFF800  }
0x15: {  	_ =	swait.ge [sflag:s0], $0x800  }
0x16: {  	[sflag:s0] =	ssyncset.done $0x0  }
0x17: {  	[sflag:s0] =	ssyncadd.s32 $0xFFFFF800  }
.LBB2_1:
0x18: {  	s7 =	rddreg [dreg:$0x3]  }
0x19: {  	[tilespmem:s14], [sflag:$0x9] =	stream.linear.gather [hbm4b:s7+s3], $0x280, $0x38;
	[tilespmem:$0xB500] =	vst v63  }
0x1a: {  	_ =	swait.ge [sflag:s15], $0x280  }
0x1b: {  	[sflag:s15] =	ssyncset.done $0x0  }
0x1c: {  	s11 =	rddreg [dreg:$0x4];
	[sflag:s15] =	ssyncadd.s32 $0xFFFFFD80  }
0x1d: {  	[tilespmem:s16], [sflag:$0x9] =	stream.linear.gather [hbm4b:s11+s3], $0x280, $0x38;
	[tilespmem:$0xB500] =	vst v63  }
0x1e: {  	_ =	swait.ge [sflag:s15], $0x280  }
0x1f: {  	[sflag:s15] =	ssyncset.done $0x0  }
0x20: {  	[sflag:s15] =	ssyncadd.s32 $0xFFFFFD80  }
0x21: {  	[tilespmem:s3], [sflag:$0x1] =	stream.linear.gather [hbm4b:s8+s3], $0x800, $0x38;
	[tilespmem:$0xB500] =	vst v63  }
0x22: {  	s18 =	rddreg [dreg:$0x5]  }
0x23: {  	[tilespmem:s17], [sflag:$0x1] =	stream.linear.gather [hbm4b:s18+s3], $0x800, $0x38;
	[tilespmem:$0xB500] =	vst v63  }
0x24: {  	s9 =	simm.s32 $0x800;
	s19 =	rddreg [dreg:$0x6]  }
0x25: {  	[tilespmem:s9], [sflag:$0x2] =	stream.linear.gather [hbm4b:s19+s3], $0x800, $0x38;
	[tilespmem:$0xB500] =	vst v63  }
0x26: {  	s10 =	simm.s32 $0x1800  }
0x27: {  	[tilespmem:s10], [sflag:$0x2] =	stream.linear.gather [hbm4b:s12+s3], $0x800, $0x38;
	[tilespmem:$0xB500] =	vst v63  }
0x28: {  	_ =	swait.ge [sflag:s20], $0x800  }
0x29: {  	[sflag:s20] =	ssyncset.done $0x0  }
0x2a: {  	[sflag:s20] =	ssyncadd.s32 $0xFFFFF800  }
0x2b: {  	_ =	swait.ge [sflag:s20], $0x800  }
0x2c: {  	[sflag:s20] =	ssyncset.done $0x0  }
0x2d: {  	[sflag:s20] =	ssyncadd.s32 $0xFFFFF800  }
0x2e: {  	[tilespmem:s22], [sflag:$0x3] =	stream.indirect.gather [hbm4b:s4+s21], $0x8, s3, s21, $0xb8;
	[tilespmem:$0xB500] =	vst v63  }
0x2f: {  	_ = 	snop  }
0x30: {  	[tilespmem:s23], [sflag:$0x3] =	stream.indirect.gather [hbm4b:s4+s21], $0x8, s17, s21, $0xb8;
	[tilespmem:$0xB500] =	vst v63  }
0x31: {  	s11 =	simm.s32 $0x3000  }
0x32: {  	[tilespmem:s11], [sflag:$0x4] =	stream.indirect.gather [hbm4b:s4+s21], $0x8, s21, s21, $0xb8;
	[tilespmem:$0xB500] =	vst v63  }
0x33: {  	s18 =	simm.s32 $0x1200;
	s19 =	simm.s32 $0x7000  }
0x34: {  	[tilespmem:s19], [sflag:$0x4] =	stream.indirect.gather [hbm4b:s4+s21], $0x8, s18, s21, $0xb8;
	[tilespmem:$0xB500] =	vst v63  }
0x35: {  	s10 =	simm.s32 $0x400;
	s11 =	simm.s32 $0x4000  }
0x36: {  	[tilespmem:s11], [sflag:$0x5] =	stream.indirect.gather [hbm4b:s4+s21], $0x8, s10, s21, $0xb8;
	[tilespmem:$0xB500] =	vst v63  }
0x37: {  	s18 =	simm.s32 $0x1400;
	s19 =	simm.s32 $0x8000  }
0x38: {  	[tilespmem:s19], [sflag:$0x5] =	stream.indirect.gather [hbm4b:s4+s21], $0x8, s18, s21, $0xb8;
	[tilespmem:$0xB500] =	vst v63  }
.Ltmp2:
0x39: {  	s10 =	simm.s32 $0x600;
	s11 =	simm.s32 $0x5000;
	(pc) =	sbr.rel .LBB2_2-.Ltmp2, $4  }
0x3a: {  	[tilespmem:s11], [sflag:$0x6] =	stream.indirect.gather [hbm4b:s4+s21], $0x8, s10, s21, $0xb8;
	[tilespmem:$0xB500] =	vst v63  }
0x3b: {  	s18 =	simm.s32 $0x1600;
	s19 =	simm.s32 $0x9000  }
0x3c: {  	[tilespmem:s19], [sflag:$0x6] =	stream.indirect.gather [hbm4b:s4+s21], $0x8, s18, s21, $0xb8;
	[tilespmem:$0xB500] =	vst v63  }
0x3d: {  	s18 =	simm.s32 $0x0  }
.LBB2_22:
0x3e: {  	s18 =	sadd.s32 $0x1, s18  }
0x3f: {  	p0 =	sne.s32 s18, $0x31  }
.Ltmp3:
0x40: {  	_ = 	snop;
	(pc) =	sbr.rel @!p0 .LBB2_23-.Ltmp3, $1  }
0x41: {  	_ =	sdelay $0x3  }
.LBB2_2:
0x42: {  	p0 =	seq.s32 s18, $0x0  }
0x43: {  	s7 =	simm.s32 @!p0 $0x7  }
0x44: {  	s9 =	simm.s32 $0x0;
	_ =	swait.ge @!p0 [sflag:s7], $0x800  }
0x45: {  	v1 =	vmov s9;
	[sflag:s7] =	ssyncset.done @!p0 $0x0  }
0x46: {  	v1 =	vshll.u32 v1, $0x3;
	[sflag:s7] =	ssyncadd.s32 @!p0 $0xFFFFF800  }
0x47: {  	v1 =	vor.u32 v0, v1;
	_ =	swait.ge [sflag:s24], $0x1000  }
0x48: {  	v2 =	vor.u32 $0x1, v1;
	[sflag:s24] =	ssyncset.done $0x0  }
0x49: {  	[sflag:s24] =	ssyncadd.s32 $0xFFFFF000  }
0x4a: {  	_ =	swait.ge [sflag:s24], $0x1000  }
0x4b: {  	[sflag:s24] =	ssyncset.done $0x0  }
0x4c: {  	v3 =	vor.u32 $0x2, v1;
	[sflag:s24] =	ssyncadd.s32 $0xFFFFF000  }
0x4d: {  	v4 =	vld.idx.msk [tilespmem:v2+s23+$0x0], $0xffff  }
0x4e: {  	v2 =	vld.idx.msk [tilespmem:v2+s22+$0x0], $0xffff  }
0x4f: {  	v5 =	vld.idx.msk [tilespmem:v1+s23+$0x0], $0xffff  }
0x50: {  	v6 =	vld.idx.msk [tilespmem:v1+s22+$0x0], $0xffff  }
0x51: {  	v7 =	vld.idx.msk [tilespmem:v3+s23+$0x0], $0xffff  }
0x52: {  	v3 =	vld.idx.msk [tilespmem:v3+s22+$0x0], $0xffff;
	_ =	sdelay $0x2  }
0x53: {  	v5 =	vsub.f32 v5, v6;
	v2 =	vsub.f32 v4, v2;
	_ =	sdelay $0x1  }
0x54: {  	v3 =	vsub.f32 v7, v3;
	v4 =	vmul.f32 v5, v5;
	v2 =	vmul.f32 v2, v2;
	_ =	sdelay $0x1  }
0x55: {  	v3 =	vmul.f32 v3, v3;
	v2 =	vadd.f32 v2, v4;
	_ =	sdelay $0x1  }
0x56: {  	v2 =	vadd.f32 v3, v2;
	_ =	sdelay $0x1  }
0x57: {  	v2 =	vadd.f32 $9.999999960e-13, v2;
	_ =	sdelay $0x1  }
0x58: {  	v3 =	vshrl.u32 v2, $0x1;
	v4 =	vmul.f32 $5.000000000e-01, v2  }
0x59: {  	v3 =	vsub.s32 $0x5F3759DF, v3  }
0x5a: {  	v5 =	vmul.f32 v3, v4  }
0x5b: {  	v1 =	vor.u32 $0x3, v1  }
0x5c: {  	v5 =	vmul.f32 v3, v5;
	_ =	sdelay $0x1  }
0x5d: {  	v5 =	vsub.f32 $1.500000000e+00, v5;
	_ =	sdelay $0x1  }
0x5e: {  	v6 =	vld.idx.msk [tilespmem:v1+s22+$0x0], $0xffff;
	v3 =	vmul.f32 v3, v5;
	_ =	sdelay $0x1  }
0x5f: {  	v1 =	vld.idx.msk [tilespmem:v1+s23+$0x0], $0xffff;
	v5 =	vmul.f32 v3, v4;
	_ =	sdelay $0x1  }
0x60: {  	v5 =	vmul.f32 v5, v3  }
0x61: {  	v6 =	vtrunc.f32 v6  }
0x62: {  	v6 =	vcvt.f32.s32 v6;
	v5 =	vsub.f32 $1.500000000e+00, v5  }
0x63: {  	v1 =	vtrunc.f32 v1  }
0x64: {  	v1 =	vcvt.f32.s32 v1;
	v6 =	vmul.u32 $0x19, v6;
	v3 =	vmul.f32 v5, v3;
	_ =	sdelay $0x1  }
0x65: {  	v1 =	vadd.s32 v1, v6;
	v4 =	vmul.f32 v3, v4;
	_ =	sdelay $0x1  }
0x66: {  	v4 =	vmul.f32 v4, v3;
	_ =	sdelay $0x1  }
0x67: {  	v4 =	vsub.f32 $1.500000000e+00, v4  }
0x68: {  	v5 =	vld.idx.msk [tilespmem:v1+s14+$0x0], $0xffff  }
0x69: {  	v3 =	vmul.f32 v4, v3  }
0x6a: {  	v1 =	vld.idx.msk [tilespmem:v1+s16+$0x0], $0xffff  }
0x6b: {  	s10 =	simm.s32 $0x10;
	v2 =	vmul.f32 v3, v2  }
0x6c: {  	v3 =	vmov s10  }
0x6d: {  	v3 =	vshll.u32 v3, $0x3;
	v2 =	vsub.f32 v2, v5  }
0x6e: {  	v3 =	vor.u32 v0, v3  }
0x6f: {  	v4 =	vor.u32 $0x1, v3;
	v1 =	vmul.f32 v2, v1;
	_ =	sdelay $0x1  }
0x70: {  	v1 =	vmul.f32 v1, v2  }
0x71: {  	s9 =	simm.s32 $0xA000  }
0x72: {  	v2 =	vor.u32 $0x2, v3;
	[tilespmem:s9+$0x0] =	vst v1  }
0x73: {  	v1 =	vld.idx.msk [tilespmem:v4+s23+$0x0], $0xffff  }
0x74: {  	v4 =	vld.idx.msk [tilespmem:v4+s22+$0x0], $0xffff  }
0x75: {  	v5 =	vld.idx.msk [tilespmem:v3+s23+$0x0], $0xffff  }
0x76: {  	v6 =	vld.idx.msk [tilespmem:v3+s22+$0x0], $0xffff  }
0x77: {  	v7 =	vld.idx.msk [tilespmem:v2+s23+$0x0], $0xffff  }
0x78: {  	v2 =	vld.idx.msk [tilespmem:v2+s22+$0x0], $0xffff;
	_ =	sdelay $0x2  }
0x79: {  	v5 =	vsub.f32 v5, v6;
	v1 =	vsub.f32 v1, v4;
	_ =	sdelay $0x1  }
0x7a: {  	v2 =	vsub.f32 v7, v2;
	v4 =	vmul.f32 v5, v5;
	v1 =	vmul.f32 v1, v1;
	_ =	sdelay $0x1  }
0x7b: {  	v1 =	vadd.f32 v1, v4;
	v2 =	vmul.f32 v2, v2;
	_ =	sdelay $0x1  }
0x7c: {  	v1 =	vadd.f32 v2, v1;
	_ =	sdelay $0x1  }
0x7d: {  	v1 =	vadd.f32 $9.999999960e-13, v1;
	_ =	sdelay $0x1  }
0x7e: {  	v2 =	vshrl.u32 v1, $0x1;
	v4 =	vmul.f32 $5.000000000e-01, v1  }
0x7f: {  	v2 =	vsub.s32 $0x5F3759DF, v2  }
0x80: {  	v5 =	vmul.f32 v2, v4  }
0x81: {  	v3 =	vor.u32 $0x3, v3  }
0x82: {  	v5 =	vmul.f32 v2, v5;
	_ =	sdelay $0x1  }
0x83: {  	v5 =	vsub.f32 $1.500000000e+00, v5;
	_ =	sdelay $0x1  }
0x84: {  	v6 =	vld.idx.msk [tilespmem:v3+s22+$0x0], $0xffff;
	v2 =	vmul.f32 v2, v5;
	_ =	sdelay $0x1  }
0x85: {  	v3 =	vld.idx.msk [tilespmem:v3+s23+$0x0], $0xffff;
	v5 =	vmul.f32 v2, v4;
	_ =	sdelay $0x1  }
0x86: {  	v5 =	vmul.f32 v5, v2  }
0x87: {  	v6 =	vtrunc.f32 v6  }
0x88: {  	v6 =	vcvt.f32.s32 v6;
	v5 =	vsub.f32 $1.500000000e+00, v5  }
0x89: {  	v3 =	vtrunc.f32 v3  }
0x8a: {  	v3 =	vcvt.f32.s32 v3;
	v6 =	vmul.u32 $0x19, v6;
	v2 =	vmul.f32 v5, v2;
	_ =	sdelay $0x1  }
0x8b: {  	v3 =	vadd.s32 v3, v6;
	v4 =	vmul.f32 v2, v4;
	_ =	sdelay $0x1  }
0x8c: {  	v4 =	vmul.f32 v4, v2;
	_ =	sdelay $0x1  }
0x8d: {  	v4 =	vsub.f32 $1.500000000e+00, v4  }
0x8e: {  	v5 =	vld.idx.msk [tilespmem:v3+s14+$0x0], $0xffff  }
0x8f: {  	v2 =	vmul.f32 v4, v2  }
0x90: {  	v4 =	vld.idx.msk [tilespmem:v3+s16+$0x0], $0xffff  }
0x91: {  	s11 =	simm.s32 $0x20;
	v1 =	vmul.f32 v2, v1  }
0x92: {  	v2 =	vmov s11  }
0x93: {  	s19 =	sshll.u32 s18, $0x6;
	v2 =	vshll.u32 v2, $0x3;
	v3 =	vsub.f32 v1, v5  }
0x94: {  	s19 =	sor.u32 s5, s19;
	v1 =	vor.u32 v0, v2  }
0x95: {  	s7 =	sor.u32 $0x20, s19;
	s10 =	simm.s32 $0x30;
	v2 =	vor.u32 $0x1, v1;
	v4 =	vmul.f32 v3, v4  }
.LBB2_3:
0x96: {  	p0 =	sne.s32 s10, $0x1F0  }
0x97: {  	v3 =	vmul.f32 v4, v3  }
0x98: {  	s9 =	sadd.s32 $0x10, s9  }
0x99: {  	v4 =	vor.u32 $0x2, v1;
	[tilespmem:s9+$0x0] =	vst v3  }
0x9a: {  	v3 =	vld.idx.msk [tilespmem:v2+s23+$0x0], $0xffff  }
0x9b: {  	v2 =	vld.idx.msk [tilespmem:v2+s22+$0x0], $0xffff  }
0x9c: {  	v5 =	vld.idx.msk [tilespmem:v1+s23+$0x0], $0xffff  }
0x9d: {  	v6 =	vld.idx.msk [tilespmem:v1+s22+$0x0], $0xffff  }
0x9e: {  	v7 =	vld.idx.msk [tilespmem:v4+s23+$0x0], $0xffff  }
0x9f: {  	v4 =	vld.idx.msk [tilespmem:v4+s22+$0x0], $0xffff;
	_ =	sdelay $0x3  }
0xa0: {  	v2 =	vsub.f32 v3, v2;
	v5 =	vsub.f32 v5, v6;
	_ =	sdelay $0x1  }
0xa1: {  	v2 =	vmul.f32 v2, v2;
	v3 =	vsub.f32 v7, v4;
	v4 =	vmul.f32 v5, v5;
	_ =	sdelay $0x1  }
0xa2: {  	v2 =	vadd.f32 v2, v4;
	v3 =	vmul.f32 v3, v3;
	_ =	sdelay $0x1  }
0xa3: {  	v2 =	vadd.f32 v3, v2;
	_ =	sdelay $0x1  }
0xa4: {  	v2 =	vadd.f32 $9.999999960e-13, v2;
	_ =	sdelay $0x1  }
0xa5: {  	v3 =	vshrl.u32 v2, $0x1;
	v4 =	vmul.f32 $5.000000000e-01, v2  }
0xa6: {  	v1 =	vor.u32 $0x3, v1;
	v3 =	vsub.s32 $0x5F3759DF, v3  }
0xa7: {  	v5 =	vmul.f32 v3, v4;
	_ =	sdelay $0x1  }
0xa8: {  	v5 =	vmul.f32 v3, v5;
	_ =	sdelay $0x1  }
0xa9: {  	v5 =	vsub.f32 $1.500000000e+00, v5;
	v6 =	vld.idx.msk [tilespmem:v1+s22+$0x0], $0xffff;
	_ =	sdelay $0x1  }
0xaa: {  	v3 =	vmul.f32 v3, v5;
	v1 =	vld.idx.msk [tilespmem:v1+s23+$0x0], $0xffff;
	_ =	sdelay $0x1  }
0xab: {  	v5 =	vmul.f32 v3, v4;
	_ =	sdelay $0x1  }
0xac: {  	v5 =	vmul.f32 v5, v3;
	v6 =	vtrunc.f32 v6  }
0xad: {  	v6 =	vcvt.f32.s32 v6  }
0xae: {  	v5 =	vsub.f32 $1.500000000e+00, v5;
	v1 =	vtrunc.f32 v1  }
0xaf: {  	v1 =	vcvt.f32.s32 v1;
	v6 =	vmul.u32 $0x19, v6  }
0xb0: {  	v3 =	vmul.f32 v5, v3  }
0xb1: {  	v1 =	vadd.s32 v1, v6  }
0xb2: {  	v4 =	vmul.f32 v3, v4;
	_ =	sdelay $0x1  }
0xb3: {  	v4 =	vmul.f32 v4, v3;
	_ =	sdelay $0x1  }
0xb4: {  	v4 =	vsub.f32 $1.500000000e+00, v4;
	v5 =	vld.idx.msk [tilespmem:v1+s14+$0x0], $0xffff;
	_ =	sdelay $0x1  }
0xb5: {  	v3 =	vmul.f32 v4, v3;
	v4 =	vld.idx.msk [tilespmem:v1+s16+$0x0], $0xffff;
	_ =	sdelay $0x1  }
.Ltmp4:
0xb6: {  	v1 =	vmul.f32 v3, v2;
	(pc) =	sbr.rel @p0 .LBB2_3-.Ltmp4, $4  }
0xb7: {  	v2 =	vmov s10  }
0xb8: {  	v2 =	vshll.u32 v2, $0x3;
	v3 =	vsub.f32 v1, v5  }
0xb9: {  	v1 =	vor.u32 v0, v2  }
0xba: {  	s10 =	sadd.s32 $0x10, s10;
	v2 =	vor.u32 $0x1, v1;
	v4 =	vmul.f32 v3, v4  }
0xbb: {  	_ = 	snop  }
0xbc: {  	v3 =	vmul.f32 v4, v3  }
0xbd: {  	s9 =	sadd.s32 $0x10, s9  }
0xbe: {  	v4 =	vor.u32 $0x2, v1;
	[tilespmem:s9+$0x0] =	vst v3  }
0xbf: {  	v3 =	vld.idx.msk [tilespmem:v2+s23+$0x0], $0xffff  }
0xc0: {  	v2 =	vld.idx.msk [tilespmem:v2+s22+$0x0], $0xffff  }
0xc1: {  	v5 =	vld.idx.msk [tilespmem:v1+s23+$0x0], $0xffff  }
0xc2: {  	v6 =	vld.idx.msk [tilespmem:v1+s22+$0x0], $0xffff  }
0xc3: {  	v7 =	vld.idx.msk [tilespmem:v4+s23+$0x0], $0xffff  }
0xc4: {  	v4 =	vld.idx.msk [tilespmem:v4+s22+$0x0], $0xffff;
	_ =	sdelay $0x2  }
0xc5: {  	v5 =	vsub.f32 v5, v6;
	v2 =	vsub.f32 v3, v2;
	_ =	sdelay $0x1  }
0xc6: {  	v3 =	vsub.f32 v7, v4;
	v4 =	vmul.f32 v5, v5;
	v2 =	vmul.f32 v2, v2;
	_ =	sdelay $0x1  }
0xc7: {  	v2 =	vadd.f32 v2, v4;
	v3 =	vmul.f32 v3, v3;
	_ =	sdelay $0x1  }
0xc8: {  	v2 =	vadd.f32 v3, v2;
	_ =	sdelay $0x1  }
0xc9: {  	v2 =	vadd.f32 $9.999999960e-13, v2;
	_ =	sdelay $0x1  }
0xca: {  	v3 =	vshrl.u32 v2, $0x1;
	v4 =	vmul.f32 $5.000000000e-01, v2  }
0xcb: {  	v3 =	vsub.s32 $0x5F3759DF, v3  }
0xcc: {  	v5 =	vmul.f32 v3, v4  }
0xcd: {  	v1 =	vor.u32 $0x3, v1  }
0xce: {  	v5 =	vmul.f32 v3, v5;
	_ =	sdelay $0x1  }
0xcf: {  	v5 =	vsub.f32 $1.500000000e+00, v5;
	_ =	sdelay $0x1  }
0xd0: {  	v6 =	vld.idx.msk [tilespmem:v1+s22+$0x0], $0xffff;
	v3 =	vmul.f32 v3, v5;
	_ =	sdelay $0x1  }
0xd1: {  	v1 =	vld.idx.msk [tilespmem:v1+s23+$0x0], $0xffff;
	v5 =	vmul.f32 v3, v4;
	_ =	sdelay $0x1  }
0xd2: {  	v5 =	vmul.f32 v5, v3  }
0xd3: {  	v6 =	vtrunc.f32 v6  }
0xd4: {  	v6 =	vcvt.f32.s32 v6;
	v5 =	vsub.f32 $1.500000000e+00, v5  }
0xd5: {  	v1 =	vtrunc.f32 v1  }
0xd6: {  	v1 =	vcvt.f32.s32 v1;
	v6 =	vmul.u32 $0x19, v6;
	v3 =	vmul.f32 v5, v3;
	_ =	sdelay $0x1  }
0xd7: {  	v1 =	vadd.s32 v1, v6;
	v4 =	vmul.f32 v3, v4;
	_ =	sdelay $0x1  }
0xd8: {  	v4 =	vmul.f32 v4, v3;
	_ =	sdelay $0x1  }
0xd9: {  	v4 =	vsub.f32 $1.500000000e+00, v4  }
0xda: {  	v5 =	vld.idx.msk [tilespmem:v1+s14+$0x0], $0xffff  }
0xdb: {  	v3 =	vmul.f32 v4, v3  }
0xdc: {  	v1 =	vld.idx.msk [tilespmem:v1+s16+$0x0], $0xffff  }
0xdd: {  	v2 =	vmul.f32 v3, v2;
	_ =	sdelay $0x1  }
0xde: {  	v2 =	vsub.f32 v2, v5;
	_ =	sdelay $0x1  }
0xdf: {  	v1 =	vmul.f32 v2, v1;
	_ =	sdelay $0x1  }
0xe0: {  	v1 =	vmul.f32 v1, v2  }
0xe1: {  	p1 =	sgt.u32 s7, $0xC34;
	s9 =	sadd.s32 $0x10, s9  }
0xe2: {  	[tilespmem:s9+$0x0] =	vst v1;
	s9 =	simm.s32 @!p1 $0x2  }
0xe3: {  	_ =	swait.ge @!p1 [sflag:s9], $0x800  }
0xe4: {  	[sflag:s9] =	ssyncset.done @!p1 $0x0  }
0xe5: {  	[sflag:s9] =	ssyncadd.s32 @!p1 $0xFFFFF800  }
0xe6: {  	_ =	swait.ge @!p1 [sflag:s9], $0x800  }
0xe7: {  	s10 =	simm.s32 @!p1 $0x800;
	[sflag:s9] =	ssyncset.done @!p1 $0x0  }
0xe8: {  	s11 =	simm.s32 @!p1 $0x2000;
	[sflag:s9] =	ssyncadd.s32 @!p1 $0xFFFFF800;
	s9 =	simm.s32 @!p1 $0x200  }
0xe9: {  	[tilespmem:s11], [sflag:$0x3] =	stream.indirect.gather @!p1 [hbm4b:s4+s9], $0x8, s10, s9, $0xb8;
	[tilespmem:$0xB500] =	vst v63  }
0xea: {  	s10 =	simm.s32 $0x200  }
0xeb: {  	s11 =	simm.s32 @!p1 $0x1800;
	v1 =	vmov s10;
	s10 =	simm.s32 @!p1 $0x6000  }
0xec: {  	[tilespmem:s10], [sflag:$0x3] =	stream.indirect.gather @!p1 [hbm4b:s4+s9], $0x8, s11, s9, $0xb8;
	v1 =	vshll.u32 v1, $0x3;
	[tilespmem:$0xB500] =	vst v63  }
0xed: {  	_ =	swait.ge [sflag:s25], $0x1000;
	v1 =	vor.u32 v0, v1  }
0xee: {  	[sflag:s25] =	ssyncset.done $0x0;
	v2 =	vor.u32 $0x1, v1  }
0xef: {  	[sflag:s25] =	ssyncadd.s32 $0xFFFFF000  }
0xf0: {  	_ =	swait.ge [sflag:s25], $0x1000  }
0xf1: {  	[sflag:s25] =	ssyncset.done $0x0  }
0xf2: {  	v3 =	vor.u32 $0x2, v1;
	[sflag:s25] =	ssyncadd.s32 $0xFFFFF000  }
0xf3: {  	v4 =	vld.idx.msk [tilespmem:v2+s23+$0x0], $0xffff  }
0xf4: {  	v2 =	vld.idx.msk [tilespmem:v2+s22+$0x0], $0xffff  }
0xf5: {  	v5 =	vld.idx.msk [tilespmem:v1+s23+$0x0], $0xffff  }
0xf6: {  	v6 =	vld.idx.msk [tilespmem:v1+s22+$0x0], $0xffff  }
0xf7: {  	v7 =	vld.idx.msk [tilespmem:v3+s23+$0x0], $0xffff  }
0xf8: {  	v3 =	vld.idx.msk [tilespmem:v3+s22+$0x0], $0xffff;
	_ =	sdelay $0x2  }
0xf9: {  	v5 =	vsub.f32 v5, v6;
	v2 =	vsub.f32 v4, v2;
	_ =	sdelay $0x1  }
0xfa: {  	v3 =	vsub.f32 v7, v3;
	v4 =	vmul.f32 v5, v5;
	v2 =	vmul.f32 v2, v2;
	_ =	sdelay $0x1  }
0xfb: {  	v3 =	vmul.f32 v3, v3;
	v2 =	vadd.f32 v2, v4;
	_ =	sdelay $0x1  }
0xfc: {  	v2 =	vadd.f32 v3, v2;
	_ =	sdelay $0x1  }
0xfd: {  	v2 =	vadd.f32 $9.999999960e-13, v2;
	_ =	sdelay $0x1  }
0xfe: {  	v3 =	vshrl.u32 v2, $0x1;
	v4 =	vmul.f32 $5.000000000e-01, v2  }
0xff: {  	v3 =	vsub.s32 $0x5F3759DF, v3  }
0x100: {  	v5 =	vmul.f32 v3, v4  }
0x101: {  	v1 =	vor.u32 $0x3, v1  }
0x102: {  	v5 =	vmul.f32 v3, v5;
	_ =	sdelay $0x1  }
0x103: {  	v5 =	vsub.f32 $1.500000000e+00, v5;
	_ =	sdelay $0x1  }
0x104: {  	v6 =	vld.idx.msk [tilespmem:v1+s22+$0x0], $0xffff;
	v3 =	vmul.f32 v3, v5;
	_ =	sdelay $0x1  }
0x105: {  	v1 =	vld.idx.msk [tilespmem:v1+s23+$0x0], $0xffff;
	v5 =	vmul.f32 v3, v4;
	_ =	sdelay $0x1  }
0x106: {  	v5 =	vmul.f32 v5, v3  }
0x107: {  	v6 =	vtrunc.f32 v6  }
0x108: {  	v6 =	vcvt.f32.s32 v6;
	v5 =	vsub.f32 $1.500000000e+00, v5  }
0x109: {  	v1 =	vtrunc.f32 v1  }
0x10a: {  	v1 =	vcvt.f32.s32 v1;
	v6 =	vmul.u32 $0x19, v6;
	v3 =	vmul.f32 v5, v3;
	_ =	sdelay $0x1  }
0x10b: {  	v1 =	vadd.s32 v1, v6;
	v4 =	vmul.f32 v3, v4;
	_ =	sdelay $0x1  }
0x10c: {  	v4 =	vmul.f32 v4, v3;
	_ =	sdelay $0x1  }
0x10d: {  	v4 =	vsub.f32 $1.500000000e+00, v4  }
0x10e: {  	v5 =	vld.idx.msk [tilespmem:v1+s14+$0x0], $0xffff  }
0x10f: {  	v3 =	vmul.f32 v4, v3  }
0x110: {  	v1 =	vld.idx.msk [tilespmem:v1+s16+$0x0], $0xffff  }
0x111: {  	s10 =	simm.s32 $0x210;
	v2 =	vmul.f32 v3, v2  }
0x112: {  	v3 =	vmov s10  }
0x113: {  	v3 =	vshll.u32 v3, $0x3;
	v2 =	vsub.f32 v2, v5  }
0x114: {  	v3 =	vor.u32 v0, v3  }
0x115: {  	v4 =	vor.u32 $0x1, v3;
	v1 =	vmul.f32 v2, v1;
	_ =	sdelay $0x1  }
0x116: {  	v1 =	vmul.f32 v1, v2  }
0x117: {  	s9 =	simm.s32 $0xA200  }
0x118: {  	v2 =	vor.u32 $0x2, v3;
	[tilespmem:s9+$0x0] =	vst v1  }
0x119: {  	v1 =	vld.idx.msk [tilespmem:v4+s23+$0x0], $0xffff  }
0x11a: {  	v4 =	vld.idx.msk [tilespmem:v4+s22+$0x0], $0xffff  }
0x11b: {  	v5 =	vld.idx.msk [tilespmem:v3+s23+$0x0], $0xffff  }
0x11c: {  	v6 =	vld.idx.msk [tilespmem:v3+s22+$0x0], $0xffff  }
0x11d: {  	v7 =	vld.idx.msk [tilespmem:v2+s23+$0x0], $0xffff  }
0x11e: {  	v2 =	vld.idx.msk [tilespmem:v2+s22+$0x0], $0xffff;
	_ =	sdelay $0x2  }
0x11f: {  	v5 =	vsub.f32 v5, v6;
	v1 =	vsub.f32 v1, v4;
	_ =	sdelay $0x1  }
0x120: {  	v2 =	vsub.f32 v7, v2;
	v4 =	vmul.f32 v5, v5;
	v1 =	vmul.f32 v1, v1;
	_ =	sdelay $0x1  }
0x121: {  	v1 =	vadd.f32 v1, v4;
	v2 =	vmul.f32 v2, v2;
	_ =	sdelay $0x1  }
0x122: {  	v1 =	vadd.f32 v2, v1;
	_ =	sdelay $0x1  }
0x123: {  	v1 =	vadd.f32 $9.999999960e-13, v1;
	_ =	sdelay $0x1  }
0x124: {  	v2 =	vshrl.u32 v1, $0x1;
	v4 =	vmul.f32 $5.000000000e-01, v1  }
0x125: {  	v2 =	vsub.s32 $0x5F3759DF, v2  }
0x126: {  	v5 =	vmul.f32 v2, v4  }
0x127: {  	v3 =	vor.u32 $0x3, v3  }
0x128: {  	v5 =	vmul.f32 v2, v5;
	_ =	sdelay $0x1  }
0x129: {  	v5 =	vsub.f32 $1.500000000e+00, v5;
	_ =	sdelay $0x1  }
0x12a: {  	v6 =	vld.idx.msk [tilespmem:v3+s22+$0x0], $0xffff;
	v2 =	vmul.f32 v2, v5;
	_ =	sdelay $0x1  }
0x12b: {  	v3 =	vld.idx.msk [tilespmem:v3+s23+$0x0], $0xffff;
	v5 =	vmul.f32 v2, v4;
	_ =	sdelay $0x1  }
0x12c: {  	v5 =	vmul.f32 v5, v2  }
0x12d: {  	v6 =	vtrunc.f32 v6  }
0x12e: {  	v6 =	vcvt.f32.s32 v6;
	v5 =	vsub.f32 $1.500000000e+00, v5  }
0x12f: {  	v3 =	vtrunc.f32 v3  }
0x130: {  	v3 =	vcvt.f32.s32 v3;
	v6 =	vmul.u32 $0x19, v6;
	v2 =	vmul.f32 v5, v2;
	_ =	sdelay $0x1  }
0x131: {  	v3 =	vadd.s32 v3, v6;
	v4 =	vmul.f32 v2, v4;
	_ =	sdelay $0x1  }
0x132: {  	v4 =	vmul.f32 v4, v2;
	_ =	sdelay $0x1  }
0x133: {  	v4 =	vsub.f32 $1.500000000e+00, v4  }
0x134: {  	v5 =	vld.idx.msk [tilespmem:v3+s14+$0x0], $0xffff  }
0x135: {  	v2 =	vmul.f32 v4, v2  }
0x136: {  	v4 =	vld.idx.msk [tilespmem:v3+s16+$0x0], $0xffff  }
0x137: {  	s11 =	simm.s32 $0x220;
	v1 =	vmul.f32 v2, v1  }
0x138: {  	v2 =	vmov s11  }
0x139: {  	v2 =	vshll.u32 v2, $0x3;
	v3 =	vsub.f32 v1, v5  }
0x13a: {  	v1 =	vor.u32 v0, v2  }
0x13b: {  	s10 =	simm.s32 $0x230;
	v2 =	vor.u32 $0x1, v1;
	v4 =	vmul.f32 v3, v4  }
.LBB2_5:
0x13c: {  	p0 =	sne.s32 s10, $0x3F0  }
0x13d: {  	v3 =	vmul.f32 v4, v3  }
0x13e: {  	s9 =	sadd.s32 $0x10, s9  }
0x13f: {  	v4 =	vor.u32 $0x2, v1;
	[tilespmem:s9+$0x0] =	vst v3  }
0x140: {  	v3 =	vld.idx.msk [tilespmem:v2+s23+$0x0], $0xffff  }
0x141: {  	v2 =	vld.idx.msk [tilespmem:v2+s22+$0x0], $0xffff  }
0x142: {  	v5 =	vld.idx.msk [tilespmem:v1+s23+$0x0], $0xffff  }
0x143: {  	v6 =	vld.idx.msk [tilespmem:v1+s22+$0x0], $0xffff  }
0x144: {  	v7 =	vld.idx.msk [tilespmem:v4+s23+$0x0], $0xffff  }
0x145: {  	v4 =	vld.idx.msk [tilespmem:v4+s22+$0x0], $0xffff;
	_ =	sdelay $0x3  }
0x146: {  	v2 =	vsub.f32 v3, v2;
	v5 =	vsub.f32 v5, v6;
	_ =	sdelay $0x1  }
0x147: {  	v2 =	vmul.f32 v2, v2;
	v3 =	vsub.f32 v7, v4;
	v4 =	vmul.f32 v5, v5;
	_ =	sdelay $0x1  }
0x148: {  	v2 =	vadd.f32 v2, v4;
	v3 =	vmul.f32 v3, v3;
	_ =	sdelay $0x1  }
0x149: {  	v2 =	vadd.f32 v3, v2;
	_ =	sdelay $0x1  }
0x14a: {  	v2 =	vadd.f32 $9.999999960e-13, v2;
	_ =	sdelay $0x1  }
0x14b: {  	v3 =	vshrl.u32 v2, $0x1;
	v4 =	vmul.f32 $5.000000000e-01, v2  }
0x14c: {  	v1 =	vor.u32 $0x3, v1;
	v3 =	vsub.s32 $0x5F3759DF, v3  }
0x14d: {  	v5 =	vmul.f32 v3, v4;
	_ =	sdelay $0x1  }
0x14e: {  	v5 =	vmul.f32 v3, v5;
	_ =	sdelay $0x1  }
0x14f: {  	v5 =	vsub.f32 $1.500000000e+00, v5;
	v6 =	vld.idx.msk [tilespmem:v1+s22+$0x0], $0xffff;
	_ =	sdelay $0x1  }
0x150: {  	v3 =	vmul.f32 v3, v5;
	v1 =	vld.idx.msk [tilespmem:v1+s23+$0x0], $0xffff;
	_ =	sdelay $0x1  }
0x151: {  	v5 =	vmul.f32 v3, v4;
	_ =	sdelay $0x1  }
0x152: {  	v5 =	vmul.f32 v5, v3;
	v6 =	vtrunc.f32 v6  }
0x153: {  	v6 =	vcvt.f32.s32 v6  }
0x154: {  	v5 =	vsub.f32 $1.500000000e+00, v5;
	v1 =	vtrunc.f32 v1  }
0x155: {  	v1 =	vcvt.f32.s32 v1;
	v6 =	vmul.u32 $0x19, v6  }
0x156: {  	v3 =	vmul.f32 v5, v3  }
0x157: {  	v1 =	vadd.s32 v1, v6  }
0x158: {  	v4 =	vmul.f32 v3, v4;
	_ =	sdelay $0x1  }
0x159: {  	v4 =	vmul.f32 v4, v3;
	_ =	sdelay $0x1  }
0x15a: {  	v4 =	vsub.f32 $1.500000000e+00, v4;
	v5 =	vld.idx.msk [tilespmem:v1+s14+$0x0], $0xffff;
	_ =	sdelay $0x1  }
0x15b: {  	v3 =	vmul.f32 v4, v3;
	v4 =	vld.idx.msk [tilespmem:v1+s16+$0x0], $0xffff;
	_ =	sdelay $0x1  }
.Ltmp5:
0x15c: {  	v1 =	vmul.f32 v3, v2;
	(pc) =	sbr.rel @p0 .LBB2_5-.Ltmp5, $4  }
0x15d: {  	v2 =	vmov s10  }
0x15e: {  	v2 =	vshll.u32 v2, $0x3;
	v3 =	vsub.f32 v1, v5  }
0x15f: {  	v1 =	vor.u32 v0, v2  }
0x160: {  	s10 =	sadd.s32 $0x10, s10;
	v2 =	vor.u32 $0x1, v1;
	v4 =	vmul.f32 v3, v4  }
0x161: {  	_ = 	snop  }
0x162: {  	v3 =	vmul.f32 v4, v3  }
0x163: {  	s9 =	sadd.s32 $0x10, s9  }
0x164: {  	v4 =	vor.u32 $0x2, v1;
	[tilespmem:s9+$0x0] =	vst v3  }
0x165: {  	v3 =	vld.idx.msk [tilespmem:v2+s23+$0x0], $0xffff  }
0x166: {  	v2 =	vld.idx.msk [tilespmem:v2+s22+$0x0], $0xffff  }
0x167: {  	v5 =	vld.idx.msk [tilespmem:v1+s23+$0x0], $0xffff  }
0x168: {  	v6 =	vld.idx.msk [tilespmem:v1+s22+$0x0], $0xffff  }
0x169: {  	v7 =	vld.idx.msk [tilespmem:v4+s23+$0x0], $0xffff  }
0x16a: {  	v4 =	vld.idx.msk [tilespmem:v4+s22+$0x0], $0xffff;
	_ =	sdelay $0x2  }
0x16b: {  	v5 =	vsub.f32 v5, v6;
	v2 =	vsub.f32 v3, v2;
	_ =	sdelay $0x1  }
0x16c: {  	v3 =	vsub.f32 v7, v4;
	v4 =	vmul.f32 v5, v5;
	v2 =	vmul.f32 v2, v2;
	_ =	sdelay $0x1  }
0x16d: {  	v2 =	vadd.f32 v2, v4;
	v3 =	vmul.f32 v3, v3;
	_ =	sdelay $0x1  }
0x16e: {  	v2 =	vadd.f32 v3, v2;
	_ =	sdelay $0x1  }
0x16f: {  	v2 =	vadd.f32 $9.999999960e-13, v2;
	_ =	sdelay $0x1  }
0x170: {  	v3 =	vshrl.u32 v2, $0x1;
	v4 =	vmul.f32 $5.000000000e-01, v2  }
0x171: {  	v3 =	vsub.s32 $0x5F3759DF, v3  }
0x172: {  	v5 =	vmul.f32 v3, v4  }
0x173: {  	v1 =	vor.u32 $0x3, v1  }
0x174: {  	v5 =	vmul.f32 v3, v5;
	_ =	sdelay $0x1  }
0x175: {  	v5 =	vsub.f32 $1.500000000e+00, v5;
	_ =	sdelay $0x1  }
0x176: {  	v6 =	vld.idx.msk [tilespmem:v1+s22+$0x0], $0xffff;
	v3 =	vmul.f32 v3, v5;
	_ =	sdelay $0x1  }
0x177: {  	v1 =	vld.idx.msk [tilespmem:v1+s23+$0x0], $0xffff;
	v5 =	vmul.f32 v3, v4;
	_ =	sdelay $0x1  }
0x178: {  	v5 =	vmul.f32 v5, v3  }
0x179: {  	v6 =	vtrunc.f32 v6  }
0x17a: {  	v6 =	vcvt.f32.s32 v6;
	v5 =	vsub.f32 $1.500000000e+00, v5  }
0x17b: {  	v1 =	vtrunc.f32 v1  }
0x17c: {  	v1 =	vcvt.f32.s32 v1;
	v6 =	vmul.u32 $0x19, v6;
	v3 =	vmul.f32 v5, v3;
	_ =	sdelay $0x1  }
0x17d: {  	v1 =	vadd.s32 v1, v6;
	v4 =	vmul.f32 v3, v4;
	_ =	sdelay $0x1  }
0x17e: {  	v4 =	vmul.f32 v4, v3;
	_ =	sdelay $0x1  }
0x17f: {  	v4 =	vsub.f32 $1.500000000e+00, v4  }
0x180: {  	v5 =	vld.idx.msk [tilespmem:v1+s14+$0x0], $0xffff  }
0x181: {  	v3 =	vmul.f32 v4, v3  }
0x182: {  	v1 =	vld.idx.msk [tilespmem:v1+s16+$0x0], $0xffff  }
0x183: {  	v2 =	vmul.f32 v3, v2;
	_ =	sdelay $0x1  }
0x184: {  	v2 =	vsub.f32 v2, v5;
	_ =	sdelay $0x1  }
0x185: {  	v1 =	vmul.f32 v2, v1;
	_ =	sdelay $0x1  }
0x186: {  	v1 =	vmul.f32 v1, v2  }
0x187: {  	s9 =	sadd.s32 $0x10, s9  }
0x188: {  	s10 =	simm.s32 @!p1 $0xA00;
	s11 =	simm.s32 @!p1 $0x3000;
	[tilespmem:s9+$0x0] =	vst v1;
	s9 =	simm.s32 @!p1 $0x200  }
0x189: {  	[tilespmem:s11], [sflag:$0x4] =	stream.indirect.gather @!p1 [hbm4b:s4+s9], $0x8, s10, s9, $0xb8;
	[tilespmem:$0xB500] =	vst v63  }
0x18a: {  	s10 =	simm.s32 $0x400  }
0x18b: {  	s11 =	simm.s32 @!p1 $0x1A00;
	v1 =	vmov s10;
	s10 =	simm.s32 @!p1 $0x7000  }
0x18c: {  	[tilespmem:s10], [sflag:$0x4] =	stream.indirect.gather @!p1 [hbm4b:s4+s9], $0x8, s11, s9, $0xb8;
	v1 =	vshll.u32 v1, $0x3;
	[tilespmem:$0xB500] =	vst v63  }
0x18d: {  	_ =	swait.ge [sflag:s26], $0x1000;
	v1 =	vor.u32 v0, v1  }
0x18e: {  	[sflag:s26] =	ssyncset.done $0x0;
	v2 =	vor.u32 $0x1, v1  }
0x18f: {  	[sflag:s26] =	ssyncadd.s32 $0xFFFFF000  }
0x190: {  	_ =	swait.ge [sflag:s26], $0x1000  }
0x191: {  	[sflag:s26] =	ssyncset.done $0x0  }
0x192: {  	v3 =	vor.u32 $0x2, v1;
	[sflag:s26] =	ssyncadd.s32 $0xFFFFF000  }
0x193: {  	v4 =	vld.idx.msk [tilespmem:v2+s23+$0x0], $0xffff  }
0x194: {  	v2 =	vld.idx.msk [tilespmem:v2+s22+$0x0], $0xffff  }
0x195: {  	v5 =	vld.idx.msk [tilespmem:v1+s23+$0x0], $0xffff  }
0x196: {  	v6 =	vld.idx.msk [tilespmem:v1+s22+$0x0], $0xffff  }
0x197: {  	v7 =	vld.idx.msk [tilespmem:v3+s23+$0x0], $0xffff  }
0x198: {  	v3 =	vld.idx.msk [tilespmem:v3+s22+$0x0], $0xffff;
	_ =	sdelay $0x2  }
0x199: {  	v5 =	vsub.f32 v5, v6;
	v2 =	vsub.f32 v4, v2;
	_ =	sdelay $0x1  }
0x19a: {  	v3 =	vsub.f32 v7, v3;
	v4 =	vmul.f32 v5, v5;
	v2 =	vmul.f32 v2, v2;
	_ =	sdelay $0x1  }
0x19b: {  	v3 =	vmul.f32 v3, v3;
	v2 =	vadd.f32 v2, v4;
	_ =	sdelay $0x1  }
0x19c: {  	v2 =	vadd.f32 v3, v2;
	_ =	sdelay $0x1  }
0x19d: {  	v2 =	vadd.f32 $9.999999960e-13, v2;
	_ =	sdelay $0x1  }
0x19e: {  	v3 =	vshrl.u32 v2, $0x1;
	v4 =	vmul.f32 $5.000000000e-01, v2  }
0x19f: {  	v3 =	vsub.s32 $0x5F3759DF, v3  }
0x1a0: {  	v5 =	vmul.f32 v3, v4  }
0x1a1: {  	v1 =	vor.u32 $0x3, v1  }
0x1a2: {  	v5 =	vmul.f32 v3, v5;
	_ =	sdelay $0x1  }
0x1a3: {  	v5 =	vsub.f32 $1.500000000e+00, v5;
	_ =	sdelay $0x1  }
0x1a4: {  	v6 =	vld.idx.msk [tilespmem:v1+s22+$0x0], $0xffff;
	v3 =	vmul.f32 v3, v5;
	_ =	sdelay $0x1  }
0x1a5: {  	v1 =	vld.idx.msk [tilespmem:v1+s23+$0x0], $0xffff;
	v5 =	vmul.f32 v3, v4;
	_ =	sdelay $0x1  }
0x1a6: {  	v5 =	vmul.f32 v5, v3  }
0x1a7: {  	v6 =	vtrunc.f32 v6  }
0x1a8: {  	v6 =	vcvt.f32.s32 v6;
	v5 =	vsub.f32 $1.500000000e+00, v5  }
0x1a9: {  	v1 =	vtrunc.f32 v1  }
0x1aa: {  	v1 =	vcvt.f32.s32 v1;
	v6 =	vmul.u32 $0x19, v6;
	v3 =	vmul.f32 v5, v3;
	_ =	sdelay $0x1  }
0x1ab: {  	v1 =	vadd.s32 v1, v6;
	v4 =	vmul.f32 v3, v4;
	_ =	sdelay $0x1  }
0x1ac: {  	v4 =	vmul.f32 v4, v3;
	_ =	sdelay $0x1  }
0x1ad: {  	v4 =	vsub.f32 $1.500000000e+00, v4  }
0x1ae: {  	v5 =	vld.idx.msk [tilespmem:v1+s14+$0x0], $0xffff  }
0x1af: {  	v3 =	vmul.f32 v4, v3  }
0x1b0: {  	v1 =	vld.idx.msk [tilespmem:v1+s16+$0x0], $0xffff  }
0x1b1: {  	s10 =	simm.s32 $0x410;
	v2 =	vmul.f32 v3, v2  }
0x1b2: {  	v3 =	vmov s10  }
0x1b3: {  	v3 =	vshll.u32 v3, $0x3;
	v2 =	vsub.f32 v2, v5  }
0x1b4: {  	v3 =	vor.u32 v0, v3  }
0x1b5: {  	v4 =	vor.u32 $0x1, v3;
	v1 =	vmul.f32 v2, v1;
	_ =	sdelay $0x1  }
0x1b6: {  	v1 =	vmul.f32 v1, v2  }
0x1b7: {  	s9 =	simm.s32 $0xA400  }
0x1b8: {  	v2 =	vor.u32 $0x2, v3;
	[tilespmem:s9+$0x0] =	vst v1  }
0x1b9: {  	v1 =	vld.idx.msk [tilespmem:v4+s23+$0x0], $0xffff  }
0x1ba: {  	v4 =	vld.idx.msk [tilespmem:v4+s22+$0x0], $0xffff  }
0x1bb: {  	v5 =	vld.idx.msk [tilespmem:v3+s23+$0x0], $0xffff  }
0x1bc: {  	v6 =	vld.idx.msk [tilespmem:v3+s22+$0x0], $0xffff  }
0x1bd: {  	v7 =	vld.idx.msk [tilespmem:v2+s23+$0x0], $0xffff  }
0x1be: {  	v2 =	vld.idx.msk [tilespmem:v2+s22+$0x0], $0xffff;
	_ =	sdelay $0x2  }
0x1bf: {  	v5 =	vsub.f32 v5, v6;
	v1 =	vsub.f32 v1, v4;
	_ =	sdelay $0x1  }
0x1c0: {  	v2 =	vsub.f32 v7, v2;
	v4 =	vmul.f32 v5, v5;
	v1 =	vmul.f32 v1, v1;
	_ =	sdelay $0x1  }
0x1c1: {  	v1 =	vadd.f32 v1, v4;
	v2 =	vmul.f32 v2, v2;
	_ =	sdelay $0x1  }
0x1c2: {  	v1 =	vadd.f32 v2, v1;
	_ =	sdelay $0x1  }
0x1c3: {  	v1 =	vadd.f32 $9.999999960e-13, v1;
	_ =	sdelay $0x1  }
0x1c4: {  	v2 =	vshrl.u32 v1, $0x1;
	v4 =	vmul.f32 $5.000000000e-01, v1  }
0x1c5: {  	v2 =	vsub.s32 $0x5F3759DF, v2  }
0x1c6: {  	v5 =	vmul.f32 v2, v4  }
0x1c7: {  	v3 =	vor.u32 $0x3, v3  }
0x1c8: {  	v5 =	vmul.f32 v2, v5;
	_ =	sdelay $0x1  }
0x1c9: {  	v5 =	vsub.f32 $1.500000000e+00, v5;
	_ =	sdelay $0x1  }
0x1ca: {  	v6 =	vld.idx.msk [tilespmem:v3+s22+$0x0], $0xffff;
	v2 =	vmul.f32 v2, v5;
	_ =	sdelay $0x1  }
0x1cb: {  	v3 =	vld.idx.msk [tilespmem:v3+s23+$0x0], $0xffff;
	v5 =	vmul.f32 v2, v4;
	_ =	sdelay $0x1  }
0x1cc: {  	v5 =	vmul.f32 v5, v2  }
0x1cd: {  	v6 =	vtrunc.f32 v6  }
0x1ce: {  	v6 =	vcvt.f32.s32 v6;
	v5 =	vsub.f32 $1.500000000e+00, v5  }
0x1cf: {  	v3 =	vtrunc.f32 v3  }
0x1d0: {  	v3 =	vcvt.f32.s32 v3;
	v6 =	vmul.u32 $0x19, v6;
	v2 =	vmul.f32 v5, v2;
	_ =	sdelay $0x1  }
0x1d1: {  	v3 =	vadd.s32 v3, v6;
	v4 =	vmul.f32 v2, v4;
	_ =	sdelay $0x1  }
0x1d2: {  	v4 =	vmul.f32 v4, v2;
	_ =	sdelay $0x1  }
0x1d3: {  	v4 =	vsub.f32 $1.500000000e+00, v4  }
0x1d4: {  	v5 =	vld.idx.msk [tilespmem:v3+s14+$0x0], $0xffff  }
0x1d5: {  	v2 =	vmul.f32 v4, v2  }
0x1d6: {  	v4 =	vld.idx.msk [tilespmem:v3+s16+$0x0], $0xffff  }
0x1d7: {  	s11 =	simm.s32 $0x420;
	v1 =	vmul.f32 v2, v1  }
0x1d8: {  	v2 =	vmov s11  }
0x1d9: {  	v2 =	vshll.u32 v2, $0x3;
	v3 =	vsub.f32 v1, v5  }
0x1da: {  	v1 =	vor.u32 v0, v2  }
0x1db: {  	s10 =	simm.s32 $0x430;
	v2 =	vor.u32 $0x1, v1;
	v4 =	vmul.f32 v3, v4  }
.LBB2_7:
0x1dc: {  	p0 =	sne.s32 s10, $0x5F0  }
0x1dd: {  	v3 =	vmul.f32 v4, v3  }
0x1de: {  	s9 =	sadd.s32 $0x10, s9  }
0x1df: {  	v4 =	vor.u32 $0x2, v1;
	[tilespmem:s9+$0x0] =	vst v3  }
0x1e0: {  	v3 =	vld.idx.msk [tilespmem:v2+s23+$0x0], $0xffff  }
0x1e1: {  	v2 =	vld.idx.msk [tilespmem:v2+s22+$0x0], $0xffff  }
0x1e2: {  	v5 =	vld.idx.msk [tilespmem:v1+s23+$0x0], $0xffff  }
0x1e3: {  	v6 =	vld.idx.msk [tilespmem:v1+s22+$0x0], $0xffff  }
0x1e4: {  	v7 =	vld.idx.msk [tilespmem:v4+s23+$0x0], $0xffff  }
0x1e5: {  	v4 =	vld.idx.msk [tilespmem:v4+s22+$0x0], $0xffff;
	_ =	sdelay $0x3  }
0x1e6: {  	v2 =	vsub.f32 v3, v2;
	v5 =	vsub.f32 v5, v6;
	_ =	sdelay $0x1  }
0x1e7: {  	v2 =	vmul.f32 v2, v2;
	v3 =	vsub.f32 v7, v4;
	v4 =	vmul.f32 v5, v5;
	_ =	sdelay $0x1  }
0x1e8: {  	v2 =	vadd.f32 v2, v4;
	v3 =	vmul.f32 v3, v3;
	_ =	sdelay $0x1  }
0x1e9: {  	v2 =	vadd.f32 v3, v2;
	_ =	sdelay $0x1  }
0x1ea: {  	v2 =	vadd.f32 $9.999999960e-13, v2;
	_ =	sdelay $0x1  }
0x1eb: {  	v3 =	vshrl.u32 v2, $0x1;
	v4 =	vmul.f32 $5.000000000e-01, v2  }
0x1ec: {  	v1 =	vor.u32 $0x3, v1;
	v3 =	vsub.s32 $0x5F3759DF, v3  }
0x1ed: {  	v5 =	vmul.f32 v3, v4;
	_ =	sdelay $0x1  }
0x1ee: {  	v5 =	vmul.f32 v3, v5;
	_ =	sdelay $0x1  }
0x1ef: {  	v5 =	vsub.f32 $1.500000000e+00, v5;
	v6 =	vld.idx.msk [tilespmem:v1+s22+$0x0], $0xffff;
	_ =	sdelay $0x1  }
0x1f0: {  	v3 =	vmul.f32 v3, v5;
	v1 =	vld.idx.msk [tilespmem:v1+s23+$0x0], $0xffff;
	_ =	sdelay $0x1  }
0x1f1: {  	v5 =	vmul.f32 v3, v4;
	_ =	sdelay $0x1  }
0x1f2: {  	v5 =	vmul.f32 v5, v3;
	v6 =	vtrunc.f32 v6  }
0x1f3: {  	v6 =	vcvt.f32.s32 v6  }
0x1f4: {  	v5 =	vsub.f32 $1.500000000e+00, v5;
	v1 =	vtrunc.f32 v1  }
0x1f5: {  	v1 =	vcvt.f32.s32 v1;
	v6 =	vmul.u32 $0x19, v6  }
0x1f6: {  	v3 =	vmul.f32 v5, v3  }
0x1f7: {  	v1 =	vadd.s32 v1, v6  }
0x1f8: {  	v4 =	vmul.f32 v3, v4;
	_ =	sdelay $0x1  }
0x1f9: {  	v4 =	vmul.f32 v4, v3;
	_ =	sdelay $0x1  }
0x1fa: {  	v4 =	vsub.f32 $1.500000000e+00, v4;
	v5 =	vld.idx.msk [tilespmem:v1+s14+$0x0], $0xffff;
	_ =	sdelay $0x1  }
0x1fb: {  	v3 =	vmul.f32 v4, v3;
	v4 =	vld.idx.msk [tilespmem:v1+s16+$0x0], $0xffff;
	_ =	sdelay $0x1  }
.Ltmp6:
0x1fc: {  	v1 =	vmul.f32 v3, v2;
	(pc) =	sbr.rel @p0 .LBB2_7-.Ltmp6, $4  }
0x1fd: {  	v2 =	vmov s10  }
0x1fe: {  	v2 =	vshll.u32 v2, $0x3;
	v3 =	vsub.f32 v1, v5  }
0x1ff: {  	v1 =	vor.u32 v0, v2  }
0x200: {  	s10 =	sadd.s32 $0x10, s10;
	v2 =	vor.u32 $0x1, v1;
	v4 =	vmul.f32 v3, v4  }
0x201: {  	_ = 	snop  }
0x202: {  	v3 =	vmul.f32 v4, v3  }
0x203: {  	s9 =	sadd.s32 $0x10, s9  }
0x204: {  	v4 =	vor.u32 $0x2, v1;
	[tilespmem:s9+$0x0] =	vst v3  }
0x205: {  	v3 =	vld.idx.msk [tilespmem:v2+s23+$0x0], $0xffff  }
0x206: {  	v2 =	vld.idx.msk [tilespmem:v2+s22+$0x0], $0xffff  }
0x207: {  	v5 =	vld.idx.msk [tilespmem:v1+s23+$0x0], $0xffff  }
0x208: {  	v6 =	vld.idx.msk [tilespmem:v1+s22+$0x0], $0xffff  }
0x209: {  	v7 =	vld.idx.msk [tilespmem:v4+s23+$0x0], $0xffff  }
0x20a: {  	v4 =	vld.idx.msk [tilespmem:v4+s22+$0x0], $0xffff;
	_ =	sdelay $0x2  }
0x20b: {  	v5 =	vsub.f32 v5, v6;
	v2 =	vsub.f32 v3, v2;
	_ =	sdelay $0x1  }
0x20c: {  	v3 =	vsub.f32 v7, v4;
	v4 =	vmul.f32 v5, v5;
	v2 =	vmul.f32 v2, v2;
	_ =	sdelay $0x1  }
0x20d: {  	v2 =	vadd.f32 v2, v4;
	v3 =	vmul.f32 v3, v3;
	_ =	sdelay $0x1  }
0x20e: {  	v2 =	vadd.f32 v3, v2;
	_ =	sdelay $0x1  }
0x20f: {  	v2 =	vadd.f32 $9.999999960e-13, v2;
	_ =	sdelay $0x1  }
0x210: {  	v3 =	vshrl.u32 v2, $0x1;
	v4 =	vmul.f32 $5.000000000e-01, v2  }
0x211: {  	v3 =	vsub.s32 $0x5F3759DF, v3  }
0x212: {  	v5 =	vmul.f32 v3, v4  }
0x213: {  	v1 =	vor.u32 $0x3, v1  }
0x214: {  	v5 =	vmul.f32 v3, v5;
	_ =	sdelay $0x1  }
0x215: {  	v5 =	vsub.f32 $1.500000000e+00, v5;
	_ =	sdelay $0x1  }
0x216: {  	v6 =	vld.idx.msk [tilespmem:v1+s22+$0x0], $0xffff;
	v3 =	vmul.f32 v3, v5;
	_ =	sdelay $0x1  }
0x217: {  	v1 =	vld.idx.msk [tilespmem:v1+s23+$0x0], $0xffff;
	v5 =	vmul.f32 v3, v4;
	_ =	sdelay $0x1  }
0x218: {  	v5 =	vmul.f32 v5, v3  }
0x219: {  	v6 =	vtrunc.f32 v6  }
0x21a: {  	v6 =	vcvt.f32.s32 v6;
	v5 =	vsub.f32 $1.500000000e+00, v5  }
0x21b: {  	v1 =	vtrunc.f32 v1  }
0x21c: {  	v1 =	vcvt.f32.s32 v1;
	v6 =	vmul.u32 $0x19, v6;
	v3 =	vmul.f32 v5, v3;
	_ =	sdelay $0x1  }
0x21d: {  	v1 =	vadd.s32 v1, v6;
	v4 =	vmul.f32 v3, v4;
	_ =	sdelay $0x1  }
0x21e: {  	v4 =	vmul.f32 v4, v3;
	_ =	sdelay $0x1  }
0x21f: {  	v4 =	vsub.f32 $1.500000000e+00, v4  }
0x220: {  	v5 =	vld.idx.msk [tilespmem:v1+s14+$0x0], $0xffff  }
0x221: {  	v3 =	vmul.f32 v4, v3  }
0x222: {  	v1 =	vld.idx.msk [tilespmem:v1+s16+$0x0], $0xffff  }
0x223: {  	v2 =	vmul.f32 v3, v2;
	_ =	sdelay $0x1  }
0x224: {  	v2 =	vsub.f32 v2, v5;
	_ =	sdelay $0x1  }
0x225: {  	v1 =	vmul.f32 v2, v1;
	_ =	sdelay $0x1  }
0x226: {  	v1 =	vmul.f32 v1, v2  }
0x227: {  	s9 =	sadd.s32 $0x10, s9  }
0x228: {  	s10 =	simm.s32 @!p1 $0xC00;
	s11 =	simm.s32 @!p1 $0x4000;
	[tilespmem:s9+$0x0] =	vst v1;
	s9 =	simm.s32 @!p1 $0x200  }
0x229: {  	[tilespmem:s11], [sflag:$0x5] =	stream.indirect.gather @!p1 [hbm4b:s4+s9], $0x8, s10, s9, $0xb8;
	[tilespmem:$0xB500] =	vst v63  }
0x22a: {  	s10 =	simm.s32 $0x600  }
0x22b: {  	s11 =	simm.s32 @!p1 $0x1C00;
	v1 =	vmov s10;
	s10 =	simm.s32 @!p1 $0x8000  }
0x22c: {  	[tilespmem:s10], [sflag:$0x5] =	stream.indirect.gather @!p1 [hbm4b:s4+s9], $0x8, s11, s9, $0xb8;
	v1 =	vshll.u32 v1, $0x3;
	[tilespmem:$0xB500] =	vst v63  }
0x22d: {  	_ =	swait.ge [sflag:s28], $0x1000;
	v1 =	vor.u32 v0, v1  }
0x22e: {  	[sflag:s28] =	ssyncset.done $0x0;
	v2 =	vor.u32 $0x1, v1  }
0x22f: {  	[sflag:s28] =	ssyncadd.s32 $0xFFFFF000  }
0x230: {  	_ =	swait.ge [sflag:s28], $0x1000  }
0x231: {  	[sflag:s28] =	ssyncset.done $0x0  }
0x232: {  	v3 =	vor.u32 $0x2, v1;
	[sflag:s28] =	ssyncadd.s32 $0xFFFFF000  }
0x233: {  	v4 =	vld.idx.msk [tilespmem:v2+s23+$0x0], $0xffff  }
0x234: {  	v2 =	vld.idx.msk [tilespmem:v2+s22+$0x0], $0xffff  }
0x235: {  	v5 =	vld.idx.msk [tilespmem:v1+s23+$0x0], $0xffff  }
0x236: {  	v6 =	vld.idx.msk [tilespmem:v1+s22+$0x0], $0xffff  }
0x237: {  	v7 =	vld.idx.msk [tilespmem:v3+s23+$0x0], $0xffff  }
0x238: {  	v3 =	vld.idx.msk [tilespmem:v3+s22+$0x0], $0xffff;
	_ =	sdelay $0x2  }
0x239: {  	v5 =	vsub.f32 v5, v6;
	v2 =	vsub.f32 v4, v2;
	_ =	sdelay $0x1  }
0x23a: {  	v3 =	vsub.f32 v7, v3;
	v4 =	vmul.f32 v5, v5;
	v2 =	vmul.f32 v2, v2;
	_ =	sdelay $0x1  }
0x23b: {  	v3 =	vmul.f32 v3, v3;
	v2 =	vadd.f32 v2, v4;
	_ =	sdelay $0x1  }
0x23c: {  	v2 =	vadd.f32 v3, v2;
	_ =	sdelay $0x1  }
0x23d: {  	v2 =	vadd.f32 $9.999999960e-13, v2;
	_ =	sdelay $0x1  }
0x23e: {  	v3 =	vshrl.u32 v2, $0x1;
	v4 =	vmul.f32 $5.000000000e-01, v2  }
0x23f: {  	v3 =	vsub.s32 $0x5F3759DF, v3  }
0x240: {  	v5 =	vmul.f32 v3, v4  }
0x241: {  	v1 =	vor.u32 $0x3, v1  }
0x242: {  	v5 =	vmul.f32 v3, v5;
	_ =	sdelay $0x1  }
0x243: {  	v5 =	vsub.f32 $1.500000000e+00, v5;
	_ =	sdelay $0x1  }
0x244: {  	v6 =	vld.idx.msk [tilespmem:v1+s22+$0x0], $0xffff;
	v3 =	vmul.f32 v3, v5;
	_ =	sdelay $0x1  }
0x245: {  	v1 =	vld.idx.msk [tilespmem:v1+s23+$0x0], $0xffff;
	v5 =	vmul.f32 v3, v4;
	_ =	sdelay $0x1  }
0x246: {  	v5 =	vmul.f32 v5, v3  }
0x247: {  	v6 =	vtrunc.f32 v6  }
0x248: {  	v6 =	vcvt.f32.s32 v6;
	v5 =	vsub.f32 $1.500000000e+00, v5  }
0x249: {  	v1 =	vtrunc.f32 v1  }
0x24a: {  	v1 =	vcvt.f32.s32 v1;
	v6 =	vmul.u32 $0x19, v6;
	v3 =	vmul.f32 v5, v3;
	_ =	sdelay $0x1  }
0x24b: {  	v1 =	vadd.s32 v1, v6;
	v4 =	vmul.f32 v3, v4;
	_ =	sdelay $0x1  }
0x24c: {  	v4 =	vmul.f32 v4, v3;
	_ =	sdelay $0x1  }
0x24d: {  	v4 =	vsub.f32 $1.500000000e+00, v4  }
0x24e: {  	v5 =	vld.idx.msk [tilespmem:v1+s14+$0x0], $0xffff  }
0x24f: {  	v3 =	vmul.f32 v4, v3  }
0x250: {  	v1 =	vld.idx.msk [tilespmem:v1+s16+$0x0], $0xffff  }
0x251: {  	s10 =	simm.s32 $0x610;
	v2 =	vmul.f32 v3, v2  }
0x252: {  	v3 =	vmov s10  }
0x253: {  	v3 =	vshll.u32 v3, $0x3;
	v2 =	vsub.f32 v2, v5  }
0x254: {  	v3 =	vor.u32 v0, v3  }
0x255: {  	v4 =	vor.u32 $0x1, v3;
	v1 =	vmul.f32 v2, v1;
	_ =	sdelay $0x1  }
0x256: {  	v1 =	vmul.f32 v1, v2  }
0x257: {  	s9 =	simm.s32 $0xA600  }
0x258: {  	v2 =	vor.u32 $0x2, v3;
	[tilespmem:s9+$0x0] =	vst v1  }
0x259: {  	v1 =	vld.idx.msk [tilespmem:v4+s23+$0x0], $0xffff  }
0x25a: {  	v4 =	vld.idx.msk [tilespmem:v4+s22+$0x0], $0xffff  }
0x25b: {  	v5 =	vld.idx.msk [tilespmem:v3+s23+$0x0], $0xffff  }
0x25c: {  	v6 =	vld.idx.msk [tilespmem:v3+s22+$0x0], $0xffff  }
0x25d: {  	v7 =	vld.idx.msk [tilespmem:v2+s23+$0x0], $0xffff  }
0x25e: {  	v2 =	vld.idx.msk [tilespmem:v2+s22+$0x0], $0xffff;
	_ =	sdelay $0x2  }
0x25f: {  	v5 =	vsub.f32 v5, v6;
	v1 =	vsub.f32 v1, v4;
	_ =	sdelay $0x1  }
0x260: {  	v2 =	vsub.f32 v7, v2;
	v4 =	vmul.f32 v5, v5;
	v1 =	vmul.f32 v1, v1;
	_ =	sdelay $0x1  }
0x261: {  	v1 =	vadd.f32 v1, v4;
	v2 =	vmul.f32 v2, v2;
	_ =	sdelay $0x1  }
0x262: {  	v1 =	vadd.f32 v2, v1;
	_ =	sdelay $0x1  }
0x263: {  	v1 =	vadd.f32 $9.999999960e-13, v1;
	_ =	sdelay $0x1  }
0x264: {  	v2 =	vshrl.u32 v1, $0x1;
	v4 =	vmul.f32 $5.000000000e-01, v1  }
0x265: {  	v2 =	vsub.s32 $0x5F3759DF, v2  }
0x266: {  	v5 =	vmul.f32 v2, v4  }
0x267: {  	v3 =	vor.u32 $0x3, v3  }
0x268: {  	v5 =	vmul.f32 v2, v5;
	_ =	sdelay $0x1  }
0x269: {  	v5 =	vsub.f32 $1.500000000e+00, v5;
	_ =	sdelay $0x1  }
0x26a: {  	v6 =	vld.idx.msk [tilespmem:v3+s22+$0x0], $0xffff;
	v2 =	vmul.f32 v2, v5;
	_ =	sdelay $0x1  }
0x26b: {  	v3 =	vld.idx.msk [tilespmem:v3+s23+$0x0], $0xffff;
	v5 =	vmul.f32 v2, v4;
	_ =	sdelay $0x1  }
0x26c: {  	v5 =	vmul.f32 v5, v2  }
0x26d: {  	v6 =	vtrunc.f32 v6  }
0x26e: {  	v6 =	vcvt.f32.s32 v6;
	v5 =	vsub.f32 $1.500000000e+00, v5  }
0x26f: {  	v3 =	vtrunc.f32 v3  }
0x270: {  	v3 =	vcvt.f32.s32 v3;
	v6 =	vmul.u32 $0x19, v6;
	v2 =	vmul.f32 v5, v2;
	_ =	sdelay $0x1  }
0x271: {  	v3 =	vadd.s32 v3, v6;
	v4 =	vmul.f32 v2, v4;
	_ =	sdelay $0x1  }
0x272: {  	v4 =	vmul.f32 v4, v2;
	_ =	sdelay $0x1  }
0x273: {  	v4 =	vsub.f32 $1.500000000e+00, v4  }
0x274: {  	v5 =	vld.idx.msk [tilespmem:v3+s14+$0x0], $0xffff  }
0x275: {  	v2 =	vmul.f32 v4, v2  }
0x276: {  	v4 =	vld.idx.msk [tilespmem:v3+s16+$0x0], $0xffff  }
0x277: {  	s11 =	simm.s32 $0x620;
	v1 =	vmul.f32 v2, v1  }
0x278: {  	v2 =	vmov s11  }
0x279: {  	v2 =	vshll.u32 v2, $0x3;
	v3 =	vsub.f32 v1, v5  }
0x27a: {  	v1 =	vor.u32 v0, v2  }
0x27b: {  	s10 =	simm.s32 $0x630;
	v2 =	vor.u32 $0x1, v1;
	v4 =	vmul.f32 v3, v4  }
.LBB2_9:
0x27c: {  	p0 =	sne.s32 s10, $0x7F0  }
0x27d: {  	v3 =	vmul.f32 v4, v3  }
0x27e: {  	s9 =	sadd.s32 $0x10, s9  }
0x27f: {  	v4 =	vor.u32 $0x2, v1;
	[tilespmem:s9+$0x0] =	vst v3  }
0x280: {  	v3 =	vld.idx.msk [tilespmem:v2+s23+$0x0], $0xffff  }
0x281: {  	v2 =	vld.idx.msk [tilespmem:v2+s22+$0x0], $0xffff  }
0x282: {  	v5 =	vld.idx.msk [tilespmem:v1+s23+$0x0], $0xffff  }
0x283: {  	v6 =	vld.idx.msk [tilespmem:v1+s22+$0x0], $0xffff  }
0x284: {  	v7 =	vld.idx.msk [tilespmem:v4+s23+$0x0], $0xffff  }
0x285: {  	v4 =	vld.idx.msk [tilespmem:v4+s22+$0x0], $0xffff;
	_ =	sdelay $0x3  }
0x286: {  	v2 =	vsub.f32 v3, v2;
	v5 =	vsub.f32 v5, v6;
	_ =	sdelay $0x1  }
0x287: {  	v2 =	vmul.f32 v2, v2;
	v3 =	vsub.f32 v7, v4;
	v4 =	vmul.f32 v5, v5;
	_ =	sdelay $0x1  }
0x288: {  	v2 =	vadd.f32 v2, v4;
	v3 =	vmul.f32 v3, v3;
	_ =	sdelay $0x1  }
0x289: {  	v2 =	vadd.f32 v3, v2;
	_ =	sdelay $0x1  }
0x28a: {  	v2 =	vadd.f32 $9.999999960e-13, v2;
	_ =	sdelay $0x1  }
0x28b: {  	v3 =	vshrl.u32 v2, $0x1;
	v4 =	vmul.f32 $5.000000000e-01, v2  }
0x28c: {  	v1 =	vor.u32 $0x3, v1;
	v3 =	vsub.s32 $0x5F3759DF, v3  }
0x28d: {  	v5 =	vmul.f32 v3, v4;
	_ =	sdelay $0x1  }
0x28e: {  	v5 =	vmul.f32 v3, v5;
	_ =	sdelay $0x1  }
0x28f: {  	v5 =	vsub.f32 $1.500000000e+00, v5;
	v6 =	vld.idx.msk [tilespmem:v1+s22+$0x0], $0xffff;
	_ =	sdelay $0x1  }
0x290: {  	v3 =	vmul.f32 v3, v5;
	v1 =	vld.idx.msk [tilespmem:v1+s23+$0x0], $0xffff;
	_ =	sdelay $0x1  }
0x291: {  	v5 =	vmul.f32 v3, v4;
	_ =	sdelay $0x1  }
0x292: {  	v5 =	vmul.f32 v5, v3;
	v6 =	vtrunc.f32 v6  }
0x293: {  	v6 =	vcvt.f32.s32 v6  }
0x294: {  	v5 =	vsub.f32 $1.500000000e+00, v5;
	v1 =	vtrunc.f32 v1  }
0x295: {  	v1 =	vcvt.f32.s32 v1;
	v6 =	vmul.u32 $0x19, v6  }
0x296: {  	v3 =	vmul.f32 v5, v3  }
0x297: {  	v1 =	vadd.s32 v1, v6  }
0x298: {  	v4 =	vmul.f32 v3, v4;
	_ =	sdelay $0x1  }
0x299: {  	v4 =	vmul.f32 v4, v3;
	_ =	sdelay $0x1  }
0x29a: {  	v4 =	vsub.f32 $1.500000000e+00, v4;
	v5 =	vld.idx.msk [tilespmem:v1+s14+$0x0], $0xffff;
	_ =	sdelay $0x1  }
0x29b: {  	v3 =	vmul.f32 v4, v3;
	v4 =	vld.idx.msk [tilespmem:v1+s16+$0x0], $0xffff;
	_ =	sdelay $0x1  }
.Ltmp7:
0x29c: {  	v1 =	vmul.f32 v3, v2;
	(pc) =	sbr.rel @p0 .LBB2_9-.Ltmp7, $4  }
0x29d: {  	v2 =	vmov s10  }
0x29e: {  	v2 =	vshll.u32 v2, $0x3;
	v3 =	vsub.f32 v1, v5  }
0x29f: {  	v1 =	vor.u32 v0, v2  }
0x2a0: {  	s10 =	sadd.s32 $0x10, s10;
	v2 =	vor.u32 $0x1, v1;
	v4 =	vmul.f32 v3, v4  }
0x2a1: {  	_ = 	snop  }
0x2a2: {  	v3 =	vmul.f32 v4, v3  }
0x2a3: {  	s9 =	sadd.s32 $0x10, s9  }
0x2a4: {  	v58 =	vor.u32 $0x2, v1;
	[tilespmem:s9+$0x0] =	vst v3  }
0x2a5: {  	v3 =	vld.idx.msk [tilespmem:v2+s23+$0x0], $0xffff  }
0x2a6: {  	v2 =	vld.idx.msk [tilespmem:v2+s22+$0x0], $0xffff  }
0x2a7: {  	v5 =	vld.idx.msk [tilespmem:v1+s23+$0x0], $0xffff  }
0x2a8: {  	v6 =	vld.idx.msk [tilespmem:v1+s22+$0x0], $0xffff  }
0x2a9: {  	v7 =	vld.idx.msk [tilespmem:v58+s23+$0x0], $0xffff  }
0x2aa: {  	v4 =	vld.idx.msk [tilespmem:v58+s22+$0x0], $0xffff;
	_ =	sdelay $0x2  }
0x2ab: {  	v5 =	vsub.f32 v5, v6;
	v2 =	vsub.f32 v3, v2;
	_ =	sdelay $0x1  }
0x2ac: {  	v3 =	vsub.f32 v7, v4;
	v59 =	vmul.f32 v5, v5;
	v2 =	vmul.f32 v2, v2;
	_ =	sdelay $0x1  }
0x2ad: {  	v3 =	vmul.f32 v3, v3;
	v2 =	vadd.f32 v2, v59;
	_ =	sdelay $0x1  }
0x2ae: {  	v2 =	vadd.f32 v3, v2;
	_ =	sdelay $0x1  }
0x2af: {  	v2 =	vadd.f32 $9.999999960e-13, v2;
	_ =	sdelay $0x1  }
0x2b0: {  	v3 =	vshrl.u32 v2, $0x1;
	v60 =	vmul.f32 $5.000000000e-01, v2  }
0x2b1: {  	v3 =	vsub.s32 $0x5F3759DF, v3  }
0x2b2: {  	v61 =	vmul.f32 v3, v60  }
0x2b3: {  	v1 =	vor.u32 $0x3, v1  }
0x2b4: {  	v5 =	vmul.f32 v3, v61;
	_ =	sdelay $0x1  }
0x2b5: {  	v5 =	vsub.f32 $1.500000000e+00, v5;
	_ =	sdelay $0x1  }
0x2b6: {  	v62 =	vld.idx.msk [tilespmem:v1+s22+$0x0], $0xffff;
	v3 =	vmul.f32 v3, v5;
	_ =	sdelay $0x1  }
0x2b7: {  	v1 =	vld.idx.msk [tilespmem:v1+s23+$0x0], $0xffff;
	v5 =	vmul.f32 v3, v60;
	_ =	sdelay $0x1  }
0x2b8: {  	v5 =	vmul.f32 v5, v3  }
0x2b9: {  	v6 =	vtrunc.f32 v62  }
0x2ba: {  	v6 =	vcvt.f32.s32 v6;
	v5 =	vsub.f32 $1.500000000e+00, v5  }
0x2bb: {  	v1 =	vtrunc.f32 v1  }
0x2bc: {  	v1 =	vcvt.f32.s32 v1;
	v6 =	vmul.u32 $0x19, v6;
	v3 =	vmul.f32 v5, v3;
	_ =	sdelay $0x1  }
0x2bd: {  	v1 =	vadd.s32 v1, v6;
	v4 =	vmul.f32 v3, v60;
	_ =	sdelay $0x1  }
0x2be: {  	v4 =	vmul.f32 v4, v3;
	_ =	sdelay $0x1  }
0x2bf: {  	v4 =	vsub.f32 $1.500000000e+00, v4  }
0x2c0: {  	v63 =	vld.idx.msk [tilespmem:v1+s14+$0x0], $0xffff  }
0x2c1: {  	v3 =	vmul.f32 v4, v3  }
0x2c2: {  	v1 =	vld.idx.msk [tilespmem:v1+s16+$0x0], $0xffff  }
0x2c3: {  	v2 =	vmul.f32 v3, v2;
	_ =	sdelay $0x1  }
0x2c4: {  	v2 =	vsub.f32 v2, v63;
	_ =	sdelay $0x1  }
0x2c5: {  	v1 =	vmul.f32 v2, v1;
	_ =	sdelay $0x1  }
0x2c6: {  	v1 =	vmul.f32 v1, v2  }
0x2c7: {  	s10 =	simm.s32 @!p1 $0xE00;
	s9 =	sadd.s32 $0x10, s9  }
0x2c8: {  	s11 =	simm.s32 @!p1 $0x5000;
	p0 =	sgt.u32 s19, $0xBF4;
	[tilespmem:s9+$0x0] =	vst v1;
	s9 =	simm.s32 @!p1 $0x200  }
0x2c9: {  	[tilespmem:s11], [sflag:$0x6] =	stream.indirect.gather @!p1 [hbm4b:s4+s9], $0x8, s10, s9, $0xb8;
	[tilespmem:$0xB500] =	vst v63  }
.Ltmp8:
0x2ca: {  	s10 =	simm.s32 @!p1 $0x1E00;
	s11 =	simm.s32 @!p1 $0x9000;
	(pc) =	sbr.rel @p0 .LBB2_12-.Ltmp8, $4  }
0x2cb: {  	[tilespmem:s11], [sflag:$0x6] =	stream.indirect.gather @!p1 [hbm4b:s4+s9], $0x8, s10, s9, $0xb8;
	[tilespmem:$0xB500] =	vst v63  }
0x2cc: {  	s9 =	sshll.u32 s19, $0x8  }
0x2cd: {  	s11 =	sadd.s32 s2, s9  }
0x2ce: {  	[hbm4b:s11+s3] =	stream.linear.scatter [tilespmem:s29], [sflag:$0x7], $0x800, $0x38;
	[tilespmem:$0xB500] =	vst v63  }
0x2cf: {  	s9 =	sand.u32 $0x1FFFFF00, s9  }
.Ltmp9:
0x2d0: {  	s9 =	sadd.s32 s6, s9;
	(pc) =	sbr.rel .LBB2_13-.Ltmp9, $4  }
0x2d1: {  	s10 =	sadd.s32 $0x4000, s9  }
0x2d2: {  	[tilespmem:s3], [sflag:$0x1] =	stream.linear.gather [hbm4b:s10+s3], $0x800, $0x38;
	[tilespmem:$0xB500] =	vst v63  }
0x2d3: {  	s9 =	sadd.s32 $0xC7500, s9  }
0x2d4: {  	[tilespmem:s17], [sflag:$0x1] =	stream.linear.gather [hbm4b:s9+s3], $0x800, $0x38;
	[tilespmem:$0xB500] =	vst v63  }
.LBB2_12:
.Ltmp10:
0x2d5: {  	(pc) =	sbr.rel @p1 .LBB2_22-.Ltmp10, $1  }
0x2d6: {  	_ =	sdelay $0x3  }
.LBB2_13:
0x2d7: {  	s9 =	sadd.s32 $0xFFFFFFE0, s19  }
0x2d8: {  	p1 =	sgt.u32 s9, $0xC34  }
0x2d9: {  	s9 =	simm.s32 @!p1 $0x8  }
0x2da: {  	s10 =	simm.s32 $0x0;
	_ =	swait.ge @!p1 [sflag:s9], $0x800  }
0x2db: {  	v1 =	vmov s10;
	[sflag:s9] =	ssyncset.done @!p1 $0x0  }
0x2dc: {  	v1 =	vshll.u32 v1, $0x3;
	[sflag:s9] =	ssyncadd.s32 @!p1 $0xFFFFF800  }
0x2dd: {  	v1 =	vor.u32 v0, v1;
	_ =	swait.ge [sflag:s24], $0x1000  }
0x2de: {  	v2 =	vor.u32 $0x1, v1;
	[sflag:s24] =	ssyncset.done $0x0  }
0x2df: {  	[sflag:s24] =	ssyncadd.s32 $0xFFFFF000  }
0x2e0: {  	_ =	swait.ge [sflag:s24], $0x1000  }
0x2e1: {  	[sflag:s24] =	ssyncset.done $0x0  }
0x2e2: {  	v3 =	vor.u32 $0x2, v1;
	[sflag:s24] =	ssyncadd.s32 $0xFFFFF000  }
0x2e3: {  	v4 =	vld.idx.msk [tilespmem:v2+s23+$0x0], $0xffff  }
0x2e4: {  	v2 =	vld.idx.msk [tilespmem:v2+s22+$0x0], $0xffff  }
0x2e5: {  	v5 =	vld.idx.msk [tilespmem:v1+s23+$0x0], $0xffff  }
0x2e6: {  	v6 =	vld.idx.msk [tilespmem:v1+s22+$0x0], $0xffff  }
0x2e7: {  	v7 =	vld.idx.msk [tilespmem:v3+s23+$0x0], $0xffff  }
0x2e8: {  	v3 =	vld.idx.msk [tilespmem:v3+s22+$0x0], $0xffff;
	_ =	sdelay $0x2  }
0x2e9: {  	v5 =	vsub.f32 v5, v6;
	v2 =	vsub.f32 v4, v2;
	_ =	sdelay $0x1  }
0x2ea: {  	v3 =	vsub.f32 v7, v3;
	v4 =	vmul.f32 v5, v5;
	v2 =	vmul.f32 v2, v2;
	_ =	sdelay $0x1  }
0x2eb: {  	v3 =	vmul.f32 v3, v3;
	v2 =	vadd.f32 v2, v4;
	_ =	sdelay $0x1  }
0x2ec: {  	v2 =	vadd.f32 v3, v2;
	_ =	sdelay $0x1  }
0x2ed: {  	v2 =	vadd.f32 $9.999999960e-13, v2;
	_ =	sdelay $0x1  }
0x2ee: {  	v3 =	vshrl.u32 v2, $0x1;
	v4 =	vmul.f32 $5.000000000e-01, v2  }
0x2ef: {  	v3 =	vsub.s32 $0x5F3759DF, v3  }
0x2f0: {  	v5 =	vmul.f32 v3, v4  }
0x2f1: {  	v1 =	vor.u32 $0x3, v1  }
0x2f2: {  	v5 =	vmul.f32 v3, v5;
	_ =	sdelay $0x1  }
0x2f3: {  	v5 =	vsub.f32 $1.500000000e+00, v5;
	_ =	sdelay $0x1  }
0x2f4: {  	v6 =	vld.idx.msk [tilespmem:v1+s22+$0x0], $0xffff;
	v3 =	vmul.f32 v3, v5;
	_ =	sdelay $0x1  }
0x2f5: {  	v1 =	vld.idx.msk [tilespmem:v1+s23+$0x0], $0xffff;
	v5 =	vmul.f32 v3, v4;
	_ =	sdelay $0x1  }
0x2f6: {  	v5 =	vmul.f32 v5, v3  }
0x2f7: {  	v6 =	vtrunc.f32 v6  }
0x2f8: {  	v6 =	vcvt.f32.s32 v6;
	v5 =	vsub.f32 $1.500000000e+00, v5  }
0x2f9: {  	v1 =	vtrunc.f32 v1  }
0x2fa: {  	v1 =	vcvt.f32.s32 v1;
	v6 =	vmul.u32 $0x19, v6;
	v3 =	vmul.f32 v5, v3;
	_ =	sdelay $0x1  }
0x2fb: {  	v1 =	vadd.s32 v1, v6;
	v4 =	vmul.f32 v3, v4;
	_ =	sdelay $0x1  }
0x2fc: {  	v4 =	vmul.f32 v4, v3;
	_ =	sdelay $0x1  }
0x2fd: {  	v4 =	vsub.f32 $1.500000000e+00, v4  }
0x2fe: {  	v5 =	vld.idx.msk [tilespmem:v1+s14+$0x0], $0xffff  }
0x2ff: {  	v3 =	vmul.f32 v4, v3  }
0x300: {  	v1 =	vld.idx.msk [tilespmem:v1+s16+$0x0], $0xffff  }
0x301: {  	s10 =	simm.s32 $0x10;
	v2 =	vmul.f32 v3, v2  }
0x302: {  	v3 =	vmov s10  }
0x303: {  	v3 =	vshll.u32 v3, $0x3;
	v2 =	vsub.f32 v2, v5  }
0x304: {  	v3 =	vor.u32 v0, v3  }
0x305: {  	v4 =	vor.u32 $0x1, v3;
	v1 =	vmul.f32 v2, v1;
	_ =	sdelay $0x1  }
0x306: {  	v1 =	vmul.f32 v1, v2  }
0x307: {  	s9 =	simm.s32 $0xA800  }
0x308: {  	v2 =	vor.u32 $0x2, v3;
	[tilespmem:s9+$0x0] =	vst v1  }
0x309: {  	v1 =	vld.idx.msk [tilespmem:v4+s23+$0x0], $0xffff  }
0x30a: {  	v4 =	vld.idx.msk [tilespmem:v4+s22+$0x0], $0xffff  }
0x30b: {  	v5 =	vld.idx.msk [tilespmem:v3+s23+$0x0], $0xffff  }
0x30c: {  	v6 =	vld.idx.msk [tilespmem:v3+s22+$0x0], $0xffff  }
0x30d: {  	v7 =	vld.idx.msk [tilespmem:v2+s23+$0x0], $0xffff  }
0x30e: {  	v2 =	vld.idx.msk [tilespmem:v2+s22+$0x0], $0xffff;
	_ =	sdelay $0x2  }
0x30f: {  	v5 =	vsub.f32 v5, v6;
	v1 =	vsub.f32 v1, v4;
	_ =	sdelay $0x1  }
0x310: {  	v2 =	vsub.f32 v7, v2;
	v4 =	vmul.f32 v5, v5;
	v1 =	vmul.f32 v1, v1;
	_ =	sdelay $0x1  }
0x311: {  	v1 =	vadd.f32 v1, v4;
	v2 =	vmul.f32 v2, v2;
	_ =	sdelay $0x1  }
0x312: {  	v1 =	vadd.f32 v2, v1;
	_ =	sdelay $0x1  }
0x313: {  	v1 =	vadd.f32 $9.999999960e-13, v1;
	_ =	sdelay $0x1  }
0x314: {  	v2 =	vshrl.u32 v1, $0x1;
	v4 =	vmul.f32 $5.000000000e-01, v1  }
0x315: {  	v2 =	vsub.s32 $0x5F3759DF, v2  }
0x316: {  	v5 =	vmul.f32 v2, v4  }
0x317: {  	v3 =	vor.u32 $0x3, v3  }
0x318: {  	v5 =	vmul.f32 v2, v5;
	_ =	sdelay $0x1  }
0x319: {  	v5 =	vsub.f32 $1.500000000e+00, v5;
	_ =	sdelay $0x1  }
0x31a: {  	v6 =	vld.idx.msk [tilespmem:v3+s22+$0x0], $0xffff;
	v2 =	vmul.f32 v2, v5;
	_ =	sdelay $0x1  }
0x31b: {  	v3 =	vld.idx.msk [tilespmem:v3+s23+$0x0], $0xffff;
	v5 =	vmul.f32 v2, v4;
	_ =	sdelay $0x1  }
0x31c: {  	v5 =	vmul.f32 v5, v2  }
0x31d: {  	v6 =	vtrunc.f32 v6  }
0x31e: {  	v6 =	vcvt.f32.s32 v6;
	v5 =	vsub.f32 $1.500000000e+00, v5  }
0x31f: {  	v3 =	vtrunc.f32 v3  }
0x320: {  	v3 =	vcvt.f32.s32 v3;
	v6 =	vmul.u32 $0x19, v6;
	v2 =	vmul.f32 v5, v2;
	_ =	sdelay $0x1  }
0x321: {  	v3 =	vadd.s32 v3, v6;
	v4 =	vmul.f32 v2, v4;
	_ =	sdelay $0x1  }
0x322: {  	v4 =	vmul.f32 v4, v2;
	_ =	sdelay $0x1  }
0x323: {  	v4 =	vsub.f32 $1.500000000e+00, v4  }
0x324: {  	v5 =	vld.idx.msk [tilespmem:v3+s14+$0x0], $0xffff  }
0x325: {  	v2 =	vmul.f32 v4, v2  }
0x326: {  	v4 =	vld.idx.msk [tilespmem:v3+s16+$0x0], $0xffff  }
0x327: {  	s11 =	simm.s32 $0x20;
	v1 =	vmul.f32 v2, v1  }
0x328: {  	v2 =	vmov s11  }
0x329: {  	v2 =	vshll.u32 v2, $0x3;
	v3 =	vsub.f32 v1, v5  }
0x32a: {  	v1 =	vor.u32 v0, v2  }
0x32b: {  	s10 =	simm.s32 $0x30;
	v2 =	vor.u32 $0x1, v1;
	v4 =	vmul.f32 v3, v4  }
.LBB2_14:
0x32c: {  	p1 =	sne.s32 s10, $0x1F0  }
0x32d: {  	v3 =	vmul.f32 v4, v3  }
0x32e: {  	s9 =	sadd.s32 $0x10, s9  }
0x32f: {  	v4 =	vor.u32 $0x2, v1;
	[tilespmem:s9+$0x0] =	vst v3  }
0x330: {  	v3 =	vld.idx.msk [tilespmem:v2+s23+$0x0], $0xffff  }
0x331: {  	v2 =	vld.idx.msk [tilespmem:v2+s22+$0x0], $0xffff  }
0x332: {  	v5 =	vld.idx.msk [tilespmem:v1+s23+$0x0], $0xffff  }
0x333: {  	v6 =	vld.idx.msk [tilespmem:v1+s22+$0x0], $0xffff  }
0x334: {  	v7 =	vld.idx.msk [tilespmem:v4+s23+$0x0], $0xffff  }
0x335: {  	v4 =	vld.idx.msk [tilespmem:v4+s22+$0x0], $0xffff;
	_ =	sdelay $0x3  }
0x336: {  	v2 =	vsub.f32 v3, v2;
	v5 =	vsub.f32 v5, v6;
	_ =	sdelay $0x1  }
0x337: {  	v2 =	vmul.f32 v2, v2;
	v3 =	vsub.f32 v7, v4;
	v4 =	vmul.f32 v5, v5;
	_ =	sdelay $0x1  }
0x338: {  	v2 =	vadd.f32 v2, v4;
	v3 =	vmul.f32 v3, v3;
	_ =	sdelay $0x1  }
0x339: {  	v2 =	vadd.f32 v3, v2;
	_ =	sdelay $0x1  }
0x33a: {  	v2 =	vadd.f32 $9.999999960e-13, v2;
	_ =	sdelay $0x1  }
0x33b: {  	v3 =	vshrl.u32 v2, $0x1;
	v4 =	vmul.f32 $5.000000000e-01, v2  }
0x33c: {  	v1 =	vor.u32 $0x3, v1;
	v3 =	vsub.s32 $0x5F3759DF, v3  }
0x33d: {  	v5 =	vmul.f32 v3, v4;
	_ =	sdelay $0x1  }
0x33e: {  	v5 =	vmul.f32 v3, v5;
	_ =	sdelay $0x1  }
0x33f: {  	v5 =	vsub.f32 $1.500000000e+00, v5;
	v6 =	vld.idx.msk [tilespmem:v1+s22+$0x0], $0xffff;
	_ =	sdelay $0x1  }
0x340: {  	v3 =	vmul.f32 v3, v5;
	v1 =	vld.idx.msk [tilespmem:v1+s23+$0x0], $0xffff;
	_ =	sdelay $0x1  }
0x341: {  	v5 =	vmul.f32 v3, v4;
	_ =	sdelay $0x1  }
0x342: {  	v5 =	vmul.f32 v5, v3;
	v6 =	vtrunc.f32 v6  }
0x343: {  	v6 =	vcvt.f32.s32 v6  }
0x344: {  	v5 =	vsub.f32 $1.500000000e+00, v5;
	v1 =	vtrunc.f32 v1  }
0x345: {  	v1 =	vcvt.f32.s32 v1;
	v6 =	vmul.u32 $0x19, v6  }
0x346: {  	v3 =	vmul.f32 v5, v3  }
0x347: {  	v1 =	vadd.s32 v1, v6  }
0x348: {  	v4 =	vmul.f32 v3, v4;
	_ =	sdelay $0x1  }
0x349: {  	v4 =	vmul.f32 v4, v3;
	_ =	sdelay $0x1  }
0x34a: {  	v4 =	vsub.f32 $1.500000000e+00, v4;
	v5 =	vld.idx.msk [tilespmem:v1+s14+$0x0], $0xffff;
	_ =	sdelay $0x1  }
0x34b: {  	v3 =	vmul.f32 v4, v3;
	v4 =	vld.idx.msk [tilespmem:v1+s16+$0x0], $0xffff;
	_ =	sdelay $0x1  }
.Ltmp11:
0x34c: {  	v1 =	vmul.f32 v3, v2;
	(pc) =	sbr.rel @p1 .LBB2_14-.Ltmp11, $4  }
0x34d: {  	v2 =	vmov s10  }
0x34e: {  	v2 =	vshll.u32 v2, $0x3;
	v3 =	vsub.f32 v1, v5  }
0x34f: {  	v1 =	vor.u32 v0, v2  }
0x350: {  	s10 =	sadd.s32 $0x10, s10;
	v2 =	vor.u32 $0x1, v1;
	v4 =	vmul.f32 v3, v4  }
0x351: {  	_ = 	snop  }
0x352: {  	v3 =	vmul.f32 v4, v3  }
0x353: {  	s9 =	sadd.s32 $0x10, s9  }
0x354: {  	v4 =	vor.u32 $0x2, v1;
	[tilespmem:s9+$0x0] =	vst v3  }
0x355: {  	v3 =	vld.idx.msk [tilespmem:v2+s23+$0x0], $0xffff  }
0x356: {  	v2 =	vld.idx.msk [tilespmem:v2+s22+$0x0], $0xffff  }
0x357: {  	v5 =	vld.idx.msk [tilespmem:v1+s23+$0x0], $0xffff  }
0x358: {  	v6 =	vld.idx.msk [tilespmem:v1+s22+$0x0], $0xffff  }
0x359: {  	v7 =	vld.idx.msk [tilespmem:v4+s23+$0x0], $0xffff  }
0x35a: {  	v4 =	vld.idx.msk [tilespmem:v4+s22+$0x0], $0xffff;
	_ =	sdelay $0x2  }
0x35b: {  	v5 =	vsub.f32 v5, v6;
	v2 =	vsub.f32 v3, v2;
	_ =	sdelay $0x1  }
0x35c: {  	v3 =	vsub.f32 v7, v4;
	v4 =	vmul.f32 v5, v5;
	v2 =	vmul.f32 v2, v2;
	_ =	sdelay $0x1  }
0x35d: {  	v2 =	vadd.f32 v2, v4;
	v3 =	vmul.f32 v3, v3;
	_ =	sdelay $0x1  }
0x35e: {  	v2 =	vadd.f32 v3, v2;
	_ =	sdelay $0x1  }
0x35f: {  	v2 =	vadd.f32 $9.999999960e-13, v2;
	_ =	sdelay $0x1  }
0x360: {  	v3 =	vshrl.u32 v2, $0x1;
	v4 =	vmul.f32 $5.000000000e-01, v2  }
0x361: {  	v3 =	vsub.s32 $0x5F3759DF, v3  }
0x362: {  	v5 =	vmul.f32 v3, v4  }
0x363: {  	v1 =	vor.u32 $0x3, v1  }
0x364: {  	v5 =	vmul.f32 v3, v5;
	_ =	sdelay $0x1  }
0x365: {  	v5 =	vsub.f32 $1.500000000e+00, v5;
	_ =	sdelay $0x1  }
0x366: {  	v6 =	vld.idx.msk [tilespmem:v1+s22+$0x0], $0xffff;
	v3 =	vmul.f32 v3, v5;
	_ =	sdelay $0x1  }
0x367: {  	v1 =	vld.idx.msk [tilespmem:v1+s23+$0x0], $0xffff;
	v5 =	vmul.f32 v3, v4;
	_ =	sdelay $0x1  }
0x368: {  	v5 =	vmul.f32 v5, v3  }
0x369: {  	v6 =	vtrunc.f32 v6  }
0x36a: {  	v6 =	vcvt.f32.s32 v6;
	v5 =	vsub.f32 $1.500000000e+00, v5  }
0x36b: {  	v1 =	vtrunc.f32 v1  }
0x36c: {  	v1 =	vcvt.f32.s32 v1;
	v6 =	vmul.u32 $0x19, v6;
	v3 =	vmul.f32 v5, v3;
	_ =	sdelay $0x1  }
0x36d: {  	v1 =	vadd.s32 v1, v6;
	v4 =	vmul.f32 v3, v4;
	_ =	sdelay $0x1  }
0x36e: {  	v4 =	vmul.f32 v4, v3;
	_ =	sdelay $0x1  }
0x36f: {  	v4 =	vsub.f32 $1.500000000e+00, v4  }
0x370: {  	v5 =	vld.idx.msk [tilespmem:v1+s14+$0x0], $0xffff  }
0x371: {  	v3 =	vmul.f32 v4, v3  }
0x372: {  	v1 =	vld.idx.msk [tilespmem:v1+s16+$0x0], $0xffff  }
0x373: {  	v2 =	vmul.f32 v3, v2;
	_ =	sdelay $0x1  }
0x374: {  	v2 =	vsub.f32 v2, v5;
	_ =	sdelay $0x1  }
0x375: {  	v1 =	vmul.f32 v2, v1;
	_ =	sdelay $0x1  }
0x376: {  	v1 =	vmul.f32 v1, v2  }
0x377: {  	s9 =	sadd.s32 $0x10, s9  }
0x378: {  	[tilespmem:s9+$0x0] =	vst v1;
	s9 =	simm.s32 @!p0 $0x1  }
0x379: {  	_ =	swait.ge @!p0 [sflag:s9], $0x800  }
0x37a: {  	[sflag:s9] =	ssyncset.done @!p0 $0x0  }
0x37b: {  	[sflag:s9] =	ssyncadd.s32 @!p0 $0xFFFFF800  }
0x37c: {  	_ =	swait.ge @!p0 [sflag:s9], $0x800  }
0x37d: {  	s10 =	simm.s32 @!p0 $0x0;
	[sflag:s9] =	ssyncset.done @!p0 $0x0  }
0x37e: {  	s11 =	simm.s32 @!p0 $0x2000;
	[sflag:s9] =	ssyncadd.s32 @!p0 $0xFFFFF800;
	s9 =	simm.s32 @!p0 $0x200  }
0x37f: {  	[tilespmem:s11], [sflag:$0x3] =	stream.indirect.gather @!p0 [hbm4b:s4+s9], $0x8, s10, s9, $0xb8;
	[tilespmem:$0xB500] =	vst v63  }
0x380: {  	s10 =	simm.s32 $0x200  }
0x381: {  	s11 =	simm.s32 @!p0 $0x1000;
	v1 =	vmov s10;
	s10 =	simm.s32 @!p0 $0x6000  }
0x382: {  	[tilespmem:s10], [sflag:$0x3] =	stream.indirect.gather @!p0 [hbm4b:s4+s9], $0x8, s11, s9, $0xb8;
	v1 =	vshll.u32 v1, $0x3;
	[tilespmem:$0xB500] =	vst v63  }
0x383: {  	_ =	swait.ge [sflag:s25], $0x1000;
	v1 =	vor.u32 v0, v1  }
0x384: {  	[sflag:s25] =	ssyncset.done $0x0;
	v2 =	vor.u32 $0x1, v1  }
0x385: {  	[sflag:s25] =	ssyncadd.s32 $0xFFFFF000  }
0x386: {  	_ =	swait.ge [sflag:s25], $0x1000  }
0x387: {  	[sflag:s25] =	ssyncset.done $0x0  }
0x388: {  	v3 =	vor.u32 $0x2, v1;
	[sflag:s25] =	ssyncadd.s32 $0xFFFFF000  }
0x389: {  	v4 =	vld.idx.msk [tilespmem:v2+s23+$0x0], $0xffff  }
0x38a: {  	v2 =	vld.idx.msk [tilespmem:v2+s22+$0x0], $0xffff  }
0x38b: {  	v5 =	vld.idx.msk [tilespmem:v1+s23+$0x0], $0xffff  }
0x38c: {  	v6 =	vld.idx.msk [tilespmem:v1+s22+$0x0], $0xffff  }
0x38d: {  	v7 =	vld.idx.msk [tilespmem:v3+s23+$0x0], $0xffff  }
0x38e: {  	v3 =	vld.idx.msk [tilespmem:v3+s22+$0x0], $0xffff;
	_ =	sdelay $0x2  }
0x38f: {  	v5 =	vsub.f32 v5, v6;
	v2 =	vsub.f32 v4, v2;
	_ =	sdelay $0x1  }
0x390: {  	v3 =	vsub.f32 v7, v3;
	v4 =	vmul.f32 v5, v5;
	v2 =	vmul.f32 v2, v2;
	_ =	sdelay $0x1  }
0x391: {  	v3 =	vmul.f32 v3, v3;
	v2 =	vadd.f32 v2, v4;
	_ =	sdelay $0x1  }
0x392: {  	v2 =	vadd.f32 v3, v2;
	_ =	sdelay $0x1  }
0x393: {  	v2 =	vadd.f32 $9.999999960e-13, v2;
	_ =	sdelay $0x1  }
0x394: {  	v3 =	vshrl.u32 v2, $0x1;
	v4 =	vmul.f32 $5.000000000e-01, v2  }
0x395: {  	v3 =	vsub.s32 $0x5F3759DF, v3  }
0x396: {  	v5 =	vmul.f32 v3, v4  }
0x397: {  	v1 =	vor.u32 $0x3, v1  }
0x398: {  	v5 =	vmul.f32 v3, v5;
	_ =	sdelay $0x1  }
0x399: {  	v5 =	vsub.f32 $1.500000000e+00, v5;
	_ =	sdelay $0x1  }
0x39a: {  	v6 =	vld.idx.msk [tilespmem:v1+s22+$0x0], $0xffff;
	v3 =	vmul.f32 v3, v5;
	_ =	sdelay $0x1  }
0x39b: {  	v1 =	vld.idx.msk [tilespmem:v1+s23+$0x0], $0xffff;
	v5 =	vmul.f32 v3, v4;
	_ =	sdelay $0x1  }
0x39c: {  	v5 =	vmul.f32 v5, v3  }
0x39d: {  	v6 =	vtrunc.f32 v6  }
0x39e: {  	v6 =	vcvt.f32.s32 v6;
	v5 =	vsub.f32 $1.500000000e+00, v5  }
0x39f: {  	v1 =	vtrunc.f32 v1  }
0x3a0: {  	v1 =	vcvt.f32.s32 v1;
	v6 =	vmul.u32 $0x19, v6;
	v3 =	vmul.f32 v5, v3;
	_ =	sdelay $0x1  }
0x3a1: {  	v1 =	vadd.s32 v1, v6;
	v4 =	vmul.f32 v3, v4;
	_ =	sdelay $0x1  }
0x3a2: {  	v4 =	vmul.f32 v4, v3;
	_ =	sdelay $0x1  }
0x3a3: {  	v4 =	vsub.f32 $1.500000000e+00, v4  }
0x3a4: {  	v5 =	vld.idx.msk [tilespmem:v1+s14+$0x0], $0xffff  }
0x3a5: {  	v3 =	vmul.f32 v4, v3  }
0x3a6: {  	v1 =	vld.idx.msk [tilespmem:v1+s16+$0x0], $0xffff  }
0x3a7: {  	s10 =	simm.s32 $0x210;
	v2 =	vmul.f32 v3, v2  }
0x3a8: {  	v3 =	vmov s10  }
0x3a9: {  	v3 =	vshll.u32 v3, $0x3;
	v2 =	vsub.f32 v2, v5  }
0x3aa: {  	v3 =	vor.u32 v0, v3  }
0x3ab: {  	v4 =	vor.u32 $0x1, v3;
	v1 =	vmul.f32 v2, v1;
	_ =	sdelay $0x1  }
0x3ac: {  	v1 =	vmul.f32 v1, v2  }
0x3ad: {  	s9 =	simm.s32 $0xAA00  }
0x3ae: {  	v2 =	vor.u32 $0x2, v3;
	[tilespmem:s9+$0x0] =	vst v1  }
0x3af: {  	v1 =	vld.idx.msk [tilespmem:v4+s23+$0x0], $0xffff  }
0x3b0: {  	v4 =	vld.idx.msk [tilespmem:v4+s22+$0x0], $0xffff  }
0x3b1: {  	v5 =	vld.idx.msk [tilespmem:v3+s23+$0x0], $0xffff  }
0x3b2: {  	v6 =	vld.idx.msk [tilespmem:v3+s22+$0x0], $0xffff  }
0x3b3: {  	v7 =	vld.idx.msk [tilespmem:v2+s23+$0x0], $0xffff  }
0x3b4: {  	v2 =	vld.idx.msk [tilespmem:v2+s22+$0x0], $0xffff;
	_ =	sdelay $0x2  }
0x3b5: {  	v5 =	vsub.f32 v5, v6;
	v1 =	vsub.f32 v1, v4;
	_ =	sdelay $0x1  }
0x3b6: {  	v2 =	vsub.f32 v7, v2;
	v4 =	vmul.f32 v5, v5;
	v1 =	vmul.f32 v1, v1;
	_ =	sdelay $0x1  }
0x3b7: {  	v1 =	vadd.f32 v1, v4;
	v2 =	vmul.f32 v2, v2;
	_ =	sdelay $0x1  }
0x3b8: {  	v1 =	vadd.f32 v2, v1;
	_ =	sdelay $0x1  }
0x3b9: {  	v1 =	vadd.f32 $9.999999960e-13, v1;
	_ =	sdelay $0x1  }
0x3ba: {  	v2 =	vshrl.u32 v1, $0x1;
	v4 =	vmul.f32 $5.000000000e-01, v1  }
0x3bb: {  	v2 =	vsub.s32 $0x5F3759DF, v2  }
0x3bc: {  	v5 =	vmul.f32 v2, v4  }
0x3bd: {  	v3 =	vor.u32 $0x3, v3  }
0x3be: {  	v5 =	vmul.f32 v2, v5;
	_ =	sdelay $0x1  }
0x3bf: {  	v5 =	vsub.f32 $1.500000000e+00, v5;
	_ =	sdelay $0x1  }
0x3c0: {  	v6 =	vld.idx.msk [tilespmem:v3+s22+$0x0], $0xffff;
	v2 =	vmul.f32 v2, v5;
	_ =	sdelay $0x1  }
0x3c1: {  	v3 =	vld.idx.msk [tilespmem:v3+s23+$0x0], $0xffff;
	v5 =	vmul.f32 v2, v4;
	_ =	sdelay $0x1  }
0x3c2: {  	v5 =	vmul.f32 v5, v2  }
0x3c3: {  	v6 =	vtrunc.f32 v6  }
0x3c4: {  	v6 =	vcvt.f32.s32 v6;
	v5 =	vsub.f32 $1.500000000e+00, v5  }
0x3c5: {  	v3 =	vtrunc.f32 v3  }
0x3c6: {  	v3 =	vcvt.f32.s32 v3;
	v6 =	vmul.u32 $0x19, v6;
	v2 =	vmul.f32 v5, v2;
	_ =	sdelay $0x1  }
0x3c7: {  	v3 =	vadd.s32 v3, v6;
	v4 =	vmul.f32 v2, v4;
	_ =	sdelay $0x1  }
0x3c8: {  	v4 =	vmul.f32 v4, v2;
	_ =	sdelay $0x1  }
0x3c9: {  	v4 =	vsub.f32 $1.500000000e+00, v4  }
0x3ca: {  	v5 =	vld.idx.msk [tilespmem:v3+s14+$0x0], $0xffff  }
0x3cb: {  	v2 =	vmul.f32 v4, v2  }
0x3cc: {  	v4 =	vld.idx.msk [tilespmem:v3+s16+$0x0], $0xffff  }
0x3cd: {  	s11 =	simm.s32 $0x220;
	v1 =	vmul.f32 v2, v1  }
0x3ce: {  	v2 =	vmov s11  }
0x3cf: {  	v2 =	vshll.u32 v2, $0x3;
	v3 =	vsub.f32 v1, v5  }
0x3d0: {  	v1 =	vor.u32 v0, v2  }
0x3d1: {  	s10 =	simm.s32 $0x230;
	v2 =	vor.u32 $0x1, v1;
	v4 =	vmul.f32 v3, v4  }
.LBB2_16:
0x3d2: {  	p1 =	sne.s32 s10, $0x3F0  }
0x3d3: {  	v3 =	vmul.f32 v4, v3  }
0x3d4: {  	s9 =	sadd.s32 $0x10, s9  }
0x3d5: {  	v4 =	vor.u32 $0x2, v1;
	[tilespmem:s9+$0x0] =	vst v3  }
0x3d6: {  	v3 =	vld.idx.msk [tilespmem:v2+s23+$0x0], $0xffff  }
0x3d7: {  	v2 =	vld.idx.msk [tilespmem:v2+s22+$0x0], $0xffff  }
0x3d8: {  	v5 =	vld.idx.msk [tilespmem:v1+s23+$0x0], $0xffff  }
0x3d9: {  	v6 =	vld.idx.msk [tilespmem:v1+s22+$0x0], $0xffff  }
0x3da: {  	v7 =	vld.idx.msk [tilespmem:v4+s23+$0x0], $0xffff  }
0x3db: {  	v4 =	vld.idx.msk [tilespmem:v4+s22+$0x0], $0xffff;
	_ =	sdelay $0x3  }
0x3dc: {  	v2 =	vsub.f32 v3, v2;
	v5 =	vsub.f32 v5, v6;
	_ =	sdelay $0x1  }
0x3dd: {  	v2 =	vmul.f32 v2, v2;
	v3 =	vsub.f32 v7, v4;
	v4 =	vmul.f32 v5, v5;
	_ =	sdelay $0x1  }
0x3de: {  	v2 =	vadd.f32 v2, v4;
	v3 =	vmul.f32 v3, v3;
	_ =	sdelay $0x1  }
0x3df: {  	v2 =	vadd.f32 v3, v2;
	_ =	sdelay $0x1  }
0x3e0: {  	v2 =	vadd.f32 $9.999999960e-13, v2;
	_ =	sdelay $0x1  }
0x3e1: {  	v3 =	vshrl.u32 v2, $0x1;
	v4 =	vmul.f32 $5.000000000e-01, v2  }
0x3e2: {  	v1 =	vor.u32 $0x3, v1;
	v3 =	vsub.s32 $0x5F3759DF, v3  }
0x3e3: {  	v5 =	vmul.f32 v3, v4;
	_ =	sdelay $0x1  }
0x3e4: {  	v5 =	vmul.f32 v3, v5;
	_ =	sdelay $0x1  }
0x3e5: {  	v5 =	vsub.f32 $1.500000000e+00, v5;
	v6 =	vld.idx.msk [tilespmem:v1+s22+$0x0], $0xffff;
	_ =	sdelay $0x1  }
0x3e6: {  	v3 =	vmul.f32 v3, v5;
	v1 =	vld.idx.msk [tilespmem:v1+s23+$0x0], $0xffff;
	_ =	sdelay $0x1  }
0x3e7: {  	v5 =	vmul.f32 v3, v4;
	_ =	sdelay $0x1  }
0x3e8: {  	v5 =	vmul.f32 v5, v3;
	v6 =	vtrunc.f32 v6  }
0x3e9: {  	v6 =	vcvt.f32.s32 v6  }
0x3ea: {  	v5 =	vsub.f32 $1.500000000e+00, v5;
	v1 =	vtrunc.f32 v1  }
0x3eb: {  	v1 =	vcvt.f32.s32 v1;
	v6 =	vmul.u32 $0x19, v6  }
0x3ec: {  	v3 =	vmul.f32 v5, v3  }
0x3ed: {  	v1 =	vadd.s32 v1, v6  }
0x3ee: {  	v4 =	vmul.f32 v3, v4;
	_ =	sdelay $0x1  }
0x3ef: {  	v4 =	vmul.f32 v4, v3;
	_ =	sdelay $0x1  }
0x3f0: {  	v4 =	vsub.f32 $1.500000000e+00, v4;
	v5 =	vld.idx.msk [tilespmem:v1+s14+$0x0], $0xffff;
	_ =	sdelay $0x1  }
0x3f1: {  	v3 =	vmul.f32 v4, v3;
	v4 =	vld.idx.msk [tilespmem:v1+s16+$0x0], $0xffff;
	_ =	sdelay $0x1  }
.Ltmp12:
0x3f2: {  	v1 =	vmul.f32 v3, v2;
	(pc) =	sbr.rel @p1 .LBB2_16-.Ltmp12, $4  }
0x3f3: {  	v2 =	vmov s10  }
0x3f4: {  	v2 =	vshll.u32 v2, $0x3;
	v3 =	vsub.f32 v1, v5  }
0x3f5: {  	v1 =	vor.u32 v0, v2  }
0x3f6: {  	s10 =	sadd.s32 $0x10, s10;
	v2 =	vor.u32 $0x1, v1;
	v4 =	vmul.f32 v3, v4  }
0x3f7: {  	_ = 	snop  }
0x3f8: {  	v3 =	vmul.f32 v4, v3  }
0x3f9: {  	s9 =	sadd.s32 $0x10, s9  }
0x3fa: {  	v4 =	vor.u32 $0x2, v1;
	[tilespmem:s9+$0x0] =	vst v3  }
0x3fb: {  	v3 =	vld.idx.msk [tilespmem:v2+s23+$0x0], $0xffff  }
0x3fc: {  	v2 =	vld.idx.msk [tilespmem:v2+s22+$0x0], $0xffff  }
0x3fd: {  	v5 =	vld.idx.msk [tilespmem:v1+s23+$0x0], $0xffff  }
0x3fe: {  	v6 =	vld.idx.msk [tilespmem:v1+s22+$0x0], $0xffff  }
0x3ff: {  	v7 =	vld.idx.msk [tilespmem:v4+s23+$0x0], $0xffff  }
0x400: {  	v4 =	vld.idx.msk [tilespmem:v4+s22+$0x0], $0xffff;
	_ =	sdelay $0x2  }
0x401: {  	v5 =	vsub.f32 v5, v6;
	v2 =	vsub.f32 v3, v2;
	_ =	sdelay $0x1  }
0x402: {  	v3 =	vsub.f32 v7, v4;
	v4 =	vmul.f32 v5, v5;
	v2 =	vmul.f32 v2, v2;
	_ =	sdelay $0x1  }
0x403: {  	v2 =	vadd.f32 v2, v4;
	v3 =	vmul.f32 v3, v3;
	_ =	sdelay $0x1  }
0x404: {  	v2 =	vadd.f32 v3, v2;
	_ =	sdelay $0x1  }
0x405: {  	v2 =	vadd.f32 $9.999999960e-13, v2;
	_ =	sdelay $0x1  }
0x406: {  	v3 =	vshrl.u32 v2, $0x1;
	v4 =	vmul.f32 $5.000000000e-01, v2  }
0x407: {  	v3 =	vsub.s32 $0x5F3759DF, v3  }
0x408: {  	v5 =	vmul.f32 v3, v4  }
0x409: {  	v1 =	vor.u32 $0x3, v1  }
0x40a: {  	v5 =	vmul.f32 v3, v5;
	_ =	sdelay $0x1  }
0x40b: {  	v5 =	vsub.f32 $1.500000000e+00, v5;
	_ =	sdelay $0x1  }
0x40c: {  	v6 =	vld.idx.msk [tilespmem:v1+s22+$0x0], $0xffff;
	v3 =	vmul.f32 v3, v5;
	_ =	sdelay $0x1  }
0x40d: {  	v1 =	vld.idx.msk [tilespmem:v1+s23+$0x0], $0xffff;
	v5 =	vmul.f32 v3, v4;
	_ =	sdelay $0x1  }
0x40e: {  	v5 =	vmul.f32 v5, v3  }
0x40f: {  	v6 =	vtrunc.f32 v6  }
0x410: {  	v6 =	vcvt.f32.s32 v6;
	v5 =	vsub.f32 $1.500000000e+00, v5  }
0x411: {  	v1 =	vtrunc.f32 v1  }
0x412: {  	v1 =	vcvt.f32.s32 v1;
	v6 =	vmul.u32 $0x19, v6;
	v3 =	vmul.f32 v5, v3;
	_ =	sdelay $0x1  }
0x413: {  	v1 =	vadd.s32 v1, v6;
	v4 =	vmul.f32 v3, v4;
	_ =	sdelay $0x1  }
0x414: {  	v4 =	vmul.f32 v4, v3;
	_ =	sdelay $0x1  }
0x415: {  	v4 =	vsub.f32 $1.500000000e+00, v4  }
0x416: {  	v5 =	vld.idx.msk [tilespmem:v1+s14+$0x0], $0xffff  }
0x417: {  	v3 =	vmul.f32 v4, v3  }
0x418: {  	v1 =	vld.idx.msk [tilespmem:v1+s16+$0x0], $0xffff  }
0x419: {  	v2 =	vmul.f32 v3, v2;
	_ =	sdelay $0x1  }
0x41a: {  	v2 =	vsub.f32 v2, v5;
	_ =	sdelay $0x1  }
0x41b: {  	v1 =	vmul.f32 v2, v1;
	_ =	sdelay $0x1  }
0x41c: {  	v1 =	vmul.f32 v1, v2  }
0x41d: {  	s9 =	sadd.s32 $0x10, s9  }
0x41e: {  	s10 =	simm.s32 @!p0 $0x3000;
	[tilespmem:s9+$0x0] =	vst v1;
	s9 =	simm.s32 @!p0 $0x200  }
0x41f: {  	[tilespmem:s10], [sflag:$0x4] =	stream.indirect.gather @!p0 [hbm4b:s4+s9], $0x8, s9, s9, $0xb8;
	[tilespmem:$0xB500] =	vst v63  }
0x420: {  	s10 =	simm.s32 $0x400  }
0x421: {  	s11 =	simm.s32 @!p0 $0x1200;
	v1 =	vmov s10;
	s10 =	simm.s32 @!p0 $0x7000  }
0x422: {  	[tilespmem:s10], [sflag:$0x4] =	stream.indirect.gather @!p0 [hbm4b:s4+s9], $0x8, s11, s9, $0xb8;
	v1 =	vshll.u32 v1, $0x3;
	[tilespmem:$0xB500] =	vst v63  }
0x423: {  	_ =	swait.ge [sflag:s26], $0x1000;
	v1 =	vor.u32 v0, v1  }
0x424: {  	[sflag:s26] =	ssyncset.done $0x0;
	v2 =	vor.u32 $0x1, v1  }
0x425: {  	[sflag:s26] =	ssyncadd.s32 $0xFFFFF000  }
0x426: {  	_ =	swait.ge [sflag:s26], $0x1000  }
0x427: {  	[sflag:s26] =	ssyncset.done $0x0  }
0x428: {  	v3 =	vor.u32 $0x2, v1;
	[sflag:s26] =	ssyncadd.s32 $0xFFFFF000  }
0x429: {  	v4 =	vld.idx.msk [tilespmem:v2+s23+$0x0], $0xffff  }
0x42a: {  	v2 =	vld.idx.msk [tilespmem:v2+s22+$0x0], $0xffff  }
0x42b: {  	v5 =	vld.idx.msk [tilespmem:v1+s23+$0x0], $0xffff  }
0x42c: {  	v6 =	vld.idx.msk [tilespmem:v1+s22+$0x0], $0xffff  }
0x42d: {  	v7 =	vld.idx.msk [tilespmem:v3+s23+$0x0], $0xffff  }
0x42e: {  	v3 =	vld.idx.msk [tilespmem:v3+s22+$0x0], $0xffff;
	_ =	sdelay $0x2  }
0x42f: {  	v5 =	vsub.f32 v5, v6;
	v2 =	vsub.f32 v4, v2;
	_ =	sdelay $0x1  }
0x430: {  	v3 =	vsub.f32 v7, v3;
	v4 =	vmul.f32 v5, v5;
	v2 =	vmul.f32 v2, v2;
	_ =	sdelay $0x1  }
0x431: {  	v3 =	vmul.f32 v3, v3;
	v2 =	vadd.f32 v2, v4;
	_ =	sdelay $0x1  }
0x432: {  	v2 =	vadd.f32 v3, v2;
	_ =	sdelay $0x1  }
0x433: {  	v2 =	vadd.f32 $9.999999960e-13, v2;
	_ =	sdelay $0x1  }
0x434: {  	v3 =	vshrl.u32 v2, $0x1;
	v4 =	vmul.f32 $5.000000000e-01, v2  }
0x435: {  	v3 =	vsub.s32 $0x5F3759DF, v3  }
0x436: {  	v5 =	vmul.f32 v3, v4  }
0x437: {  	v1 =	vor.u32 $0x3, v1  }
0x438: {  	v5 =	vmul.f32 v3, v5;
	_ =	sdelay $0x1  }
0x439: {  	v5 =	vsub.f32 $1.500000000e+00, v5;
	_ =	sdelay $0x1  }
0x43a: {  	v6 =	vld.idx.msk [tilespmem:v1+s22+$0x0], $0xffff;
	v3 =	vmul.f32 v3, v5;
	_ =	sdelay $0x1  }
0x43b: {  	v1 =	vld.idx.msk [tilespmem:v1+s23+$0x0], $0xffff;
	v5 =	vmul.f32 v3, v4;
	_ =	sdelay $0x1  }
0x43c: {  	v5 =	vmul.f32 v5, v3  }
0x43d: {  	v6 =	vtrunc.f32 v6  }
0x43e: {  	v6 =	vcvt.f32.s32 v6;
	v5 =	vsub.f32 $1.500000000e+00, v5  }
0x43f: {  	v1 =	vtrunc.f32 v1  }
0x440: {  	v1 =	vcvt.f32.s32 v1;
	v6 =	vmul.u32 $0x19, v6;
	v3 =	vmul.f32 v5, v3;
	_ =	sdelay $0x1  }
0x441: {  	v1 =	vadd.s32 v1, v6;
	v4 =	vmul.f32 v3, v4;
	_ =	sdelay $0x1  }
0x442: {  	v4 =	vmul.f32 v4, v3;
	_ =	sdelay $0x1  }
0x443: {  	v4 =	vsub.f32 $1.500000000e+00, v4  }
0x444: {  	v5 =	vld.idx.msk [tilespmem:v1+s14+$0x0], $0xffff  }
0x445: {  	v3 =	vmul.f32 v4, v3  }
0x446: {  	v1 =	vld.idx.msk [tilespmem:v1+s16+$0x0], $0xffff  }
0x447: {  	s10 =	simm.s32 $0x410;
	v2 =	vmul.f32 v3, v2  }
0x448: {  	v3 =	vmov s10  }
0x449: {  	v3 =	vshll.u32 v3, $0x3;
	v2 =	vsub.f32 v2, v5  }
0x44a: {  	v3 =	vor.u32 v0, v3  }
0x44b: {  	v4 =	vor.u32 $0x1, v3;
	v1 =	vmul.f32 v2, v1;
	_ =	sdelay $0x1  }
0x44c: {  	v1 =	vmul.f32 v1, v2  }
0x44d: {  	s9 =	simm.s32 $0xAC00  }
0x44e: {  	v2 =	vor.u32 $0x2, v3;
	[tilespmem:s9+$0x0] =	vst v1  }
0x44f: {  	v1 =	vld.idx.msk [tilespmem:v4+s23+$0x0], $0xffff  }
0x450: {  	v4 =	vld.idx.msk [tilespmem:v4+s22+$0x0], $0xffff  }
0x451: {  	v5 =	vld.idx.msk [tilespmem:v3+s23+$0x0], $0xffff  }
0x452: {  	v6 =	vld.idx.msk [tilespmem:v3+s22+$0x0], $0xffff  }
0x453: {  	v7 =	vld.idx.msk [tilespmem:v2+s23+$0x0], $0xffff  }
0x454: {  	v2 =	vld.idx.msk [tilespmem:v2+s22+$0x0], $0xffff;
	_ =	sdelay $0x2  }
0x455: {  	v5 =	vsub.f32 v5, v6;
	v1 =	vsub.f32 v1, v4;
	_ =	sdelay $0x1  }
0x456: {  	v2 =	vsub.f32 v7, v2;
	v4 =	vmul.f32 v5, v5;
	v1 =	vmul.f32 v1, v1;
	_ =	sdelay $0x1  }
0x457: {  	v1 =	vadd.f32 v1, v4;
	v2 =	vmul.f32 v2, v2;
	_ =	sdelay $0x1  }
0x458: {  	v1 =	vadd.f32 v2, v1;
	_ =	sdelay $0x1  }
0x459: {  	v1 =	vadd.f32 $9.999999960e-13, v1;
	_ =	sdelay $0x1  }
0x45a: {  	v2 =	vshrl.u32 v1, $0x1;
	v4 =	vmul.f32 $5.000000000e-01, v1  }
0x45b: {  	v2 =	vsub.s32 $0x5F3759DF, v2  }
0x45c: {  	v5 =	vmul.f32 v2, v4  }
0x45d: {  	v3 =	vor.u32 $0x3, v3  }
0x45e: {  	v5 =	vmul.f32 v2, v5;
	_ =	sdelay $0x1  }
0x45f: {  	v5 =	vsub.f32 $1.500000000e+00, v5;
	_ =	sdelay $0x1  }
0x460: {  	v6 =	vld.idx.msk [tilespmem:v3+s22+$0x0], $0xffff;
	v2 =	vmul.f32 v2, v5;
	_ =	sdelay $0x1  }
0x461: {  	v3 =	vld.idx.msk [tilespmem:v3+s23+$0x0], $0xffff;
	v5 =	vmul.f32 v2, v4;
	_ =	sdelay $0x1  }
0x462: {  	v5 =	vmul.f32 v5, v2  }
0x463: {  	v6 =	vtrunc.f32 v6  }
0x464: {  	v6 =	vcvt.f32.s32 v6;
	v5 =	vsub.f32 $1.500000000e+00, v5  }
0x465: {  	v3 =	vtrunc.f32 v3  }
0x466: {  	v3 =	vcvt.f32.s32 v3;
	v6 =	vmul.u32 $0x19, v6;
	v2 =	vmul.f32 v5, v2;
	_ =	sdelay $0x1  }
0x467: {  	v3 =	vadd.s32 v3, v6;
	v4 =	vmul.f32 v2, v4;
	_ =	sdelay $0x1  }
0x468: {  	v4 =	vmul.f32 v4, v2;
	_ =	sdelay $0x1  }
0x469: {  	v4 =	vsub.f32 $1.500000000e+00, v4  }
0x46a: {  	v5 =	vld.idx.msk [tilespmem:v3+s14+$0x0], $0xffff  }
0x46b: {  	v2 =	vmul.f32 v4, v2  }
0x46c: {  	v4 =	vld.idx.msk [tilespmem:v3+s16+$0x0], $0xffff  }
0x46d: {  	s11 =	simm.s32 $0x420;
	v1 =	vmul.f32 v2, v1  }
0x46e: {  	v2 =	vmov s11  }
0x46f: {  	v2 =	vshll.u32 v2, $0x3;
	v3 =	vsub.f32 v1, v5  }
0x470: {  	v1 =	vor.u32 v0, v2  }
0x471: {  	s10 =	simm.s32 $0x430;
	v2 =	vor.u32 $0x1, v1;
	v4 =	vmul.f32 v3, v4  }
.LBB2_18:
0x472: {  	p1 =	sne.s32 s10, $0x5F0  }
0x473: {  	v3 =	vmul.f32 v4, v3  }
0x474: {  	s9 =	sadd.s32 $0x10, s9  }
0x475: {  	v4 =	vor.u32 $0x2, v1;
	[tilespmem:s9+$0x0] =	vst v3  }
0x476: {  	v3 =	vld.idx.msk [tilespmem:v2+s23+$0x0], $0xffff  }
0x477: {  	v2 =	vld.idx.msk [tilespmem:v2+s22+$0x0], $0xffff  }
0x478: {  	v5 =	vld.idx.msk [tilespmem:v1+s23+$0x0], $0xffff  }
0x479: {  	v6 =	vld.idx.msk [tilespmem:v1+s22+$0x0], $0xffff  }
0x47a: {  	v7 =	vld.idx.msk [tilespmem:v4+s23+$0x0], $0xffff  }
0x47b: {  	v4 =	vld.idx.msk [tilespmem:v4+s22+$0x0], $0xffff;
	_ =	sdelay $0x3  }
0x47c: {  	v2 =	vsub.f32 v3, v2;
	v5 =	vsub.f32 v5, v6;
	_ =	sdelay $0x1  }
0x47d: {  	v2 =	vmul.f32 v2, v2;
	v3 =	vsub.f32 v7, v4;
	v4 =	vmul.f32 v5, v5;
	_ =	sdelay $0x1  }
0x47e: {  	v2 =	vadd.f32 v2, v4;
	v3 =	vmul.f32 v3, v3;
	_ =	sdelay $0x1  }
0x47f: {  	v2 =	vadd.f32 v3, v2;
	_ =	sdelay $0x1  }
0x480: {  	v2 =	vadd.f32 $9.999999960e-13, v2;
	_ =	sdelay $0x1  }
0x481: {  	v3 =	vshrl.u32 v2, $0x1;
	v4 =	vmul.f32 $5.000000000e-01, v2  }
0x482: {  	v1 =	vor.u32 $0x3, v1;
	v3 =	vsub.s32 $0x5F3759DF, v3  }
0x483: {  	v5 =	vmul.f32 v3, v4;
	_ =	sdelay $0x1  }
0x484: {  	v5 =	vmul.f32 v3, v5;
	_ =	sdelay $0x1  }
0x485: {  	v5 =	vsub.f32 $1.500000000e+00, v5;
	v6 =	vld.idx.msk [tilespmem:v1+s22+$0x0], $0xffff;
	_ =	sdelay $0x1  }
0x486: {  	v3 =	vmul.f32 v3, v5;
	v1 =	vld.idx.msk [tilespmem:v1+s23+$0x0], $0xffff;
	_ =	sdelay $0x1  }
0x487: {  	v5 =	vmul.f32 v3, v4;
	_ =	sdelay $0x1  }
0x488: {  	v5 =	vmul.f32 v5, v3;
	v6 =	vtrunc.f32 v6  }
0x489: {  	v6 =	vcvt.f32.s32 v6  }
0x48a: {  	v5 =	vsub.f32 $1.500000000e+00, v5;
	v1 =	vtrunc.f32 v1  }
0x48b: {  	v1 =	vcvt.f32.s32 v1;
	v6 =	vmul.u32 $0x19, v6  }
0x48c: {  	v3 =	vmul.f32 v5, v3  }
0x48d: {  	v1 =	vadd.s32 v1, v6  }
0x48e: {  	v4 =	vmul.f32 v3, v4;
	_ =	sdelay $0x1  }
0x48f: {  	v4 =	vmul.f32 v4, v3;
	_ =	sdelay $0x1  }
0x490: {  	v4 =	vsub.f32 $1.500000000e+00, v4;
	v5 =	vld.idx.msk [tilespmem:v1+s14+$0x0], $0xffff;
	_ =	sdelay $0x1  }
0x491: {  	v3 =	vmul.f32 v4, v3;
	v4 =	vld.idx.msk [tilespmem:v1+s16+$0x0], $0xffff;
	_ =	sdelay $0x1  }
.Ltmp13:
0x492: {  	v1 =	vmul.f32 v3, v2;
	(pc) =	sbr.rel @p1 .LBB2_18-.Ltmp13, $4  }
0x493: {  	v2 =	vmov s10  }
0x494: {  	v2 =	vshll.u32 v2, $0x3;
	v3 =	vsub.f32 v1, v5  }
0x495: {  	v1 =	vor.u32 v0, v2  }
0x496: {  	s10 =	sadd.s32 $0x10, s10;
	v2 =	vor.u32 $0x1, v1;
	v4 =	vmul.f32 v3, v4  }
0x497: {  	_ = 	snop  }
0x498: {  	v3 =	vmul.f32 v4, v3  }
0x499: {  	s9 =	sadd.s32 $0x10, s9  }
0x49a: {  	v4 =	vor.u32 $0x2, v1;
	[tilespmem:s9+$0x0] =	vst v3  }
0x49b: {  	v3 =	vld.idx.msk [tilespmem:v2+s23+$0x0], $0xffff  }
0x49c: {  	v2 =	vld.idx.msk [tilespmem:v2+s22+$0x0], $0xffff  }
0x49d: {  	v5 =	vld.idx.msk [tilespmem:v1+s23+$0x0], $0xffff  }
0x49e: {  	v6 =	vld.idx.msk [tilespmem:v1+s22+$0x0], $0xffff  }
0x49f: {  	v7 =	vld.idx.msk [tilespmem:v4+s23+$0x0], $0xffff  }
0x4a0: {  	v4 =	vld.idx.msk [tilespmem:v4+s22+$0x0], $0xffff;
	_ =	sdelay $0x2  }
0x4a1: {  	v5 =	vsub.f32 v5, v6;
	v2 =	vsub.f32 v3, v2;
	_ =	sdelay $0x1  }
0x4a2: {  	v3 =	vsub.f32 v7, v4;
	v4 =	vmul.f32 v5, v5;
	v2 =	vmul.f32 v2, v2;
	_ =	sdelay $0x1  }
0x4a3: {  	v2 =	vadd.f32 v2, v4;
	v3 =	vmul.f32 v3, v3;
	_ =	sdelay $0x1  }
0x4a4: {  	v2 =	vadd.f32 v3, v2;
	_ =	sdelay $0x1  }
0x4a5: {  	v2 =	vadd.f32 $9.999999960e-13, v2;
	_ =	sdelay $0x1  }
0x4a6: {  	v3 =	vshrl.u32 v2, $0x1;
	v4 =	vmul.f32 $5.000000000e-01, v2  }
0x4a7: {  	v3 =	vsub.s32 $0x5F3759DF, v3  }
0x4a8: {  	v5 =	vmul.f32 v3, v4  }
0x4a9: {  	v1 =	vor.u32 $0x3, v1  }
0x4aa: {  	v5 =	vmul.f32 v3, v5;
	_ =	sdelay $0x1  }
0x4ab: {  	v5 =	vsub.f32 $1.500000000e+00, v5;
	_ =	sdelay $0x1  }
0x4ac: {  	v6 =	vld.idx.msk [tilespmem:v1+s22+$0x0], $0xffff;
	v3 =	vmul.f32 v3, v5;
	_ =	sdelay $0x1  }
0x4ad: {  	v1 =	vld.idx.msk [tilespmem:v1+s23+$0x0], $0xffff;
	v5 =	vmul.f32 v3, v4;
	_ =	sdelay $0x1  }
0x4ae: {  	v5 =	vmul.f32 v5, v3  }
0x4af: {  	v6 =	vtrunc.f32 v6  }
0x4b0: {  	v6 =	vcvt.f32.s32 v6;
	v5 =	vsub.f32 $1.500000000e+00, v5  }
0x4b1: {  	v1 =	vtrunc.f32 v1  }
0x4b2: {  	v1 =	vcvt.f32.s32 v1;
	v6 =	vmul.u32 $0x19, v6;
	v3 =	vmul.f32 v5, v3;
	_ =	sdelay $0x1  }
0x4b3: {  	v1 =	vadd.s32 v1, v6;
	v4 =	vmul.f32 v3, v4;
	_ =	sdelay $0x1  }
0x4b4: {  	v4 =	vmul.f32 v4, v3;
	_ =	sdelay $0x1  }
0x4b5: {  	v4 =	vsub.f32 $1.500000000e+00, v4  }
0x4b6: {  	v5 =	vld.idx.msk [tilespmem:v1+s14+$0x0], $0xffff  }
0x4b7: {  	v3 =	vmul.f32 v4, v3  }
0x4b8: {  	v1 =	vld.idx.msk [tilespmem:v1+s16+$0x0], $0xffff  }
0x4b9: {  	v2 =	vmul.f32 v3, v2;
	_ =	sdelay $0x1  }
0x4ba: {  	v2 =	vsub.f32 v2, v5;
	_ =	sdelay $0x1  }
0x4bb: {  	v1 =	vmul.f32 v2, v1;
	_ =	sdelay $0x1  }
0x4bc: {  	v1 =	vmul.f32 v1, v2  }
0x4bd: {  	s9 =	sadd.s32 $0x10, s9  }
0x4be: {  	s10 =	simm.s32 @!p0 $0x400;
	s11 =	simm.s32 @!p0 $0x4000;
	[tilespmem:s9+$0x0] =	vst v1;
	s9 =	simm.s32 @!p0 $0x200  }
0x4bf: {  	[tilespmem:s11], [sflag:$0x5] =	stream.indirect.gather @!p0 [hbm4b:s4+s9], $0x8, s10, s9, $0xb8;
	[tilespmem:$0xB500] =	vst v63  }
0x4c0: {  	s10 =	simm.s32 $0x600  }
0x4c1: {  	s11 =	simm.s32 @!p0 $0x1400;
	v1 =	vmov s10;
	s10 =	simm.s32 @!p0 $0x8000  }
0x4c2: {  	[tilespmem:s10], [sflag:$0x5] =	stream.indirect.gather @!p0 [hbm4b:s4+s9], $0x8, s11, s9, $0xb8;
	v1 =	vshll.u32 v1, $0x3;
	[tilespmem:$0xB500] =	vst v63  }
0x4c3: {  	_ =	swait.ge [sflag:s28], $0x1000;
	v1 =	vor.u32 v0, v1  }
0x4c4: {  	[sflag:s28] =	ssyncset.done $0x0;
	v2 =	vor.u32 $0x1, v1  }
0x4c5: {  	[sflag:s28] =	ssyncadd.s32 $0xFFFFF000  }
0x4c6: {  	_ =	swait.ge [sflag:s28], $0x1000  }
0x4c7: {  	[sflag:s28] =	ssyncset.done $0x0  }
0x4c8: {  	v3 =	vor.u32 $0x2, v1;
	[sflag:s28] =	ssyncadd.s32 $0xFFFFF000  }
0x4c9: {  	v4 =	vld.idx.msk [tilespmem:v2+s23+$0x0], $0xffff  }
0x4ca: {  	v2 =	vld.idx.msk [tilespmem:v2+s22+$0x0], $0xffff  }
0x4cb: {  	v5 =	vld.idx.msk [tilespmem:v1+s23+$0x0], $0xffff  }
0x4cc: {  	v6 =	vld.idx.msk [tilespmem:v1+s22+$0x0], $0xffff  }
0x4cd: {  	v7 =	vld.idx.msk [tilespmem:v3+s23+$0x0], $0xffff  }
0x4ce: {  	v3 =	vld.idx.msk [tilespmem:v3+s22+$0x0], $0xffff;
	_ =	sdelay $0x2  }
0x4cf: {  	v5 =	vsub.f32 v5, v6;
	v2 =	vsub.f32 v4, v2;
	_ =	sdelay $0x1  }
0x4d0: {  	v3 =	vsub.f32 v7, v3;
	v4 =	vmul.f32 v5, v5;
	v2 =	vmul.f32 v2, v2;
	_ =	sdelay $0x1  }
0x4d1: {  	v3 =	vmul.f32 v3, v3;
	v2 =	vadd.f32 v2, v4;
	_ =	sdelay $0x1  }
0x4d2: {  	v2 =	vadd.f32 v3, v2;
	_ =	sdelay $0x1  }
0x4d3: {  	v2 =	vadd.f32 $9.999999960e-13, v2;
	_ =	sdelay $0x1  }
0x4d4: {  	v3 =	vshrl.u32 v2, $0x1;
	v4 =	vmul.f32 $5.000000000e-01, v2  }
0x4d5: {  	v3 =	vsub.s32 $0x5F3759DF, v3  }
0x4d6: {  	v5 =	vmul.f32 v3, v4  }
0x4d7: {  	v1 =	vor.u32 $0x3, v1  }
0x4d8: {  	v5 =	vmul.f32 v3, v5;
	_ =	sdelay $0x1  }
0x4d9: {  	v5 =	vsub.f32 $1.500000000e+00, v5;
	_ =	sdelay $0x1  }
0x4da: {  	v6 =	vld.idx.msk [tilespmem:v1+s22+$0x0], $0xffff;
	v3 =	vmul.f32 v3, v5;
	_ =	sdelay $0x1  }
0x4db: {  	v1 =	vld.idx.msk [tilespmem:v1+s23+$0x0], $0xffff;
	v5 =	vmul.f32 v3, v4;
	_ =	sdelay $0x1  }
0x4dc: {  	v5 =	vmul.f32 v5, v3  }
0x4dd: {  	v6 =	vtrunc.f32 v6  }
0x4de: {  	v6 =	vcvt.f32.s32 v6;
	v5 =	vsub.f32 $1.500000000e+00, v5  }
0x4df: {  	v1 =	vtrunc.f32 v1  }
0x4e0: {  	v1 =	vcvt.f32.s32 v1;
	v6 =	vmul.u32 $0x19, v6;
	v3 =	vmul.f32 v5, v3;
	_ =	sdelay $0x1  }
0x4e1: {  	v1 =	vadd.s32 v1, v6;
	v4 =	vmul.f32 v3, v4;
	_ =	sdelay $0x1  }
0x4e2: {  	v4 =	vmul.f32 v4, v3;
	_ =	sdelay $0x1  }
0x4e3: {  	v4 =	vsub.f32 $1.500000000e+00, v4  }
0x4e4: {  	v5 =	vld.idx.msk [tilespmem:v1+s14+$0x0], $0xffff  }
0x4e5: {  	v3 =	vmul.f32 v4, v3  }
0x4e6: {  	v1 =	vld.idx.msk [tilespmem:v1+s16+$0x0], $0xffff  }
0x4e7: {  	s10 =	simm.s32 $0x610;
	v2 =	vmul.f32 v3, v2  }
0x4e8: {  	v3 =	vmov s10  }
0x4e9: {  	v3 =	vshll.u32 v3, $0x3;
	v2 =	vsub.f32 v2, v5  }
0x4ea: {  	v3 =	vor.u32 v0, v3  }
0x4eb: {  	v4 =	vor.u32 $0x1, v3;
	v1 =	vmul.f32 v2, v1;
	_ =	sdelay $0x1  }
0x4ec: {  	v1 =	vmul.f32 v1, v2  }
0x4ed: {  	s9 =	simm.s32 $0xAE00  }
0x4ee: {  	v2 =	vor.u32 $0x2, v3;
	[tilespmem:s9+$0x0] =	vst v1  }
0x4ef: {  	v1 =	vld.idx.msk [tilespmem:v4+s23+$0x0], $0xffff  }
0x4f0: {  	v4 =	vld.idx.msk [tilespmem:v4+s22+$0x0], $0xffff  }
0x4f1: {  	v5 =	vld.idx.msk [tilespmem:v3+s23+$0x0], $0xffff  }
0x4f2: {  	v6 =	vld.idx.msk [tilespmem:v3+s22+$0x0], $0xffff  }
0x4f3: {  	v7 =	vld.idx.msk [tilespmem:v2+s23+$0x0], $0xffff  }
0x4f4: {  	v2 =	vld.idx.msk [tilespmem:v2+s22+$0x0], $0xffff;
	_ =	sdelay $0x2  }
0x4f5: {  	v5 =	vsub.f32 v5, v6;
	v1 =	vsub.f32 v1, v4;
	_ =	sdelay $0x1  }
0x4f6: {  	v2 =	vsub.f32 v7, v2;
	v4 =	vmul.f32 v5, v5;
	v1 =	vmul.f32 v1, v1;
	_ =	sdelay $0x1  }
0x4f7: {  	v1 =	vadd.f32 v1, v4;
	v2 =	vmul.f32 v2, v2;
	_ =	sdelay $0x1  }
0x4f8: {  	v1 =	vadd.f32 v2, v1;
	_ =	sdelay $0x1  }
0x4f9: {  	v1 =	vadd.f32 $9.999999960e-13, v1;
	_ =	sdelay $0x1  }
0x4fa: {  	v2 =	vshrl.u32 v1, $0x1;
	v4 =	vmul.f32 $5.000000000e-01, v1  }
0x4fb: {  	v2 =	vsub.s32 $0x5F3759DF, v2  }
0x4fc: {  	v5 =	vmul.f32 v2, v4  }
0x4fd: {  	v3 =	vor.u32 $0x3, v3  }
0x4fe: {  	v5 =	vmul.f32 v2, v5;
	_ =	sdelay $0x1  }
0x4ff: {  	v5 =	vsub.f32 $1.500000000e+00, v5;
	_ =	sdelay $0x1  }
0x500: {  	v6 =	vld.idx.msk [tilespmem:v3+s22+$0x0], $0xffff;
	v2 =	vmul.f32 v2, v5;
	_ =	sdelay $0x1  }
0x501: {  	v3 =	vld.idx.msk [tilespmem:v3+s23+$0x0], $0xffff;
	v5 =	vmul.f32 v2, v4;
	_ =	sdelay $0x1  }
0x502: {  	v5 =	vmul.f32 v5, v2  }
0x503: {  	v6 =	vtrunc.f32 v6  }
0x504: {  	v6 =	vcvt.f32.s32 v6;
	v5 =	vsub.f32 $1.500000000e+00, v5  }
0x505: {  	v3 =	vtrunc.f32 v3  }
0x506: {  	v3 =	vcvt.f32.s32 v3;
	v6 =	vmul.u32 $0x19, v6;
	v2 =	vmul.f32 v5, v2;
	_ =	sdelay $0x1  }
0x507: {  	v3 =	vadd.s32 v3, v6;
	v4 =	vmul.f32 v2, v4;
	_ =	sdelay $0x1  }
0x508: {  	v4 =	vmul.f32 v4, v2;
	_ =	sdelay $0x1  }
0x509: {  	v4 =	vsub.f32 $1.500000000e+00, v4  }
0x50a: {  	v5 =	vld.idx.msk [tilespmem:v3+s14+$0x0], $0xffff  }
0x50b: {  	v2 =	vmul.f32 v4, v2  }
0x50c: {  	v4 =	vld.idx.msk [tilespmem:v3+s16+$0x0], $0xffff  }
0x50d: {  	s11 =	simm.s32 $0x620;
	v1 =	vmul.f32 v2, v1  }
0x50e: {  	v2 =	vmov s11  }
0x50f: {  	v2 =	vshll.u32 v2, $0x3;
	v3 =	vsub.f32 v1, v5  }
0x510: {  	v1 =	vor.u32 v0, v2  }
0x511: {  	s10 =	simm.s32 $0x630;
	v2 =	vor.u32 $0x1, v1;
	v4 =	vmul.f32 v3, v4  }
.LBB2_20:
0x512: {  	p1 =	sne.s32 s10, $0x7F0  }
0x513: {  	v3 =	vmul.f32 v4, v3  }
0x514: {  	s9 =	sadd.s32 $0x10, s9  }
0x515: {  	v4 =	vor.u32 $0x2, v1;
	[tilespmem:s9+$0x0] =	vst v3  }
0x516: {  	v3 =	vld.idx.msk [tilespmem:v2+s23+$0x0], $0xffff  }
0x517: {  	v2 =	vld.idx.msk [tilespmem:v2+s22+$0x0], $0xffff  }
0x518: {  	v5 =	vld.idx.msk [tilespmem:v1+s23+$0x0], $0xffff  }
0x519: {  	v6 =	vld.idx.msk [tilespmem:v1+s22+$0x0], $0xffff  }
0x51a: {  	v7 =	vld.idx.msk [tilespmem:v4+s23+$0x0], $0xffff  }
0x51b: {  	v4 =	vld.idx.msk [tilespmem:v4+s22+$0x0], $0xffff;
	_ =	sdelay $0x3  }
0x51c: {  	v2 =	vsub.f32 v3, v2;
	v5 =	vsub.f32 v5, v6;
	_ =	sdelay $0x1  }
0x51d: {  	v2 =	vmul.f32 v2, v2;
	v3 =	vsub.f32 v7, v4;
	v4 =	vmul.f32 v5, v5;
	_ =	sdelay $0x1  }
0x51e: {  	v2 =	vadd.f32 v2, v4;
	v3 =	vmul.f32 v3, v3;
	_ =	sdelay $0x1  }
0x51f: {  	v2 =	vadd.f32 v3, v2;
	_ =	sdelay $0x1  }
0x520: {  	v2 =	vadd.f32 $9.999999960e-13, v2;
	_ =	sdelay $0x1  }
0x521: {  	v3 =	vshrl.u32 v2, $0x1;
	v4 =	vmul.f32 $5.000000000e-01, v2  }
0x522: {  	v1 =	vor.u32 $0x3, v1;
	v3 =	vsub.s32 $0x5F3759DF, v3  }
0x523: {  	v5 =	vmul.f32 v3, v4;
	_ =	sdelay $0x1  }
0x524: {  	v5 =	vmul.f32 v3, v5;
	_ =	sdelay $0x1  }
0x525: {  	v5 =	vsub.f32 $1.500000000e+00, v5;
	v6 =	vld.idx.msk [tilespmem:v1+s22+$0x0], $0xffff;
	_ =	sdelay $0x1  }
0x526: {  	v3 =	vmul.f32 v3, v5;
	v1 =	vld.idx.msk [tilespmem:v1+s23+$0x0], $0xffff;
	_ =	sdelay $0x1  }
0x527: {  	v5 =	vmul.f32 v3, v4;
	_ =	sdelay $0x1  }
0x528: {  	v5 =	vmul.f32 v5, v3;
	v6 =	vtrunc.f32 v6  }
0x529: {  	v6 =	vcvt.f32.s32 v6  }
0x52a: {  	v5 =	vsub.f32 $1.500000000e+00, v5;
	v1 =	vtrunc.f32 v1  }
0x52b: {  	v1 =	vcvt.f32.s32 v1;
	v6 =	vmul.u32 $0x19, v6  }
0x52c: {  	v3 =	vmul.f32 v5, v3  }
0x52d: {  	v1 =	vadd.s32 v1, v6  }
0x52e: {  	v4 =	vmul.f32 v3, v4;
	_ =	sdelay $0x1  }
0x52f: {  	v4 =	vmul.f32 v4, v3;
	_ =	sdelay $0x1  }
0x530: {  	v4 =	vsub.f32 $1.500000000e+00, v4;
	v5 =	vld.idx.msk [tilespmem:v1+s14+$0x0], $0xffff;
	_ =	sdelay $0x1  }
0x531: {  	v3 =	vmul.f32 v4, v3;
	v4 =	vld.idx.msk [tilespmem:v1+s16+$0x0], $0xffff;
	_ =	sdelay $0x1  }
.Ltmp14:
0x532: {  	v1 =	vmul.f32 v3, v2;
	(pc) =	sbr.rel @p1 .LBB2_20-.Ltmp14, $4  }
0x533: {  	v2 =	vmov s10  }
0x534: {  	v2 =	vshll.u32 v2, $0x3;
	v3 =	vsub.f32 v1, v5  }
0x535: {  	v1 =	vor.u32 v0, v2  }
0x536: {  	s10 =	sadd.s32 $0x10, s10;
	v2 =	vor.u32 $0x1, v1;
	v4 =	vmul.f32 v3, v4  }
0x537: {  	_ = 	snop  }
0x538: {  	v3 =	vmul.f32 v4, v3  }
0x539: {  	s9 =	sadd.s32 $0x10, s9  }
0x53a: {  	v58 =	vor.u32 $0x2, v1;
	[tilespmem:s9+$0x0] =	vst v3  }
0x53b: {  	v3 =	vld.idx.msk [tilespmem:v2+s23+$0x0], $0xffff  }
0x53c: {  	v2 =	vld.idx.msk [tilespmem:v2+s22+$0x0], $0xffff  }
0x53d: {  	v5 =	vld.idx.msk [tilespmem:v1+s23+$0x0], $0xffff  }
0x53e: {  	v6 =	vld.idx.msk [tilespmem:v1+s22+$0x0], $0xffff  }
0x53f: {  	v7 =	vld.idx.msk [tilespmem:v58+s23+$0x0], $0xffff  }
0x540: {  	v4 =	vld.idx.msk [tilespmem:v58+s22+$0x0], $0xffff;
	_ =	sdelay $0x2  }
0x541: {  	v5 =	vsub.f32 v5, v6;
	v2 =	vsub.f32 v3, v2;
	_ =	sdelay $0x1  }
0x542: {  	v3 =	vsub.f32 v7, v4;
	v59 =	vmul.f32 v5, v5;
	v2 =	vmul.f32 v2, v2;
	_ =	sdelay $0x1  }
0x543: {  	v3 =	vmul.f32 v3, v3;
	v2 =	vadd.f32 v2, v59;
	_ =	sdelay $0x1  }
0x544: {  	v2 =	vadd.f32 v3, v2;
	_ =	sdelay $0x1  }
0x545: {  	v2 =	vadd.f32 $9.999999960e-13, v2;
	_ =	sdelay $0x1  }
0x546: {  	v3 =	vshrl.u32 v2, $0x1;
	v60 =	vmul.f32 $5.000000000e-01, v2  }
0x547: {  	v3 =	vsub.s32 $0x5F3759DF, v3  }
0x548: {  	v61 =	vmul.f32 v3, v60  }
0x549: {  	v1 =	vor.u32 $0x3, v1  }
0x54a: {  	v5 =	vmul.f32 v3, v61;
	_ =	sdelay $0x1  }
0x54b: {  	v5 =	vsub.f32 $1.500000000e+00, v5;
	_ =	sdelay $0x1  }
0x54c: {  	v62 =	vld.idx.msk [tilespmem:v1+s22+$0x0], $0xffff;
	v3 =	vmul.f32 v3, v5;
	_ =	sdelay $0x1  }
0x54d: {  	v1 =	vld.idx.msk [tilespmem:v1+s23+$0x0], $0xffff;
	v5 =	vmul.f32 v3, v60;
	_ =	sdelay $0x1  }
0x54e: {  	v5 =	vmul.f32 v5, v3  }
0x54f: {  	v6 =	vtrunc.f32 v62  }
0x550: {  	v6 =	vcvt.f32.s32 v6;
	v5 =	vsub.f32 $1.500000000e+00, v5  }
0x551: {  	v1 =	vtrunc.f32 v1  }
0x552: {  	v1 =	vcvt.f32.s32 v1;
	v6 =	vmul.u32 $0x19, v6;
	v3 =	vmul.f32 v5, v3;
	_ =	sdelay $0x1  }
0x553: {  	v1 =	vadd.s32 v1, v6;
	v4 =	vmul.f32 v3, v60;
	_ =	sdelay $0x1  }
0x554: {  	v4 =	vmul.f32 v4, v3;
	_ =	sdelay $0x1  }
0x555: {  	v4 =	vsub.f32 $1.500000000e+00, v4  }
0x556: {  	v63 =	vld.idx.msk [tilespmem:v1+s14+$0x0], $0xffff  }
0x557: {  	v3 =	vmul.f32 v4, v3  }
0x558: {  	v1 =	vld.idx.msk [tilespmem:v1+s16+$0x0], $0xffff  }
0x559: {  	v2 =	vmul.f32 v3, v2;
	_ =	sdelay $0x1  }
0x55a: {  	v2 =	vsub.f32 v2, v63;
	_ =	sdelay $0x1  }
0x55b: {  	v1 =	vmul.f32 v2, v1;
	_ =	sdelay $0x1  }
0x55c: {  	v1 =	vmul.f32 v1, v2  }
0x55d: {  	s9 =	sadd.s32 $0x10, s9  }
0x55e: {  	s10 =	simm.s32 @!p0 $0x600;
	s11 =	simm.s32 @!p0 $0x5000;
	[tilespmem:s9+$0x0] =	vst v1;
	s9 =	simm.s32 @!p0 $0x200  }
0x55f: {  	[tilespmem:s11], [sflag:$0x6] =	stream.indirect.gather @!p0 [hbm4b:s4+s9], $0x8, s10, s9, $0xb8;
	[tilespmem:$0xB500] =	vst v63  }
0x560: {  	s7 =	sshll.u32 s7, $0x8;
	s10 =	simm.s32 @!p0 $0x1600;
	s11 =	simm.s32 @!p0 $0x9000  }
0x561: {  	[tilespmem:s11], [sflag:$0x6] =	stream.indirect.gather @!p0 [hbm4b:s4+s9], $0x8, s10, s9, $0xb8;
	[tilespmem:$0xB500] =	vst v63  }
0x562: {  	s7 =	sadd.s32 s2, s7;
	p0 =	sgt.u32 s19, $0xBD4  }
0x563: {  	[hbm4b:s7+s3] =	stream.linear.scatter [tilespmem:s30], [sflag:$0x8], $0x800, $0x38;
	[tilespmem:$0xB500] =	vst v63  }
0x564: {  	s7 =	sshll.u32 @!p0 s19, $0x8  }
0x565: {  	s7 =	sand.u32 @!p0 $0x1FFFFF00, s7  }
.Ltmp15:
0x566: {  	s7 =	sadd.s32 @!p0 s6, s7;
	(pc) =	sbr.rel .LBB2_22-.Ltmp15, $4  }
0x567: {  	s10 =	simm.s32 @!p0 $0x0;
	s11 =	simm.s32 @!p0 $0x800;
	s9 =	sadd.s32 @!p0 $0x6000, s7  }
0x568: {  	[tilespmem:s11], [sflag:$0x2] =	stream.linear.gather @!p0 [hbm4b:s9+s10], $0x800, $0x38;
	[tilespmem:$0xB500] =	vst v63  }
0x569: {  	s7 =	sadd.s32 @!p0 $0xC9500, s7;
	s9 =	simm.s32 @!p0 $0x1800  }
0x56a: {  	[tilespmem:s9], [sflag:$0x2] =	stream.linear.gather @!p0 [hbm4b:s7+s10], $0x800, $0x38;
	[tilespmem:$0xB500] =	vst v63  }
.LBB2_24:
0x56b: {  	_ =	sfence.sel $0x180000  }
0x56c: {  	[bflag:$0x0] =	sbarrier.arrive $0xFFFF  }
0x56d: {  	_ =	strace $0x9000004A  }
0x56e: {  	s0 =	stileid.u32;
	[bflag:$0x2] =	sbarrier.arrive $0xFFFF  }
0x56f: {  	p0 =	sne.s32 s0, $0x0;
	s0 =	rddreg [dreg:$0x2]  }
0x570: {  	s0 =	sadd.s32 @!p0 $0x100000, s0  }
0x571: {  	[sflag:s0] =	ssyncadd.tile.s32 @!p0 $0x1;
	_ =	shalt  }
.Lfunc_end2:
_tile_overlayer_lowered:
.L_overlay_start_2:
0x572: {  	(tag) =	ssettag $0x2  }
0x573: {  	s0 =	rddreg [dreg:$0x0];
	s2 =	stileid.u32  }
0x574: {  	s1 =	rddreg [dreg:$0x1];
	p0 =	sne.s32 s2, $0x0  }
0x575: {  	s3 =	rddreg [dreg:$0x2];
	[bflag:$0x3] =	sbarrier.arrive $0xFFFF;
	s2 =	simm.s32 @!p0 $0x1C09  }
0x576: {  	[timem:s3], [sflag:s2] =	dma.local @!p0 [hbm:s0], s1  }
0x577: {  	s0 =	simm.s32 @!p0 $0x9  }
0x578: {  	_ =	swait.ge @!p0 [sflag:s0], s1  }
0x579: {  	s1 =	ssub.s32 @!p0 $0x0, s1;
	[sflag:s0] =	ssyncset.done @!p0 $0x0  }
0x57a: {  	[sflag:s0] =	ssyncadd.s32 @!p0 s1  }
0x57b: {  	[bflag:$0x3] =	sbarrier.arrive $0xFFFF  }
0x57c: {  	_ =	shalt  }

// kernel: sparse-core-data-format-call.cloned.1.call-start
scs
called_computation_lowered:
.L_overlay_start_0:
0x0: {  	s2 =	sld [smem:$0x3FD9]  }
0x1: {  	s3 =	sld [smem:$0x3FFE];
	_ =	sdelay $0x1  }
0x2: {  	s1 =	srdreg.scid  }
0x3: {  	s0 =	sand.u32 $0x1, s1  }
0x4: {  	s18 =	sshll.u32 s0, $0xA;
	s2 =	sadd.s32 s3, s2  }
0x5: {  	s2 =	sadd.s32 s2, s18  }
0x6: {  	[smem:$0x3FC3] =	sst s2  }
0x7: {  	_ = 	snop  }
0x8: {  	s2 =	sld [smem:$0x3FC8];
	(tm) =	ssettm $0x1  }
0x9: {  	s19 =	sld [smem:$0x3FFB];
	_ =	sdelay $0x3  }
0xa: {  	_ =	strace s19  }
0xb: {  	s3 =	sld [smem:$0x3FFC];
	_ =	sdelay $0x3  }
0xc: {  	_ =	strace s3  }
0xd: {  	s3 =	sld [smem:$0x3FFD];
	_ =	sdelay $0x3  }
0xe: {  	_ =	strace s3  }
0xf: {  	_ =	strace $0x8FFFFFFF  }
0x10: {  	s20 =	sld [smem:$0x3FDB];
	_ =	sdelay $0x1  }
0x11: {  	s4 =	simm.s32 $_scs_section_size  }
0x12: {  	s5 =	simm.s32 $_size__tile_overlayer_lowered;
	s6 =	simm.s32 $_tile_overlayer_lowered  }
0x13: {  	s23 =	simm.s32 $0x1BFF;
	s22 =	sshll.u32 s6, $0x1;
	s3 =	sadd.s32 s4, s20  }
0x14: {  	s7 =	simm.s32 $0x0;
	s21 =	sshll.u32 s5, $0x1;
	s5 =	sadd.s32 s22, s3  }
0x15: {  	[timem:s7], [sflag:s23] =	dma.local [hbm:s5], s21  }
0x16: {  	_ =	swait.ge [sflag:s23], s21  }
0x17: {  	s4 =	ssub.s32 $0x0, s21;
	[sflag:s23] =	ssyncset.done $0x0  }
0x18: {  	[sflag:s23] =	ssyncadd.s32 s4;
	_ =	sdelay $0x1  }
0x19: {  	s24 =	simm.s32 $0x1B8B  }
0x1a: {  	_ =	swait.ge [sflag:s24], $0x1  }
0x1b: {  	[sflag:s24] =	ssyncset.done $0x0  }
0x1c: {  	s26 =	simm.s32 $0x1B8E;
	s25 =	sld [smem:$0x3FFE];
	[sflag:s24] =	ssyncadd.s32 $0xFFFFFFFF  }
0x1d: {  	s27 =	simm.s32 $execute0_lowered;
	[smem:$0x3FD2] =	sst s26  }
0x1e: {  	s5 =	sshll.u32 s27, $0x1;
	_ =	strace $0x80000046;
	[dreg:$0x1] =	wrdreg $0xFFFFFFFF  }
0x1f: {  	s28 =	simm.s32 $_size_execute0_lowered;
	s3 =	sadd.s32 s3, s5;
	[dreg:$0x0] =	wrdreg $0x0  }
0x20: {  	s5 =	sshll.u32 s28, $0x1;
	[dreg:$0x2] =	wrdreg s3  }
0x21: {  	[dreg:$0x3] =	wrdreg s5  }
0x22: {  	[dreg:$0x4] =	wrdreg $0xC0  }
0x23: {  	_ =	task [dreg:s7], $0x5FFFF  }
0x24: {  	[dreg:$0x1] =	wrdreg $0xFFFFFFFF  }
0x25: {  	[dreg:$0x0] =	wrdreg $0x60  }
0x26: {  	[dreg:$0x2] =	wrdreg s2  }
0x27: {  	[dreg:$0x3] =	wrdreg s25  }
0x28: {  	[dreg:$0x4] =	wrdreg $0x9  }
0x29: {  	_ =	task.clear_ibuf [dreg:s7], $0x5FFFF;
	_ =	strace $0x90000046  }
0x2a: {  	s29 =	simm.s32 $0x9;
	_ =	strace $0x80000048  }
0x2b: {  	_ =	swait.ge [sflag:s29], $0x1  }
0x2c: {  	[sflag:s29] =	ssyncadd.s32 $0xFFFFFFFF  }
0x2d: {  	_ =	strace $0x90000048  }
0x2e: {  	_ =	sfence  }
0x2f: {  	s30 =	sld [smem:$0x0];
	_ =	sdelay $0x2  }
0x30: {  	s31 =	sshll.u32 s1, $0xD;
	s1 =	sshrl.u32 s1, $0x2  }
0x31: {  	s3 =	sand.u32 $0x4000, s31;
	s1 =	sadd.s32 s1, s30  }
0x32: {  	s0 =	sor.u32 s3, s0;
	s1 =	sshll.u32 s1, $0x11  }
0x33: {  	s0 =	sor.u32 s1, s0  }
0x34: {  	s0 =	sadd.s32 $0x8F2B, s0  }
0x35: {  	[sflag:s0] =	ssyncadd.remote.s32 $0x1  }
0x36: {  	_ =	sfence.sel $0xFFFF  }
0x37: {  	[dreg:$0x0] =	wrdreg $0xFFFFFFFF;
	(pc) =	sbr.abs _section_cstart, $3  }
0x38: {  	[dreg:$0x1] =	wrdreg $0xFFFFFFFF  }
0x39: {  	_ =	task.clear_ibuf [dreg:s7], $0x2FFFF;
	_ =	strace $0x9FFFFFFF  }
0x3a: {  	(tm) =	ssettm $0x7FFFFFFF  }
0x3b: {  	_ =	shalt  }
tec
execute0_lowered:
.L_overlay_start_1:
0x0: {  	(tag) =	ssettag $0x1  }
0x1: {  	s0 =	stileid.u32;
	s7 =	rddreg [dreg:$0x0]  }
0x2: {  	s1 =	srdreg.scid;
	s4 =	rddreg [dreg:$0x1]  }
0x3: {  	s30 =	simm.s32 $0x2;
	s10 =	simm.s32 $0x0;
	s14 =	simm.s32 $0x0  }
0x4: {  	s15 =	simm.s32 $0x0;
	s11 =	simm.s32 $0x0;
	s13 =	simm.s32 $0x0  }
0x5: {  	s2 =	sand.u32 $0x1, s1;
	s3 =	sshll.u32 s0, $0x7;
	s1 =	rddreg [dreg:$0x2]  }
0x6: {  	_ =	strace $0x80000047;
	s5 =	ssub.s32 $0xC300, s3;
	s6 =	ssub.s32 $0x2, s2  }
.Ltmp0:
0x7: {  	s5 =	sshrl.u32 s5, $0xB;
	s8 =	sshrl.u32 s6, $0x1;
	(pc) =	sbr.rel .LBB1_1-.Ltmp0, $4  }
0x8: {  	s4 =	sadd.s32 $0x1000, s4;
	s9 =	sadd.s32 $0x1, s5;
	s6 =	ssub.s32 s6, s8  }
0x9: {  	s31 =	sshll.u32 s2, $0x4;
	s5 =	simm.s32 $0x1;
	s6 =	smul.u32 s9, s6  }
0xa: {  	s12 =	smov.u32 s3;
	s7 =	sadd.s32 s7, s31;
	[sflag:s5] =	ssyncpa.u1 $0x0  }
0xb: {  	s9 =	simm.s32 $0x0;
	[sflag:s30] =	ssyncpa.u1 $0x0;
	s8 =	sadd.s32 $0x1, s6  }
.LBB1_4:
0xc: {  	s21 =	simm.s32 $0x0  }
.LBB1_8:
0xd: {  	_ =	sdelay $0x3  }
0xe: {  	v6 =	vld [tilespmem:s18+$0xFFFFFFC0];
	[tilespmem:v0+s20+$0x30 ss:$0x1] =	vst.idx.msk @p0 $0xffff, v2  }
0xf: {  	v58 =	vld [tilespmem:s18+$0xFFFFFFD0];
	[tilespmem:v0+s20+$0x40 ss:$0x1] =	vst.idx.msk @p0 $0xffff, v3;
	s21 =	sadd.s32 @p0 $0x80, s21  }
0x10: {  	v59 =	vld [tilespmem:s18+$0xFFFFFFE0];
	[tilespmem:v0+s20+$0x50 ss:$0x1] =	vst.idx.msk @p0 $0xffff, v5;
	s19 =	smov.u32 @p0 s21  }
0x11: {  	v60 =	vld [tilespmem:s18+$0xFFFFFFF0];
	[tilespmem:v0+s20+$0x60 ss:$0x1] =	vst.idx.msk @p0 $0xffff, v4;
	s19 =	sand.u32 $0x3F80, s19  }
0x12: {  	v61 =	vld [tilespmem:s18+$0x0];
	[tilespmem:v0+s19+$0x70 ss:$0x1] =	vst.idx.msk $0xffff, v1  }
0x13: {  	v62 =	vld [tilespmem:s18+$0x10];
	[tilespmem:v0+s19+$0x0 ss:$0x1] =	vst.idx.msk $0xffff, v6  }
0x14: {  	v63 =	vld [tilespmem:s18+$0x20];
	[tilespmem:v0+s19+$0x10 ss:$0x1] =	vst.idx.msk $0xffff, v58  }
0x15: {  	[tilespmem:v0+s19+$0x20 ss:$0x1] =	vst.idx.msk $0xffff, v59  }
0x16: {  	[tilespmem:v0+s19+$0x30 ss:$0x1] =	vst.idx.msk $0xffff, v60  }
0x17: {  	[tilespmem:v0+s19+$0x40 ss:$0x1] =	vst.idx.msk $0xffff, v61  }
0x18: {  	[tilespmem:v0+s19+$0x50 ss:$0x1] =	vst.idx.msk $0xffff, v62  }
0x19: {  	[tilespmem:v0+s19+$0x60 ss:$0x1] =	vst.idx.msk $0xffff, v63  }
.LBB1_9:
0x1a: {  	s18 =	sand.u32 $0x1FFFFFF, s11  }
0x1b: {  	s19 =	smulhi.u32 $0x14F8B59, s18;
	_ =	sdelay $0x1  }
0x1c: {  	s19 =	sshrl.u32 s19, $0x8  }
0x1d: {  	s19 =	smul.u32 $0xC350, s19  }
0x1e: {  	s15 =	smul.u32 $0xC3500, s15  }
0x1f: {  	s18 =	ssub.s32 s18, s19  }
0x20: {  	s15 =	sadd.s32 s4, s15;
	s18 =	sshll.u32 s18, $0x4  }
0x21: {  	s15 =	sadd.s32 s18, s15  }
0x22: {  	[hbm4b:s15+s9] =	stream.linear.scatter [tilespmem:s17], [sflag:$0x2], s16, $0x38;
	[tilespmem:$0x10000] =	vst v63  }
.LBB1_10:
0x23: {  	p0 =	slt.u32 s13, $0x2  }
0x24: {  	p1 =	sgt.s32 @!p0 s14, $0xC2D0  }
0x25: {  	s15 =	smov.u32 s14;
	s16 =	sshra.s32 @!p0 s14, $0x1F;
	p1 =	por !p1, p0  }
0x26: {  	s14 =	sand.u32 @!p0 s16, s14;
	s15 =	simm.s32 @p1 $0xC2D0  }
0x27: {  	s14 =	ssub.s32 @!p0 s15, s14  }
0x28: {  	s14 =	sadd.s32 @!p0 $0xFFFF3D30, s14  }
0x29: {  	s15 =	sshll.u32 @!p0 s14, $0x7  }
0x2a: {  	p1 =	sgt.s32 @!p0 s14, $0x7F;
	s14 =	ssub.s32 @!p0 $0x4000, s15  }
0x2b: {  	s16 =	sadd.s32 $0x800, s12;
	p1 =	por !p1, p0;
	s14 =	sand.u32 @!p0 $0x3FFFFF80, s14  }
0x2c: {  	s14 =	simm.s32 @!p1 $0x0;
	p1 =	sgt.s32 s16, $0xC34F  }
0x2d: {  	s16 =	smov.u32 @p1 s3;
	p1 =	sne.s32 s13, s8  }
.Ltmp1:
0x2e: {  	_ = 	snop;
	(pc) =	sbr.rel @!p1 .LBB1_11-.Ltmp1, $4  }
0x2f: {  	s10 =	sadd.s32 $0x4000, s10;
	s15 =	simm.s32 @!p0 $0x2  }
0x30: {  	_ =	swait.ge @!p0 [sflag:s15], s14;
	s17 =	ssub.s32 @!p0 $0x0, s14;
	s14 =	smov.u32 s11  }
0x31: {  	s13 =	sadd.s32 $0x1, s13;
	s11 =	smov.u32 s12;
	[sflag:s15] =	ssyncset.done @!p0 $0x0  }
0x32: {  	s12 =	smov.u32 s16;
	[sflag:s15] =	ssyncadd.s32 @!p0 s17;
	s15 =	smov.u32 s2  }
.LBB1_1:
0x33: {  	p0 =	sge.u32 s13, s6  }
0x34: {  	p1 =	sgt.s32 @!p0 s12, $0xC2D0  }
0x35: {  	s16 =	smov.u32 s12;
	s17 =	sshra.s32 @!p0 s12, $0x1F;
	p1 =	por !p1, p0  }
0x36: {  	s17 =	sand.u32 @!p0 s17, s12;
	s16 =	simm.s32 @p1 $0xC2D0  }
0x37: {  	s16 =	ssub.s32 @!p0 s16, s17  }
0x38: {  	s31 =	sadd.s32 $0xFFFFFFFF, s13;
	s18 =	sxor.u32 @!p0 $0xFFFFFFFF, s13;
	s16 =	sadd.s32 @!p0 $0xFFFF3D30, s16  }
0x39: {  	s19 =	simm.s32 @!p0 $0x80;
	s20 =	simm.s32 @!p0 $0x100;
	s17 =	sshll.u32 @!p0 s16, $0x7  }
0x3a: {  	p1 =	sgt.s32 @!p0 s16, $0x7F;
	s16 =	ssub.s32 @!p0 $0x4000, s17;
	s17 =	sshll.u32 @!p0 s18, $0xE  }
0x3b: {  	p1 =	por !p1, p0;
	s18 =	sshll.u32 @!p0 s12, $0x5;
	s16 =	sand.u32 @!p0 $0x3FFFFF80, s16  }
0x3c: {  	s17 =	sand.u32 @!p0 $0x4000, s17;
	s18 =	sadd.s32 @!p0 s18, s7;
	s16 =	simm.s32 @!p1 $0x0  }
0x3d: {  	[tilespmem:s17], [sflag:$0x1] =	stream.strided.gather @!p0 [hbm4b:s18+s19], s16, s20, s19, $0x38;
	[tilespmem:$0x10000] =	vst v63  }
0x3e: {  	p0 =	sge.u32 s31, s6  }
.Ltmp2:
0x3f: {  	_ = 	snop;
	(pc) =	sbr.rel @p0 .LBB1_10-.Ltmp2, $1  }
0x40: {  	_ =	sdelay $0x3  }
0x41: {  	p0 =	sgt.s32 s11, $0xC2D0;
	s16 =	smov.u32 s11;
	s17 =	sshra.s32 s11, $0x1F  }
0x42: {  	s16 =	simm.s32 @!p0 $0xC2D0;
	s17 =	sand.u32 s17, s11  }
0x43: {  	s16 =	ssub.s32 s16, s17  }
0x44: {  	s16 =	sadd.s32 $0xFFFF3D30, s16  }
0x45: {  	s30 =	sshll.u32 s16, $0x7  }
0x46: {  	s17 =	ssub.s32 $0x4000, s30  }
0x47: {  	p0 =	sgt.s32 s16, $0x7F;
	s16 =	sand.u32 $0x3FFFFF80, s17;
	s17 =	sadd.s32 $0x80, s11  }
0x48: {  	s16 =	simm.s32 @p0 $0x0;
	p0 =	slt.s32 s17, $0xC350  }
0x49: {  	s17 =	simm.s32 @!p0 $0xC350  }
0x4a: {  	s20 =	ssub.s32 s17, s11  }
0x4b: {  	p0 =	slt.s32 s20, $0x1  }
.Ltmp3:
0x4c: {  	_ = 	snop;
	(pc) =	sbr.rel @p0 .LBB1_9-.Ltmp3, $4  }
0x4d: {  	_ = 	snop  }
0x4e: {  	s19 =	sshll.u32 s13, $0xE;
	_ =	swait.ge [sflag:s5], s16  }
0x4f: {  	s31 =	sand.u32 $0x4000, s19;
	s18 =	ssub.s32 $0x0, s16;
	[sflag:s5] =	ssyncset.done $0x0  }
0x50: {  	s17 =	sor.u32 $0x8000, s31;
	[sflag:s5] =	ssyncadd.s32 s18  }
0x51: {  	p1 =	sne.s32 s20, $0x1  }
.Ltmp4:
0x52: {  	v0 =	vmov s17;
	(pc) =	sbr.rel @!p1 .LBB1_4-.Ltmp4, $4  }
0x53: {  	_ = 	snop  }
0x54: {  	s18 =	sand.u32 $0x4000, s10  }
0x55: {  	s18 =	sor.u32 $0x40, s18  }
0x56: {  	s19 =	simm.s32 $0x0;
	s21 =	sadd.s32 $0xFFFFFFFF, s20;
	p0 =	por $0x0, $0x0;
	v1 =	vld [tilespmem:s18+$0x30]  }
0x57: {  	v4 =	vld [tilespmem:s18+$0xFFFFFFC0]  }
0x58: {  	v6 =	vld [tilespmem:s18+$0xFFFFFFD0]  }
0x59: {  	v7 =	vld [tilespmem:s18+$0xFFFFFFE0];
	p1 =	sne.s32 s21, $0x1  }
.Ltmp5:
0x5a: {  	v2 =	vld [tilespmem:s18+$0xFFFFFFF0];
	s20 =	sand.u32 $0x3F80, s19;
	(pc) =	sbr.rel @!p1 .LBB1_6-.Ltmp5, $4  }
0x5b: {  	v3 =	vld [tilespmem:s18+$0x0];
	[tilespmem:v0+s20+$0x70 ss:$0x1] =	vst.idx.msk $0xffff, v1  }
0x5c: {  	v5 =	vld [tilespmem:s18+$0x10];
	[tilespmem:v0+s20+$0x0 ss:$0x1] =	vst.idx.msk $0xffff, v4  }
0x5d: {  	v4 =	vld [tilespmem:s18+$0x20];
	[tilespmem:v0+s20+$0x10 ss:$0x1] =	vst.idx.msk $0xffff, v6;
	s18 =	sadd.s32 $0x80, s18  }
0x5e: {  	s22 =	sadd.s32 $0xFFFFFFFF, s21;
	p0 =	por $0x1, $0x1;
	s21 =	simm.s32 $0x0;
	[tilespmem:v0+s20+$0x20 ss:$0x1] =	vst.idx.msk $0xffff, v7;
	v1 =	vld [tilespmem:s18+$0x30]  }
.LBB1_7:
0x5f: {  	p1 =	sne.s32 s22, $0x1;
	v6 =	vld [tilespmem:s18+$0xFFFFFFC0];
	[tilespmem:v0+s20+$0x30 ss:$0x1] =	vst.idx.msk $0xffff, v2  }
0x60: {  	v7 =	vld [tilespmem:s18+$0xFFFFFFD0];
	[tilespmem:v0+s20+$0x40 ss:$0x1] =	vst.idx.msk $0xffff, v3  }
0x61: {  	s21 =	sadd.s32 $0x80, s21;
	v8 =	vld [tilespmem:s18+$0xFFFFFFE0];
	[tilespmem:v0+s20+$0x50 ss:$0x1] =	vst.idx.msk $0xffff, v5  }
.Ltmp6:
0x62: {  	v2 =	vld [tilespmem:s18+$0xFFFFFFF0];
	[tilespmem:v0+s20+$0x60 ss:$0x1] =	vst.idx.msk $0xffff, v4;
	s20 =	sand.u32 $0x3F80, s21;
	(pc) =	sbr.rel @p1 .LBB1_7-.Ltmp6, $4  }
0x63: {  	v3 =	vld [tilespmem:s18+$0x0];
	[tilespmem:v0+s20+$0x70 ss:$0x1] =	vst.idx.msk $0xffff, v1  }
0x64: {  	[tilespmem:v0+s20+$0x0 ss:$0x1] =	vst.idx.msk $0xffff, v6;
	v5 =	vld [tilespmem:s18+$0x10]  }
0x65: {  	[tilespmem:v0+s20+$0x10 ss:$0x1] =	vst.idx.msk $0xffff, v7;
	v4 =	vld [tilespmem:s18+$0x20];
	s18 =	sadd.s32 $0x80, s18  }
0x66: {  	s22 =	sadd.s32 $0xFFFFFFFF, s22;
	v1 =	vld [tilespmem:s18+$0x30];
	[tilespmem:v0+s20+$0x20 ss:$0x1] =	vst.idx.msk $0xffff, v8  }
.Ltmp7:
0x67: {  	_ = 	snop;
	(pc) =	sbr.rel .LBB1_8-.Ltmp7, $1  }
0x68: {  	_ =	sdelay $0x3  }
.LBB1_6:
.Ltmp8:
0x69: {  	(pc) =	sbr.rel .LBB1_8-.Ltmp8, $2  }
0x6a: {  	_ =	sdelay $0x2  }
0x6b: {  	s21 =	simm.s32 $0x0  }
.LBB1_11:
0x6c: {  	_ =	sfence.sel $0x180000  }
0x6d: {  	s2 =	simm.s32 $0x1;
	[bflag:$0x0] =	sbarrier.arrive $0xFFFF  }
0x6e: {  	s31 =	simm.s32 $0x2;
	[sflag:s2] =	ssyncpa.u1 $0x1  }
0x6f: {  	[sflag:s31] =	ssyncpa.u1 $0x1  }
0x70: {  	p0 =	sne.s32 s0, $0x0;
	_ =	strace $0x90000047  }
0x71: {  	s0 =	sadd.s32 @!p0 $0x100000, s1;
	[bflag:$0x2] =	sbarrier.arrive $0xFFFF  }
0x72: {  	[sflag:s0] =	ssyncadd.tile.s32 @!p0 $0x1;
	_ =	shalt  }
.Lfunc_end1:
_tile_overlayer_lowered:
.L_overlay_start_2:
0x73: {  	(tag) =	ssettag $0x2  }
0x74: {  	s0 =	rddreg [dreg:$0x0];
	s2 =	stileid.u32  }
0x75: {  	s1 =	rddreg [dreg:$0x1];
	p0 =	sne.s32 s2, $0x0  }
0x76: {  	s3 =	rddreg [dreg:$0x2];
	[bflag:$0x3] =	sbarrier.arrive $0xFFFF;
	s2 =	simm.s32 @!p0 $0x1C01  }
0x77: {  	[timem:s3], [sflag:s2] =	dma.local @!p0 [hbm:s0], s1  }
0x78: {  	s0 =	simm.s32 @!p0 $0x1  }
0x79: {  	_ =	swait.ge @!p0 [sflag:s0], s1  }
0x7a: {  	s1 =	ssub.s32 @!p0 $0x0, s1;
	[sflag:s0] =	ssyncset.done @!p0 $0x0  }
0x7b: {  	[sflag:s0] =	ssyncadd.s32 @!p0 s1  }
0x7c: {  	[bflag:$0x3] =	sbarrier.arrive $0xFFFF  }
0x7d: {  	_ =	shalt  }

</sc_bundles>
